<compile_context>
chip_gen: v7x
topology: tpu7x:2x2x1
jax: 0.10.2.dev20260603
libtpu: 0.0.44.dev20260713+nightly
codegen_flags: <defaults>
</compile_context>

<pallas_src>
import functools

import jax
import jax.numpy as jnp
from jax import lax
from jax.experimental import pallas as pl
from jax.experimental.pallas import tpu as pltpu
from jax.experimental.pallas import tpu_sc as plsc

N = 10000
E = 320000
D = 128
CHUNK = 128
NC = 2
NS = 16
NW = NC * NS
EPB = 80
NCHUNKS_P = NW * EPB
EPAD = NCHUNKS_P * CHUNK - E
NREAL_CHUNKS = E // CHUNK
PADROWS = 64
NACC = N + PADROWS


@functools.cache
def _make_deg_kernel():
    mesh = plsc.VectorSubcoreMesh(core_axis_name="c", subcore_axis_name="s")
    return functools.partial(
        pl.kernel,
        mesh=mesh,
        out_type=jax.ShapeDtypeStruct((2 * N,), jnp.float32),
        scratch_types=[
            pltpu.VMEM((EPB, CHUNK), jnp.int32),
            pltpu.VMEM((CHUNK,), jnp.float32),
            pltpu.VMEM((N,), jnp.float32),
            pltpu.VMEM_SHARED((N,), jnp.float32),
        ],
    )(_deg_body)


def _deg_body(dst_hbm, out_hbm, idx_d, ones_v, bounce_v, acc):
    c = lax.axis_index("c")
    s = lax.axis_index("s")
    wid = s * NC + c

    for k in range(CHUNK // 16):
        ones_v[pl.ds(k * 16, 16)] = jnp.ones((16,), jnp.float32)

    pltpu.sync_copy(dst_hbm.at[pl.ds(wid * EPB, EPB)], idx_d)

    @pl.when(s == 0)
    def _():
        def zf(k, carry):
            for u in range(8):
                bounce_v[pl.ds(k * 128 + u * 16, 16)] = jnp.zeros(
                    (16,), jnp.float32)
            return carry

        lax.fori_loop(0, N // 128, zf, 0)
        bounce_v[pl.ds(N - N % 128, 16)] = jnp.zeros((16,), jnp.float32)
        pltpu.sync_copy(bounce_v, acc)

    plsc.subcore_barrier()

    nreal = jnp.clip(NREAL_CHUNKS - wid * EPB, 0, EPB)

    def fire(j, carry):
        pltpu.sync_copy(ones_v, acc.at[idx_d.at[j]], add=True)
        return carry

    lax.fori_loop(0, nreal, fire, 0)

    plsc.subcore_barrier()

    @pl.when(s == 0)
    def _():
        pltpu.sync_copy(acc, bounce_v)
        pltpu.sync_copy(bounce_v, out_hbm.at[pl.ds(c * N, N)])


@functools.cache
def _make_gs_kernel():
    mesh = plsc.VectorSubcoreMesh(core_axis_name="c", subcore_axis_name="s")
    return functools.partial(
        pl.kernel,
        mesh=mesh,
        out_type=jax.ShapeDtypeStruct((2 * N, D), jnp.float32),
        scratch_types=[
            pltpu.VMEM((CHUNK,), jnp.int32),
            pltpu.VMEM((CHUNK,), jnp.int32),
            pltpu.VMEM((EPB, CHUNK), jnp.int32),
            pltpu.VMEM((CHUNK, D), jnp.float32),
            pltpu.VMEM((CHUNK, D), jnp.float32),
            pltpu.VMEM_SHARED((NACC, D), jnp.float32),
            pltpu.SemaphoreType.DMA,
            pltpu.SemaphoreType.DMA,
            pltpu.SemaphoreType.DMA,
        ],
    )(_gs_body)


def _gs_body(src_hbm, dst_hbm, table_hbm, out_hbm,
             sidx0, sidx1, idx_d, rows0, rows1, acc, gsem, is0, is1):
    c = lax.axis_index("c")
    s = lax.axis_index("s")
    wid = s * NC + c

    def zrow(r, carry):
        for k in range(D // 16):
            rows0[r, pl.ds(k * 16, 16)] = jnp.zeros((16,), jnp.float32)
        return carry

    lax.fori_loop(0, CHUNK, zrow, 0)

    @pl.when(s < NS - 1)
    def _():
        for k in range(5):
            pltpu.sync_copy(rows0, acc.at[pl.ds(s * 640 + k * 128, 128)])

    @pl.when(s == NS - 1)
    def _():
        for k in range(3):
            pltpu.sync_copy(rows0, acc.at[pl.ds(9600 + k * 128, 128)])
        pltpu.sync_copy(rows0.at[pl.ds(0, 80)],
                        acc.at[pl.ds(9984, 80)])

    plsc.subcore_barrier()

    base = wid * EPB
    sidx = (sidx0, sidx1)
    isem = (is0, is1)
    pltpu.sync_copy(dst_hbm.at[pl.ds(base, EPB)], idx_d)
    pltpu.sync_copy(src_hbm.at[base], sidx0)
    pltpu.async_copy(src_hbm.at[base + 1], sidx1, is1)
    pltpu.async_copy(table_hbm.at[sidx0], rows0, gsem)

    def outer(i, carry):
        for b in range(2):
            j = 2 * i + b
            rows_b = rows0 if b == 0 else rows1
            rows_n = rows1 if b == 0 else rows0
            pltpu.make_async_copy(table_hbm.at[sidx[b]], rows_b, gsem).wait()

            @pl.when(j + 2 < EPB)
            def _():
                pltpu.async_copy(src_hbm.at[base + j + 2], sidx[b], isem[b])

            @pl.when(j + 1 < EPB)
            def _():
                pltpu.make_async_copy(src_hbm.at[base + j + 1],
                                      sidx[1 - b], isem[1 - b]).wait()
                pltpu.async_copy(table_hbm.at[sidx[1 - b]], rows_n, gsem)

            pltpu.sync_copy(rows_b, acc.at[idx_d.at[j]], add=True)
        return carry

    lax.fori_loop(0, EPB // 2, outer, 0)

    plsc.subcore_barrier()

    @pl.when(s < NS - 1)
    def _():
        base = s * 640
        pltpu.sync_copy(acc.at[pl.ds(base, 640)],
                        out_hbm.at[pl.ds(c * N + base, 640)])

    @pl.when(s == NS - 1)
    def _():
        pltpu.sync_copy(acc.at[pl.ds(9600, 400)],
                        out_hbm.at[pl.ds(c * N + 9600, 400)])


_BLK = 1000
_GRID = N // _BLK


def _tc_mm_body(x_ref, w_ref, o_ref):
    o_ref[...] = jnp.dot(x_ref[...], w_ref[...],
                         preferred_element_type=jnp.float32)


def _tc_mm(x, W1):
    return pl.pallas_call(
        _tc_mm_body,
        grid=(_GRID,),
        in_specs=[
            pl.BlockSpec((_BLK, D), lambda i: (i, 0)),
            pl.BlockSpec((D, D), lambda i: (0, 0)),
        ],
        out_specs=pl.BlockSpec((_BLK, D), lambda i: (i, 0)),
        out_shape=jax.ShapeDtypeStruct((N, D), jnp.float32),
    )(x, W1)


def _tc_a_body(hw_ref, d0_ref, d1_ref, g_ref, dinv_ref):
    deg = d0_ref[...] + d1_ref[...] + 1.0
    dinv = lax.rsqrt(deg)
    g_ref[...] = hw_ref[...] * dinv
    dinv_ref[...] = dinv


def _tc_a(hw, degp):
    return pl.pallas_call(
        _tc_a_body,
        grid=(_GRID,),
        in_specs=[
            pl.BlockSpec((_BLK, D), lambda i: (i, 0)),
            pl.BlockSpec((_BLK, 1), lambda i: (i, 0)),
            pl.BlockSpec((_BLK, 1), lambda i: (i + _GRID, 0)),
        ],
        out_specs=[
            pl.BlockSpec((_BLK, D), lambda i: (i, 0)),
            pl.BlockSpec((_BLK, 1), lambda i: (i, 0)),
        ],
        out_shape=[
            jax.ShapeDtypeStruct((N, D), jnp.float32),
            jax.ShapeDtypeStruct((N, 1), jnp.float32),
        ],
    )(hw, degp, degp)


def _tc_b_body(s0_ref, s1_ref, g1_ref, dinv_ref, b1_ref, w2_ref, g2_ref):
    dinv = dinv_ref[...]
    h = dinv * (s0_ref[...] + s1_ref[...] + g1_ref[...]) + b1_ref[...]
    h = jnp.maximum(h, 0.0)
    g2_ref[...] = jnp.dot(h, w2_ref[...],
                          preferred_element_type=jnp.float32) * dinv


def _tc_b(s1, g1, dinv, b1r, W2):
    return pl.pallas_call(
        _tc_b_body,
        grid=(_GRID,),
        in_specs=[
            pl.BlockSpec((_BLK, D), lambda i: (i, 0)),
            pl.BlockSpec((_BLK, D), lambda i: (i + _GRID, 0)),
            pl.BlockSpec((_BLK, D), lambda i: (i, 0)),
            pl.BlockSpec((_BLK, 1), lambda i: (i, 0)),
            pl.BlockSpec((1, D), lambda i: (0, 0)),
            pl.BlockSpec((D, D), lambda i: (0, 0)),
        ],
        out_specs=pl.BlockSpec((_BLK, D), lambda i: (i, 0)),
        out_shape=jax.ShapeDtypeStruct((N, D), jnp.float32),
    )(s1, s1, g1, dinv, b1r, W2)


def _tc_c_body(s0_ref, s1_ref, g2_ref, dinv_ref, b2_ref, out_ref):
    out_ref[...] = (dinv_ref[...] * (s0_ref[...] + s1_ref[...] + g2_ref[...])
                    + b2_ref[...])


def _tc_c(s2, g2, dinv, b2r):
    return pl.pallas_call(
        _tc_c_body,
        grid=(_GRID,),
        in_specs=[
            pl.BlockSpec((_BLK, D), lambda i: (i, 0)),
            pl.BlockSpec((_BLK, D), lambda i: (i + _GRID, 0)),
            pl.BlockSpec((_BLK, D), lambda i: (i, 0)),
            pl.BlockSpec((_BLK, 1), lambda i: (i, 0)),
            pl.BlockSpec((1, D), lambda i: (0, 0)),
        ],
        out_specs=pl.BlockSpec((_BLK, D), lambda i: (i, 0)),
        out_shape=jax.ShapeDtypeStruct((N, D), jnp.float32),
    )(s2, s2, g2, dinv, b2r)


def kernel(x, edge_index, W1, b1, W2, b2):
    pad_i = jnp.arange(EPAD, dtype=jnp.int32)
    src = jnp.concatenate(
        [edge_index[0].astype(jnp.int32), pad_i % N]
    ).reshape(NCHUNKS_P, CHUNK)
    dst = jnp.concatenate(
        [edge_index[1].astype(jnp.int32), N + pad_i % PADROWS]
    ).reshape(NCHUNKS_P, CHUNK)
    b1r = b1.reshape(1, D)
    b2r = b2.reshape(1, D)

    deg_kernel = _make_deg_kernel()
    gs_kernel = _make_gs_kernel()
    hw1 = _tc_mm(x, W1)
    degp = deg_kernel(dst).reshape(2 * N, 1)
    g1, dinv = _tc_a(hw1, degp)
    s1 = gs_kernel(src, dst, g1)
    g2 = _tc_b(s1, g1, dinv, b1r, W2)
    s2 = gs_kernel(src, dst, g2)
    return _tc_c(s2, g2, dinv, b2r)

# --- scband reference (transcript-rebuilt; emitter-appended) ---
"""Pipeline reference for scband-gcn-62113817035242 (READ-ONLY COPY).

The authoritative reference and input builder live on the scoring server;
editing this copy changes nothing except your own understanding.
"""

import jax, jax.numpy as jnp
import numpy as np

N_NODES = 10000
N_EDGES = 320000
D_IN = 128
D_HID = 128
D_OUT = 128


def setup_inputs(seed: int = 0) -> dict:
    key = jax.random.key(seed)
    k_x, k_ei, k_w1, k_b1, k_w2, k_b2 = jax.random.split(key, 6)
    x = jax.random.normal(k_x, (N_NODES, D_IN), dtype=jnp.float32)
    edge_index = jax.random.randint(k_ei, (2, N_EDGES), 0, N_NODES, dtype=jnp.int64)
    s1 = 1.0 / np.sqrt(D_IN)
    s2 = 1.0 / np.sqrt(D_HID)
    W1 = jax.random.uniform(k_w1, (D_IN, D_HID), minval=-s1, maxval=s1, dtype=jnp.float32)
    b1 = jax.random.uniform(k_b1, (D_HID,), minval=-s1, maxval=s1, dtype=jnp.float32)
    W2 = jax.random.uniform(k_w2, (D_HID, D_OUT), minval=-s2, maxval=s2, dtype=jnp.float32)
    b2 = jax.random.uniform(k_b2, (D_OUT,), minval=-s2, maxval=s2, dtype=jnp.float32)
    return {"x": x, "edge_index": edge_index, "W1": W1, "b1": b1, "W2": W2, "b2": b2}


def _gcn_conv(x, src, dst, norm, W, b):
    # x' = sum over edges of norm * (x[src] @ W), scattered to dst, plus bias
    h = x @ W
    msgs = jnp.take(h, src, axis=0) * norm[:, None]
    out = jnp.zeros((x.shape[0], W.shape[1]), dtype=x.dtype).at[dst].add(msgs)
    return out + b


def reference(x, edge_index, W1, b1, W2, b2):
    N = x.shape[0]
    loop = jnp.arange(N, dtype=edge_index.dtype)
    src = jnp.concatenate([edge_index[0], loop])
    dst = jnp.concatenate([edge_index[1], loop])
    deg = jnp.zeros((N,), dtype=x.dtype).at[dst].add(1.0)
    deg_inv_sqrt = jnp.where(deg > 0, 1.0 / jnp.sqrt(deg), 0.0)
    norm = jnp.take(deg_inv_sqrt, src) * jnp.take(deg_inv_sqrt, dst)
    h = _gcn_conv(x, src, dst, norm, W1, b1)
    h = jax.nn.relu(h)
    out = _gcn_conv(h, src, dst, norm, W2, b2)
    return out

if __name__ == "__main__":
    import jax
    _d = setup_inputs()
    print(jax.jit(kernel)(*tuple(_d.values())))

</pallas_src>

<mosaic_0001>
#map = affine_map<(d0, d1) -> (0, 0)>
#map1 = affine_map<(d0, d1) -> (0)>
module attributes {stable_mosaic.version = 14 : i64} {
  func.func @_deg_body(%arg0: i32, %arg1: i32, %arg2: memref<2560x128xi32, #tpu.memory_space<hbm>>, %arg3: memref<20000xf32, #tpu.memory_space<hbm>>, %arg4: memref<80x128xi32, #tpu.memory_space<vmem>>, %arg5: memref<128xf32, #tpu.memory_space<vmem>>, %arg6: memref<10000xf32, #tpu.memory_space<vmem>>, %arg7: memref<10000xf32, #tpu.memory_space<vmem_shared>>) attributes {dimension_semantics = [#tpu.dimension_semantics<core_parallel>, #tpu.dimension_semantics<subcore_parallel>], iteration_bounds = array<i64: 2, 16>, scalar_prefetch = 0 : i64, scratch_operands = 4 : i64, tpu.core_type = #tpu.core_type<sc_vector_subcore>, window_params = [{transform_indices = #map}, {transform_indices = #map1}]} {
    %mul3A = arith.constant 2 : i32
    %mul3A_0 = arith.muli %arg1, %mul3A : i32
    %add3A = arith.addi %mul3A_0, %arg0 : i32
    %broadcast_in_dim3A = arith.constant 1.000000e+00 : f32
    %broadcast_in_dim3A_1 = vector.broadcast %broadcast_in_dim3A : f32 to vector<16xf32>
    %swap3A = arith.constant 0 : index
    %swap3A_2 = tpu.vector_load %arg5[%swap3A] {strides = array<i32>} : memref<128xf32, #tpu.memory_space<vmem>>, vector<16xf32>,
    %swap3A_3 = vector.shape_cast %swap3A_2 : vector<16xf32> to vector<16xf32>
    %swap3A_4 = vector.shape_cast %broadcast_in_dim3A_1 : vector<16xf32> to vector<16xf32>
    tpu.vector_store %arg5[%swap3A], %swap3A_4 {strides = array<i32>} : memref<128xf32, #tpu.memory_space<vmem>>, vector<16xf32>,
    %broadcast_in_dim3A_5 = arith.constant 1.000000e+00 : f32
    %broadcast_in_dim3A_6 = vector.broadcast %broadcast_in_dim3A_5 : f32 to vector<16xf32>
    %swap3A_7 = arith.constant 16 : index
    %swap3A_8 = tpu.vector_load %arg5[%swap3A_7] {strides = array<i32>} : memref<128xf32, #tpu.memory_space<vmem>>, vector<16xf32>,
    %swap3A_9 = vector.shape_cast %swap3A_8 : vector<16xf32> to vector<16xf32>
    %swap3A_10 = vector.shape_cast %broadcast_in_dim3A_6 : vector<16xf32> to vector<16xf32>
    tpu.vector_store %arg5[%swap3A_7], %swap3A_10 {strides = array<i32>} : memref<128xf32, #tpu.memory_space<vmem>>, vector<16xf32>,
    %broadcast_in_dim3A_11 = arith.constant 1.000000e+00 : f32
    %broadcast_in_dim3A_12 = vector.broadcast %broadcast_in_dim3A_11 : f32 to vector<16xf32>
    %swap3A_13 = arith.constant 32 : index
    %swap3A_14 = tpu.vector_load %arg5[%swap3A_13] {strides = array<i32>} : memref<128xf32, #tpu.memory_space<vmem>>, vector<16xf32>,
    %swap3A_15 = vector.shape_cast %swap3A_14 : vector<16xf32> to vector<16xf32>
    %swap3A_16 = vector.shape_cast %broadcast_in_dim3A_12 : vector<16xf32> to vector<16xf32>
    tpu.vector_store %arg5[%swap3A_13], %swap3A_16 {strides = array<i32>} : memref<128xf32, #tpu.memory_space<vmem>>, vector<16xf32>,
    %broadcast_in_dim3A_17 = arith.constant 1.000000e+00 : f32
    %broadcast_in_dim3A_18 = vector.broadcast %broadcast_in_dim3A_17 : f32 to vector<16xf32>
    %swap3A_19 = arith.constant 48 : index
    %swap3A_20 = tpu.vector_load %arg5[%swap3A_19] {strides = array<i32>} : memref<128xf32, #tpu.memory_space<vmem>>, vector<16xf32>,
    %swap3A_21 = vector.shape_cast %swap3A_20 : vector<16xf32> to vector<16xf32>
    %swap3A_22 = vector.shape_cast %broadcast_in_dim3A_18 : vector<16xf32> to vector<16xf32>
    tpu.vector_store %arg5[%swap3A_19], %swap3A_22 {strides = array<i32>} : memref<128xf32, #tpu.memory_space<vmem>>, vector<16xf32>,
    %broadcast_in_dim3A_23 = arith.constant 1.000000e+00 : f32
    %broadcast_in_dim3A_24 = vector.broadcast %broadcast_in_dim3A_23 : f32 to vector<16xf32>
    %swap3A_25 = arith.constant 64 : index
    %swap3A_26 = tpu.vector_load %arg5[%swap3A_25] {strides = array<i32>} : memref<128xf32, #tpu.memory_space<vmem>>, vector<16xf32>,
    %swap3A_27 = vector.shape_cast %swap3A_26 : vector<16xf32> to vector<16xf32>
    %swap3A_28 = vector.shape_cast %broadcast_in_dim3A_24 : vector<16xf32> to vector<16xf32>
    tpu.vector_store %arg5[%swap3A_25], %swap3A_28 {strides = array<i32>} : memref<128xf32, #tpu.memory_space<vmem>>, vector<16xf32>,
    %broadcast_in_dim3A_29 = arith.constant 1.000000e+00 : f32
    %broadcast_in_dim3A_30 = vector.broadcast %broadcast_in_dim3A_29 : f32 to vector<16xf32>
    %swap3A_31 = arith.constant 80 : index
    %swap3A_32 = tpu.vector_load %arg5[%swap3A_31] {strides = array<i32>} : memref<128xf32, #tpu.memory_space<vmem>>, vector<16xf32>,
    %swap3A_33 = vector.shape_cast %swap3A_32 : vector<16xf32> to vector<16xf32>
    %swap3A_34 = vector.shape_cast %broadcast_in_dim3A_30 : vector<16xf32> to vector<16xf32>
    tpu.vector_store %arg5[%swap3A_31], %swap3A_34 {strides = array<i32>} : memref<128xf32, #tpu.memory_space<vmem>>, vector<16xf32>,
    %broadcast_in_dim3A_35 = arith.constant 1.000000e+00 : f32
    %broadcast_in_dim3A_36 = vector.broadcast %broadcast_in_dim3A_35 : f32 to vector<16xf32>
    %swap3A_37 = arith.constant 96 : index
    %swap3A_38 = tpu.vector_load %arg5[%swap3A_37] {strides = array<i32>} : memref<128xf32, #tpu.memory_space<vmem>>, vector<16xf32>,
    %swap3A_39 = vector.shape_cast %swap3A_38 : vector<16xf32> to vector<16xf32>
    %swap3A_40 = vector.shape_cast %broadcast_in_dim3A_36 : vector<16xf32> to vector<16xf32>
    tpu.vector_store %arg5[%swap3A_37], %swap3A_40 {strides = array<i32>} : memref<128xf32, #tpu.memory_space<vmem>>, vector<16xf32>,
    %broadcast_in_dim3A_41 = arith.constant 1.000000e+00 : f32
    %broadcast_in_dim3A_42 = vector.broadcast %broadcast_in_dim3A_41 : f32 to vector<16xf32>
    %swap3A_43 = arith.constant 112 : index
    %swap3A_44 = tpu.vector_load %arg5[%swap3A_43] {strides = array<i32>} : memref<128xf32, #tpu.memory_space<vmem>>, vector<16xf32>,
    %swap3A_45 = vector.shape_cast %swap3A_44 : vector<16xf32> to vector<16xf32>
    %swap3A_46 = vector.shape_cast %broadcast_in_dim3A_42 : vector<16xf32> to vector<16xf32>
    tpu.vector_store %arg5[%swap3A_43], %swap3A_46 {strides = array<i32>} : memref<128xf32, #tpu.memory_space<vmem>>, vector<16xf32>,
    %mul3A_47 = arith.constant 80 : i32
    %mul3A_48 = arith.muli %add3A, %mul3A_47 : i32
    "tpu.region"() ({
      %run_scoped3A = tpu.sem_alloc : memref<!tpu.dma_semaphore, #tpu.memory_space<semaphore_mem>>
      %dma_start3A = arith.constant 0 : i32
      %dma_start3A_70 = tpu.memref_slice %arg2[%mul3A_48, %dma_start3A] : memref<2560x128xi32, #tpu.memory_space<hbm>> -> memref<80x128xi32, #tpu.memory_space<hbm>>
      %dma_start3A_71 = arith.constant 0 : i32
      %dma_start3A_72 = tpu.memref_slice %arg2[%mul3A_48, %dma_start3A_71] : memref<2560x128xi32, #tpu.memory_space<hbm>> -> memref<80x128xi32, #tpu.memory_space<hbm>>
      tpu.enqueue_dma source(%dma_start3A_72 : memref<80x128xi32, #tpu.memory_space<hbm>>) target(%arg4 : memref<80x128xi32, #tpu.memory_space<vmem>>) target_semaphore(%run_scoped3A : memref<!tpu.dma_semaphore, #tpu.memory_space<semaphore_mem>>)
      %dma_wait3A = arith.constant 0 : i32
      %dma_wait3A_73 = tpu.memref_slice %arg2[%mul3A_48, %dma_wait3A] : memref<2560x128xi32, #tpu.memory_space<hbm>> -> memref<80x128xi32, #tpu.memory_space<hbm>>
      %dma_wait3A_74 = arith.constant 0 : i32
      %dma_wait3A_75 = tpu.memref_slice %arg2[%mul3A_48, %dma_wait3A_74] : memref<2560x128xi32, #tpu.memory_space<hbm>> -> memref<80x128xi32, #tpu.memory_space<hbm>>
      tpu.wait_dma2 semaphore(%run_scoped3A : memref<!tpu.dma_semaphore, #tpu.memory_space<semaphore_mem>>) src(%dma_wait3A_75 : memref<80x128xi32, #tpu.memory_space<hbm>>) dst(%arg4 : memref<80x128xi32, #tpu.memory_space<vmem>>)
      tpu.yield
    }) : () -> ()
    %eq3A = arith.constant 0 : i32
    %eq3A_49 = arith.cmpi eq, %arg1, %eq3A : i32
    %convert_element_type3A = arith.extui %eq3A_49 : i1 to i32
    %cond3A = arith.constant 0 : i32
    %cond3A_50 = arith.cmpi ne, %convert_element_type3A, %cond3A : i32
    scf.if %cond3A_50 {
      %scan3A = arith.constant 0 : i32
      %scan3A_70 = arith.constant 0 : i32
      %scan3A_71 = arith.constant 78 : i32
      %scan3A_72 = arith.addi %scan3A_70, %scan3A_71 : i32
      %scan3A_73 = arith.constant 1 : i32
      scf.for %scan3A_81 = %scan3A_70 to %scan3A_72 step %scan3A_73  : i32 {
        %broadcast_in_dim3A_82 = arith.constant 0.000000e+00 : f32
        %broadcast_in_dim3A_83 = vector.broadcast %broadcast_in_dim3A_82 : f32 to vector<16xf32>
        %mul3A_84 = arith.constant 128 : i32
        %mul3A_85 = arith.muli %scan3A_81, %mul3A_84 : i32
        %add3A_86 = arith.constant 0 : i32
        %add3A_87 = arith.addi %mul3A_85, %add3A_86 : i32
        %swap3A_88 = arith.index_cast %add3A_87 : i32 to index
        %swap3A_89 = tpu.vector_load %arg6[%swap3A_88] {strides = array<i32>} : memref<10000xf32, #tpu.memory_space<vmem>>, vector<16xf32>,
        %swap3A_90 = vector.shape_cast %swap3A_89 : vector<16xf32> to vector<16xf32>
        %swap3A_91 = vector.shape_cast %broadcast_in_dim3A_83 : vector<16xf32> to vector<16xf32>
        tpu.vector_store %arg6[%swap3A_88], %swap3A_91 {strides = array<i32>} : memref<10000xf32, #tpu.memory_space<vmem>>, vector<16xf32>,
        %broadcast_in_dim3A_92 = arith.constant 0.000000e+00 : f32
        %broadcast_in_dim3A_93 = vector.broadcast %broadcast_in_dim3A_92 : f32 to vector<16xf32>
        %mul3A_94 = arith.constant 128 : i32
        %mul3A_95 = arith.muli %scan3A_81, %mul3A_94 : i32
        %add3A_96 = arith.constant 16 : i32
        %add3A_97 = arith.addi %mul3A_95, %add3A_96 : i32
        %swap3A_98 = arith.index_cast %add3A_97 : i32 to index
        %swap3A_99 = tpu.vector_load %arg6[%swap3A_98] {strides = array<i32>} : memref<10000xf32, #tpu.memory_space<vmem>>, vector<16xf32>,
        %swap3A_100 = vector.shape_cast %swap3A_99 : vector<16xf32> to vector<16xf32>
        %swap3A_101 = vector.shape_cast %broadcast_in_dim3A_93 : vector<16xf32> to vector<16xf32>
        tpu.vector_store %arg6[%swap3A_98], %swap3A_101 {strides = array<i32>} : memref<10000xf32, #tpu.memory_space<vmem>>, vector<16xf32>,
        %broadcast_in_dim3A_102 = arith.constant 0.000000e+00 : f32
        %broadcast_in_dim3A_103 = vector.broadcast %broadcast_in_dim3A_102 : f32 to vector<16xf32>
        %mul3A_104 = arith.constant 128 : i32
        %mul3A_105 = arith.muli %scan3A_81, %mul3A_104 : i32
        %add3A_106 = arith.constant 32 : i32
        %add3A_107 = arith.addi %mul3A_105, %add3A_106 : i32
        %swap3A_108 = arith.index_cast %add3A_107 : i32 to index
        %swap3A_109 = tpu.vector_load %arg6[%swap3A_108] {strides = array<i32>} : memref<10000xf32, #tpu.memory_space<vmem>>, vector<16xf32>,
        %swap3A_110 = vector.shape_cast %swap3A_109 : vector<16xf32> to vector<16xf32>
        %swap3A_111 = vector.shape_cast %broadcast_in_dim3A_103 : vector<16xf32> to vector<16xf32>
        tpu.vector_store %arg6[%swap3A_108], %swap3A_111 {strides = array<i32>} : memref<10000xf32, #tpu.memory_space<vmem>>, vector<16xf32>,
        %broadcast_in_dim3A_112 = arith.constant 0.000000e+00 : f32
        %broadcast_in_dim3A_113 = vector.broadcast %broadcast_in_dim3A_112 : f32 to vector<16xf32>
        %mul3A_114 = arith.constant 128 : i32
        %mul3A_115 = arith.muli %scan3A_81, %mul3A_114 : i32
        %add3A_116 = arith.constant 48 : i32
        %add3A_117 = arith.addi %mul3A_115, %add3A_116 : i32
        %swap3A_118 = arith.index_cast %add3A_117 : i32 to index
        %swap3A_119 = tpu.vector_load %arg6[%swap3A_118] {strides = array<i32>} : memref<10000xf32, #tpu.memory_space<vmem>>, vector<16xf32>,
        %swap3A_120 = vector.shape_cast %swap3A_119 : vector<16xf32> to vector<16xf32>
        %swap3A_121 = vector.shape_cast %broadcast_in_dim3A_113 : vector<16xf32> to vector<16xf32>
        tpu.vector_store %arg6[%swap3A_118], %swap3A_121 {strides = array<i32>} : memref<10000xf32, #tpu.memory_space<vmem>>, vector<16xf32>,
        %broadcast_in_dim3A_122 = arith.constant 0.000000e+00 : f32
        %broadcast_in_dim3A_123 = vector.broadcast %broadcast_in_dim3A_122 : f32 to vector<16xf32>
        %mul3A_124 = arith.constant 128 : i32
        %mul3A_125 = arith.muli %scan3A_81, %mul3A_124 : i32
        %add3A_126 = arith.constant 64 : i32
        %add3A_127 = arith.addi %mul3A_125, %add3A_126 : i32
        %swap3A_128 = arith.index_cast %add3A_127 : i32 to index
        %swap3A_129 = tpu.vector_load %arg6[%swap3A_128] {strides = array<i32>} : memref<10000xf32, #tpu.memory_space<vmem>>, vector<16xf32>,
        %swap3A_130 = vector.shape_cast %swap3A_129 : vector<16xf32> to vector<16xf32>
        %swap3A_131 = vector.shape_cast %broadcast_in_dim3A_123 : vector<16xf32> to vector<16xf32>
        tpu.vector_store %arg6[%swap3A_128], %swap3A_131 {strides = array<i32>} : memref<10000xf32, #tpu.memory_space<vmem>>, vector<16xf32>,
        %broadcast_in_dim3A_132 = arith.constant 0.000000e+00 : f32
        %broadcast_in_dim3A_133 = vector.broadcast %broadcast_in_dim3A_132 : f32 to vector<16xf32>
        %mul3A_134 = arith.constant 128 : i32
        %mul3A_135 = arith.muli %scan3A_81, %mul3A_134 : i32
        %add3A_136 = arith.constant 80 : i32
        %add3A_137 = arith.addi %mul3A_135, %add3A_136 : i32
        %swap3A_138 = arith.index_cast %add3A_137 : i32 to index
        %swap3A_139 = tpu.vector_load %arg6[%swap3A_138] {strides = array<i32>} : memref<10000xf32, #tpu.memory_space<vmem>>, vector<16xf32>,
        %swap3A_140 = vector.shape_cast %swap3A_139 : vector<16xf32> to vector<16xf32>
        %swap3A_141 = vector.shape_cast %broadcast_in_dim3A_133 : vector<16xf32> to vector<16xf32>
        tpu.vector_store %arg6[%swap3A_138], %swap3A_141 {strides = array<i32>} : memref<10000xf32, #tpu.memory_space<vmem>>, vector<16xf32>,
        %broadcast_in_dim3A_142 = arith.constant 0.000000e+00 : f32
        %broadcast_in_dim3A_143 = vector.broadcast %broadcast_in_dim3A_142 : f32 to vector<16xf32>
        %mul3A_144 = arith.constant 128 : i32
        %mul3A_145 = arith.muli %scan3A_81, %mul3A_144 : i32
        %add3A_146 = arith.constant 96 : i32
        %add3A_147 = arith.addi %mul3A_145, %add3A_146 : i32
        %swap3A_148 = arith.index_cast %add3A_147 : i32 to index
        %swap3A_149 = tpu.vector_load %arg6[%swap3A_148] {strides = array<i32>} : memref<10000xf32, #tpu.memory_space<vmem>>, vector<16xf32>,
        %swap3A_150 = vector.shape_cast %swap3A_149 : vector<16xf32> to vector<16xf32>
        %swap3A_151 = vector.shape_cast %broadcast_in_dim3A_143 : vector<16xf32> to vector<16xf32>
        tpu.vector_store %arg6[%swap3A_148], %swap3A_151 {strides = array<i32>} : memref<10000xf32, #tpu.memory_space<vmem>>, vector<16xf32>,
        %broadcast_in_dim3A_152 = arith.constant 0.000000e+00 : f32
        %broadcast_in_dim3A_153 = vector.broadcast %broadcast_in_dim3A_152 : f32 to vector<16xf32>
        %mul3A_154 = arith.constant 128 : i32
        %mul3A_155 = arith.muli %scan3A_81, %mul3A_154 : i32
        %add3A_156 = arith.constant 112 : i32
        %add3A_157 = arith.addi %mul3A_155, %add3A_156 : i32
        %swap3A_158 = arith.index_cast %add3A_157 : i32 to index
        %swap3A_159 = tpu.vector_load %arg6[%swap3A_158] {strides = array<i32>} : memref<10000xf32, #tpu.memory_space<vmem>>, vector<16xf32>,
        %swap3A_160 = vector.shape_cast %swap3A_159 : vector<16xf32> to vector<16xf32>
        %swap3A_161 = vector.shape_cast %broadcast_in_dim3A_153 : vector<16xf32> to vector<16xf32>
        tpu.vector_store %arg6[%swap3A_158], %swap3A_161 {strides = array<i32>} : memref<10000xf32, #tpu.memory_space<vmem>>, vector<16xf32>,
      }
      %scan3A_74 = arith.constant 78 : i32
      %broadcast_in_dim3A_75 = arith.constant 0.000000e+00 : f32
      %broadcast_in_dim3A_76 = vector.broadcast %broadcast_in_dim3A_75 : f32 to vector<16xf32>
      %swap3A_77 = arith.constant 9984 : index
      %swap3A_78 = tpu.vector_load %arg6[%swap3A_77] {strides = array<i32>} : memref<10000xf32, #tpu.memory_space<vmem>>, vector<16xf32>,
      %swap3A_79 = vector.shape_cast %swap3A_78 : vector<16xf32> to vector<16xf32>
      %swap3A_80 = vector.shape_cast %broadcast_in_dim3A_76 : vector<16xf32> to vector<16xf32>
      tpu.vector_store %arg6[%swap3A_77], %swap3A_80 {strides = array<i32>} : memref<10000xf32, #tpu.memory_space<vmem>>, vector<16xf32>,
      "tpu.region"() ({
        %run_scoped3A = tpu.sem_alloc : memref<!tpu.dma_semaphore, #tpu.memory_space<semaphore_mem>>
        tpu.enqueue_dma source(%arg6 : memref<10000xf32, #tpu.memory_space<vmem>>) target(%arg7 : memref<10000xf32, #tpu.memory_space<vmem_shared>>) target_semaphore(%run_scoped3A : memref<!tpu.dma_semaphore, #tpu.memory_space<semaphore_mem>>)
        tpu.wait_dma2 semaphore(%run_scoped3A : memref<!tpu.dma_semaphore, #tpu.memory_space<semaphore_mem>>) src(%arg6 : memref<10000xf32, #tpu.memory_space<vmem>>) dst(%arg7 : memref<10000xf32, #tpu.memory_space<vmem_shared>>)
        tpu.yield
      }) : () -> ()
    } else {
    }
    %barrier3A = arith.constant 0 : index
    tpu.barrier barrier_id(%barrier3A)
    %mul3A_51 = arith.constant 80 : i32
    %mul3A_52 = arith.muli %add3A, %mul3A_51 : i32
    %sub3A = arith.constant 2500 : i32
    %sub3A_53 = arith.subi %sub3A, %mul3A_52 : i32
    %jit3A = arith.constant 0 : i32
    %jit3A_54 = arith.constant 80 : i32
    %max3A = arith.maxsi %jit3A, %sub3A_53 : i32
    %min3A = arith.minsi %jit3A_54, %max3A : i32
    %while3A = arith.constant 0 : i32
    %while3A_55 = arith.constant 0 : i32
    %while3A_56 = arith.subi %min3A, %while3A_55 : i32
    %while3A_57 = arith.addi %while3A_55, %while3A_56 : i32
    %while3A_58 = arith.constant 1 : i32
    %while3A_59 = arith.divsi %while3A_56, %while3A_58 : i32
    %while3A_60 = arith.muli %while3A_59, %while3A_58 : i32
    %while3A_61 = arith.addi %while3A_55, %while3A_60 : i32
    %while3A_62 = arith.constant 1 : i32
    scf.for %while3A_70 = %while3A_55 to %while3A_61 step %while3A_62  : i32 {
      "tpu.region"() ({
        %run_scoped3A = tpu.sem_alloc : memref<!tpu.dma_semaphore, #tpu.memory_space<semaphore_mem>>
        %dma_start3A = arith.constant 0 : i32
        %dma_start3A_71 = tpu.memref_slice %arg4[%while3A_70, %dma_start3A] : memref<80x128xi32, #tpu.memory_space<vmem>> -> memref<1x128xi32, #tpu.memory_space<vmem>>
        %dma_start3A_72 = tpu.memref_squeeze %dma_start3A_71 : memref<1x128xi32, #tpu.memory_space<vmem>> -> memref<128xi32, #tpu.memory_space<vmem>>
        %dma_start3A_73 = arith.constant 0 : i32
        %dma_start3A_74 = tpu.memref_slice %arg7[%dma_start3A_73] : memref<10000xf32, #tpu.memory_space<vmem_shared>> -> memref<10000xf32, #tpu.memory_space<vmem_shared>>
        tpu.enqueue_indirect_dma source(%arg5 : memref<128xf32, #tpu.memory_space<vmem>>) target(%dma_start3A_74 : memref<10000xf32, #tpu.memory_space<vmem_shared>>) offsets(%dma_start3A_72 : memref<128xi32, #tpu.memory_space<vmem>>) semaphore(%run_scoped3A : memref<!tpu.dma_semaphore, #tpu.memory_space<semaphore_mem>>) {add = true}
        %dma_wait3A = arith.constant 0 : i32
        %dma_wait3A_75 = tpu.memref_slice %arg4[%while3A_70, %dma_wait3A] : memref<80x128xi32, #tpu.memory_space<vmem>> -> memref<1x128xi32, #tpu.memory_space<vmem>>
        %dma_wait3A_76 = tpu.memref_squeeze %dma_wait3A_75 : memref<1x128xi32, #tpu.memory_space<vmem>> -> memref<128xi32, #tpu.memory_space<vmem>>
        %dma_wait3A_77 = arith.constant 0 : i32
        %dma_wait3A_78 = tpu.memref_slice %arg7[%dma_wait3A_77] : memref<10000xf32, #tpu.memory_space<vmem_shared>> -> memref<10000xf32, #tpu.memory_space<vmem_shared>>
        tpu.wait_indirect_dma semaphore(%run_scoped3A : memref<!tpu.dma_semaphore, #tpu.memory_space<semaphore_mem>>) src(%arg5 : memref<128xf32, #tpu.memory_space<vmem>>) dst(%dma_wait3A_78 : memref<10000xf32, #tpu.memory_space<vmem_shared>>)
        tpu.yield
      }) : () -> ()
    }
    %while3A_63 = arith.constant 1 : i32
    scf.for %while3A_70 = %while3A_61 to %while3A_57 step %while3A_63  : i32 {
      "tpu.region"() ({
        %run_scoped3A = tpu.sem_alloc : memref<!tpu.dma_semaphore, #tpu.memory_space<semaphore_mem>>
        %dma_start3A = arith.constant 0 : i32
        %dma_start3A_71 = tpu.memref_slice %arg4[%while3A_70, %dma_start3A] : memref<80x128xi32, #tpu.memory_space<vmem>> -> memref<1x128xi32, #tpu.memory_space<vmem>>
        %dma_start3A_72 = tpu.memref_squeeze %dma_start3A_71 : memref<1x128xi32, #tpu.memory_space<vmem>> -> memref<128xi32, #tpu.memory_space<vmem>>
        %dma_start3A_73 = arith.constant 0 : i32
        %dma_start3A_74 = tpu.memref_slice %arg7[%dma_start3A_73] : memref<10000xf32, #tpu.memory_space<vmem_shared>> -> memref<10000xf32, #tpu.memory_space<vmem_shared>>
        tpu.enqueue_indirect_dma source(%arg5 : memref<128xf32, #tpu.memory_space<vmem>>) target(%dma_start3A_74 : memref<10000xf32, #tpu.memory_space<vmem_shared>>) offsets(%dma_start3A_72 : memref<128xi32, #tpu.memory_space<vmem>>) semaphore(%run_scoped3A : memref<!tpu.dma_semaphore, #tpu.memory_space<semaphore_mem>>) {add = true}
        %dma_wait3A = arith.constant 0 : i32
        %dma_wait3A_75 = tpu.memref_slice %arg4[%while3A_70, %dma_wait3A] : memref<80x128xi32, #tpu.memory_space<vmem>> -> memref<1x128xi32, #tpu.memory_space<vmem>>
        %dma_wait3A_76 = tpu.memref_squeeze %dma_wait3A_75 : memref<1x128xi32, #tpu.memory_space<vmem>> -> memref<128xi32, #tpu.memory_space<vmem>>
        %dma_wait3A_77 = arith.constant 0 : i32
        %dma_wait3A_78 = tpu.memref_slice %arg7[%dma_wait3A_77] : memref<10000xf32, #tpu.memory_space<vmem_shared>> -> memref<10000xf32, #tpu.memory_space<vmem_shared>>
        tpu.wait_indirect_dma semaphore(%run_scoped3A : memref<!tpu.dma_semaphore, #tpu.memory_space<semaphore_mem>>) src(%arg5 : memref<128xf32, #tpu.memory_space<vmem>>) dst(%dma_wait3A_78 : memref<10000xf32, #tpu.memory_space<vmem_shared>>)
        tpu.yield
      }) : () -> ()
    }
    %barrier3A_64 = arith.constant 0 : index
    tpu.barrier barrier_id(%barrier3A_64)
    %eq3A_65 = arith.constant 0 : i32
    %eq3A_66 = arith.cmpi eq, %arg1, %eq3A_65 : i32
    %convert_element_type3A_67 = arith.extui %eq3A_66 : i1 to i32
    %cond3A_68 = arith.constant 0 : i32
    %cond3A_69 = arith.cmpi ne, %convert_element_type3A_67, %cond3A_68 : i32
    scf.if %cond3A_69 {
      "tpu.region"() ({
        %run_scoped3A = tpu.sem_alloc : memref<!tpu.dma_semaphore, #tpu.memory_space<semaphore_mem>>
        tpu.enqueue_dma source(%arg7 : memref<10000xf32, #tpu.memory_space<vmem_shared>>) target(%arg6 : memref<10000xf32, #tpu.memory_space<vmem>>) target_semaphore(%run_scoped3A : memref<!tpu.dma_semaphore, #tpu.memory_space<semaphore_mem>>)
        tpu.wait_dma2 semaphore(%run_scoped3A : memref<!tpu.dma_semaphore, #tpu.memory_space<semaphore_mem>>) src(%arg7 : memref<10000xf32, #tpu.memory_space<vmem_shared>>) dst(%arg6 : memref<10000xf32, #tpu.memory_space<vmem>>)
        tpu.yield
      }) : () -> ()
      %mul3A_70 = arith.constant 10000 : i32
      %mul3A_71 = arith.muli %arg0, %mul3A_70 : i32
      "tpu.region"() ({
        %run_scoped3A = tpu.sem_alloc : memref<!tpu.dma_semaphore, #tpu.memory_space<semaphore_mem>>
        %dma_start3A = tpu.memref_slice %arg3[%mul3A_71] : memref<20000xf32, #tpu.memory_space<hbm>> -> memref<10000xf32, #tpu.memory_space<hbm>>
        %dma_start3A_72 = tpu.memref_slice %arg3[%mul3A_71] : memref<20000xf32, #tpu.memory_space<hbm>> -> memref<10000xf32, #tpu.memory_space<hbm>>
        tpu.enqueue_dma source(%arg6 : memref<10000xf32, #tpu.memory_space<vmem>>) target(%dma_start3A_72 : memref<10000xf32, #tpu.memory_space<hbm>>) target_semaphore(%run_scoped3A : memref<!tpu.dma_semaphore, #tpu.memory_space<semaphore_mem>>)
        %dma_wait3A = tpu.memref_slice %arg3[%mul3A_71] : memref<20000xf32, #tpu.memory_space<hbm>> -> memref<10000xf32, #tpu.memory_space<hbm>>
        %dma_wait3A_73 = tpu.memref_slice %arg3[%mul3A_71] : memref<20000xf32, #tpu.memory_space<hbm>> -> memref<10000xf32, #tpu.memory_space<hbm>>
        tpu.wait_dma2 semaphore(%run_scoped3A : memref<!tpu.dma_semaphore, #tpu.memory_space<semaphore_mem>>) src(%arg6 : memref<10000xf32, #tpu.memory_space<vmem>>) dst(%dma_wait3A_73 : memref<10000xf32, #tpu.memory_space<hbm>>)
        tpu.yield
      }) : () -> ()
    } else {
    }
    return
  }
}

#map = affine_map<(d0, d1) -> (0, 0)>
module attributes {stable_mosaic.version = 14 : i64} {
  func.func @_gs_body(%arg0: i32, %arg1: i32, %arg2: memref<2560x128xi32, #tpu.memory_space<hbm>>, %arg3: memref<2560x128xi32, #tpu.memory_space<hbm>>, %arg4: memref<10000x128xf32, #tpu.memory_space<hbm>>, %arg5: memref<20000x128xf32, #tpu.memory_space<hbm>>, %arg6: memref<128xi32, #tpu.memory_space<vmem>>, %arg7: memref<128xi32, #tpu.memory_space<vmem>>, %arg8: memref<80x128xi32, #tpu.memory_space<vmem>>, %arg9: memref<128x128xf32, #tpu.memory_space<vmem>>, %arg10: memref<128x128xf32, #tpu.memory_space<vmem>>, %arg11: memref<10064x128xf32, #tpu.memory_space<vmem_shared>>, %arg12: memref<!tpu.dma_semaphore, #tpu.memory_space<semaphore_mem>>, %arg13: memref<!tpu.dma_semaphore, #tpu.memory_space<semaphore_mem>>, %arg14: memref<!tpu.dma_semaphore, #tpu.memory_space<semaphore_mem>>) attributes {dimension_semantics = [#tpu.dimension_semantics<core_parallel>, #tpu.dimension_semantics<subcore_parallel>], iteration_bounds = array<i64: 2, 16>, scalar_prefetch = 0 : i64, scratch_operands = 9 : i64, tpu.core_type = #tpu.core_type<sc_vector_subcore>, window_params = [{transform_indices = #map}, {transform_indices = #map}, {transform_indices = #map}, {transform_indices = #map}]} {
    %mul3A = arith.constant 2 : i32
    %mul3A_0 = arith.muli %arg1, %mul3A : i32
    %add3A = arith.addi %mul3A_0, %arg0 : i32
    %scan3A = arith.constant 0 : i32
    %scan3A_1 = arith.constant 0 : i32
    %scan3A_2 = arith.constant 128 : i32
    %scan3A_3 = arith.addi %scan3A_1, %scan3A_2 : i32
    %scan3A_4 = arith.constant 1 : i32
    scf.for %scan3A_41 = %scan3A_1 to %scan3A_3 step %scan3A_4  : i32 {
      %broadcast_in_dim3A = arith.constant 0.000000e+00 : f32
      %broadcast_in_dim3A_42 = vector.broadcast %broadcast_in_dim3A : f32 to vector<16xf32>
      %swap3A = arith.index_cast %scan3A_41 : i32 to index
      %swap3A_43 = arith.constant 0 : index
      %swap3A_44 = tpu.vector_load %arg9[%swap3A, %swap3A_43] {strides = array<i32>} : memref<128x128xf32, #tpu.memory_space<vmem>>, vector<1x16xf32>,
      %swap3A_45 = vector.shape_cast %swap3A_44 : vector<1x16xf32> to vector<16xf32>
      %swap3A_46 = vector.shape_cast %broadcast_in_dim3A_42 : vector<16xf32> to vector<1x16xf32>
      tpu.vector_store %arg9[%swap3A, %swap3A_43], %swap3A_46 {strides = array<i32>} : memref<128x128xf32, #tpu.memory_space<vmem>>, vector<1x16xf32>,
      %broadcast_in_dim3A_47 = arith.constant 0.000000e+00 : f32
      %broadcast_in_dim3A_48 = vector.broadcast %broadcast_in_dim3A_47 : f32 to vector<16xf32>
      %swap3A_49 = arith.index_cast %scan3A_41 : i32 to index
      %swap3A_50 = arith.constant 16 : index
      %swap3A_51 = tpu.vector_load %arg9[%swap3A_49, %swap3A_50] {strides = array<i32>} : memref<128x128xf32, #tpu.memory_space<vmem>>, vector<1x16xf32>,
      %swap3A_52 = vector.shape_cast %swap3A_51 : vector<1x16xf32> to vector<16xf32>
      %swap3A_53 = vector.shape_cast %broadcast_in_dim3A_48 : vector<16xf32> to vector<1x16xf32>
      tpu.vector_store %arg9[%swap3A_49, %swap3A_50], %swap3A_53 {strides = array<i32>} : memref<128x128xf32, #tpu.memory_space<vmem>>, vector<1x16xf32>,
      %broadcast_in_dim3A_54 = arith.constant 0.000000e+00 : f32
      %broadcast_in_dim3A_55 = vector.broadcast %broadcast_in_dim3A_54 : f32 to vector<16xf32>
      %swap3A_56 = arith.index_cast %scan3A_41 : i32 to index
      %swap3A_57 = arith.constant 32 : index
      %swap3A_58 = tpu.vector_load %arg9[%swap3A_56, %swap3A_57] {strides = array<i32>} : memref<128x128xf32, #tpu.memory_space<vmem>>, vector<1x16xf32>,
      %swap3A_59 = vector.shape_cast %swap3A_58 : vector<1x16xf32> to vector<16xf32>
      %swap3A_60 = vector.shape_cast %broadcast_in_dim3A_55 : vector<16xf32> to vector<1x16xf32>
      tpu.vector_store %arg9[%swap3A_56, %swap3A_57], %swap3A_60 {strides = array<i32>} : memref<128x128xf32, #tpu.memory_space<vmem>>, vector<1x16xf32>,
      %broadcast_in_dim3A_61 = arith.constant 0.000000e+00 : f32
      %broadcast_in_dim3A_62 = vector.broadcast %broadcast_in_dim3A_61 : f32 to vector<16xf32>
      %swap3A_63 = arith.index_cast %scan3A_41 : i32 to index
      %swap3A_64 = arith.constant 48 : index
      %swap3A_65 = tpu.vector_load %arg9[%swap3A_63, %swap3A_64] {strides = array<i32>} : memref<128x128xf32, #tpu.memory_space<vmem>>, vector<1x16xf32>,
      %swap3A_66 = vector.shape_cast %swap3A_65 : vector<1x16xf32> to vector<16xf32>
      %swap3A_67 = vector.shape_cast %broadcast_in_dim3A_62 : vector<16xf32> to vector<1x16xf32>
      tpu.vector_store %arg9[%swap3A_63, %swap3A_64], %swap3A_67 {strides = array<i32>} : memref<128x128xf32, #tpu.memory_space<vmem>>, vector<1x16xf32>,
      %broadcast_in_dim3A_68 = arith.constant 0.000000e+00 : f32
      %broadcast_in_dim3A_69 = vector.broadcast %broadcast_in_dim3A_68 : f32 to vector<16xf32>
      %swap3A_70 = arith.index_cast %scan3A_41 : i32 to index
      %swap3A_71 = arith.constant 64 : index
      %swap3A_72 = tpu.vector_load %arg9[%swap3A_70, %swap3A_71] {strides = array<i32>} : memref<128x128xf32, #tpu.memory_space<vmem>>, vector<1x16xf32>,
      %swap3A_73 = vector.shape_cast %swap3A_72 : vector<1x16xf32> to vector<16xf32>
      %swap3A_74 = vector.shape_cast %broadcast_in_dim3A_69 : vector<16xf32> to vector<1x16xf32>
      tpu.vector_store %arg9[%swap3A_70, %swap3A_71], %swap3A_74 {strides = array<i32>} : memref<128x128xf32, #tpu.memory_space<vmem>>, vector<1x16xf32>,
      %broadcast_in_dim3A_75 = arith.constant 0.000000e+00 : f32
      %broadcast_in_dim3A_76 = vector.broadcast %broadcast_in_dim3A_75 : f32 to vector<16xf32>
      %swap3A_77 = arith.index_cast %scan3A_41 : i32 to index
      %swap3A_78 = arith.constant 80 : index
      %swap3A_79 = tpu.vector_load %arg9[%swap3A_77, %swap3A_78] {strides = array<i32>} : memref<128x128xf32, #tpu.memory_space<vmem>>, vector<1x16xf32>,
      %swap3A_80 = vector.shape_cast %swap3A_79 : vector<1x16xf32> to vector<16xf32>
      %swap3A_81 = vector.shape_cast %broadcast_in_dim3A_76 : vector<16xf32> to vector<1x16xf32>
      tpu.vector_store %arg9[%swap3A_77, %swap3A_78], %swap3A_81 {strides = array<i32>} : memref<128x128xf32, #tpu.memory_space<vmem>>, vector<1x16xf32>,
      %broadcast_in_dim3A_82 = arith.constant 0.000000e+00 : f32
      %broadcast_in_dim3A_83 = vector.broadcast %broadcast_in_dim3A_82 : f32 to vector<16xf32>
      %swap3A_84 = arith.index_cast %scan3A_41 : i32 to index
      %swap3A_85 = arith.constant 96 : index
      %swap3A_86 = tpu.vector_load %arg9[%swap3A_84, %swap3A_85] {strides = array<i32>} : memref<128x128xf32, #tpu.memory_space<vmem>>, vector<1x16xf32>,
      %swap3A_87 = vector.shape_cast %swap3A_86 : vector<1x16xf32> to vector<16xf32>
      %swap3A_88 = vector.shape_cast %broadcast_in_dim3A_83 : vector<16xf32> to vector<1x16xf32>
      tpu.vector_store %arg9[%swap3A_84, %swap3A_85], %swap3A_88 {strides = array<i32>} : memref<128x128xf32, #tpu.memory_space<vmem>>, vector<1x16xf32>,
      %broadcast_in_dim3A_89 = arith.constant 0.000000e+00 : f32
      %broadcast_in_dim3A_90 = vector.broadcast %broadcast_in_dim3A_89 : f32 to vector<16xf32>
      %swap3A_91 = arith.index_cast %scan3A_41 : i32 to index
      %swap3A_92 = arith.constant 112 : index
      %swap3A_93 = tpu.vector_load %arg9[%swap3A_91, %swap3A_92] {strides = array<i32>} : memref<128x128xf32, #tpu.memory_space<vmem>>, vector<1x16xf32>,
      %swap3A_94 = vector.shape_cast %swap3A_93 : vector<1x16xf32> to vector<16xf32>
      %swap3A_95 = vector.shape_cast %broadcast_in_dim3A_90 : vector<16xf32> to vector<1x16xf32>
      tpu.vector_store %arg9[%swap3A_91, %swap3A_92], %swap3A_95 {strides = array<i32>} : memref<128x128xf32, #tpu.memory_space<vmem>>, vector<1x16xf32>,
    }
    %scan3A_5 = arith.constant 128 : i32
    %lt3A = arith.constant 15 : i32
    %lt3A_6 = arith.cmpi slt, %arg1, %lt3A : i32
    %convert_element_type3A = arith.extui %lt3A_6 : i1 to i32
    %cond3A = arith.constant 0 : i32
    %cond3A_7 = arith.cmpi ne, %convert_element_type3A, %cond3A : i32
    scf.if %cond3A_7 {
      %mul3A_41 = arith.constant 640 : i32
      %mul3A_42 = arith.muli %arg1, %mul3A_41 : i32
      %add3A_43 = arith.constant 0 : i32
      %add3A_44 = arith.addi %mul3A_42, %add3A_43 : i32
      "tpu.region"() ({
        %run_scoped3A = tpu.sem_alloc : memref<!tpu.dma_semaphore, #tpu.memory_space<semaphore_mem>>
        %dma_start3A_61 = arith.constant 0 : i32
        %dma_start3A_62 = tpu.memref_slice %arg11[%add3A_44, %dma_start3A_61] : memref<10064x128xf32, #tpu.memory_space<vmem_shared>> -> memref<128x128xf32, #tpu.memory_space<vmem_shared>>
        %dma_start3A_63 = arith.constant 0 : i32
        %dma_start3A_64 = tpu.memref_slice %arg11[%add3A_44, %dma_start3A_63] : memref<10064x128xf32, #tpu.memory_space<vmem_shared>> -> memref<128x128xf32, #tpu.memory_space<vmem_shared>>
        tpu.enqueue_dma source(%arg9 : memref<128x128xf32, #tpu.memory_space<vmem>>) target(%dma_start3A_64 : memref<128x128xf32, #tpu.memory_space<vmem_shared>>) target_semaphore(%run_scoped3A : memref<!tpu.dma_semaphore, #tpu.memory_space<semaphore_mem>>)
        %dma_wait3A = arith.constant 0 : i32
        %dma_wait3A_65 = tpu.memref_slice %arg11[%add3A_44, %dma_wait3A] : memref<10064x128xf32, #tpu.memory_space<vmem_shared>> -> memref<128x128xf32, #tpu.memory_space<vmem_shared>>
        %dma_wait3A_66 = arith.constant 0 : i32
        %dma_wait3A_67 = tpu.memref_slice %arg11[%add3A_44, %dma_wait3A_66] : memref<10064x128xf32, #tpu.memory_space<vmem_shared>> -> memref<128x128xf32, #tpu.memory_space<vmem_shared>>
        tpu.wait_dma2 semaphore(%run_scoped3A : memref<!tpu.dma_semaphore, #tpu.memory_space<semaphore_mem>>) src(%arg9 : memref<128x128xf32, #tpu.memory_space<vmem>>) dst(%dma_wait3A_67 : memref<128x128xf32, #tpu.memory_space<vmem_shared>>)
        tpu.yield
      }) : () -> ()
      %mul3A_45 = arith.constant 640 : i32
      %mul3A_46 = arith.muli %arg1, %mul3A_45 : i32
      %add3A_47 = arith.constant 128 : i32
      %add3A_48 = arith.addi %mul3A_46, %add3A_47 : i32
      "tpu.region"() ({
        %run_scoped3A = tpu.sem_alloc : memref<!tpu.dma_semaphore, #tpu.memory_space<semaphore_mem>>
        %dma_start3A_61 = arith.constant 0 : i32
        %dma_start3A_62 = tpu.memref_slice %arg11[%add3A_48, %dma_start3A_61] : memref<10064x128xf32, #tpu.memory_space<vmem_shared>> -> memref<128x128xf32, #tpu.memory_space<vmem_shared>>
        %dma_start3A_63 = arith.constant 0 : i32
        %dma_start3A_64 = tpu.memref_slice %arg11[%add3A_48, %dma_start3A_63] : memref<10064x128xf32, #tpu.memory_space<vmem_shared>> -> memref<128x128xf32, #tpu.memory_space<vmem_shared>>
        tpu.enqueue_dma source(%arg9 : memref<128x128xf32, #tpu.memory_space<vmem>>) target(%dma_start3A_64 : memref<128x128xf32, #tpu.memory_space<vmem_shared>>) target_semaphore(%run_scoped3A : memref<!tpu.dma_semaphore, #tpu.memory_space<semaphore_mem>>)
        %dma_wait3A = arith.constant 0 : i32
        %dma_wait3A_65 = tpu.memref_slice %arg11[%add3A_48, %dma_wait3A] : memref<10064x128xf32, #tpu.memory_space<vmem_shared>> -> memref<128x128xf32, #tpu.memory_space<vmem_shared>>
        %dma_wait3A_66 = arith.constant 0 : i32
        %dma_wait3A_67 = tpu.memref_slice %arg11[%add3A_48, %dma_wait3A_66] : memref<10064x128xf32, #tpu.memory_space<vmem_shared>> -> memref<128x128xf32, #tpu.memory_space<vmem_shared>>
        tpu.wait_dma2 semaphore(%run_scoped3A : memref<!tpu.dma_semaphore, #tpu.memory_space<semaphore_mem>>) src(%arg9 : memref<128x128xf32, #tpu.memory_space<vmem>>) dst(%dma_wait3A_67 : memref<128x128xf32, #tpu.memory_space<vmem_shared>>)
        tpu.yield
      }) : () -> ()
      %mul3A_49 = arith.constant 640 : i32
      %mul3A_50 = arith.muli %arg1, %mul3A_49 : i32
      %add3A_51 = arith.constant 256 : i32
      %add3A_52 = arith.addi %mul3A_50, %add3A_51 : i32
      "tpu.region"() ({
        %run_scoped3A = tpu.sem_alloc : memref<!tpu.dma_semaphore, #tpu.memory_space<semaphore_mem>>
        %dma_start3A_61 = arith.constant 0 : i32
        %dma_start3A_62 = tpu.memref_slice %arg11[%add3A_52, %dma_start3A_61] : memref<10064x128xf32, #tpu.memory_space<vmem_shared>> -> memref<128x128xf32, #tpu.memory_space<vmem_shared>>
        %dma_start3A_63 = arith.constant 0 : i32
        %dma_start3A_64 = tpu.memref_slice %arg11[%add3A_52, %dma_start3A_63] : memref<10064x128xf32, #tpu.memory_space<vmem_shared>> -> memref<128x128xf32, #tpu.memory_space<vmem_shared>>
        tpu.enqueue_dma source(%arg9 : memref<128x128xf32, #tpu.memory_space<vmem>>) target(%dma_start3A_64 : memref<128x128xf32, #tpu.memory_space<vmem_shared>>) target_semaphore(%run_scoped3A : memref<!tpu.dma_semaphore, #tpu.memory_space<semaphore_mem>>)
        %dma_wait3A = arith.constant 0 : i32
        %dma_wait3A_65 = tpu.memref_slice %arg11[%add3A_52, %dma_wait3A] : memref<10064x128xf32, #tpu.memory_space<vmem_shared>> -> memref<128x128xf32, #tpu.memory_space<vmem_shared>>
        %dma_wait3A_66 = arith.constant 0 : i32
        %dma_wait3A_67 = tpu.memref_slice %arg11[%add3A_52, %dma_wait3A_66] : memref<10064x128xf32, #tpu.memory_space<vmem_shared>> -> memref<128x128xf32, #tpu.memory_space<vmem_shared>>
        tpu.wait_dma2 semaphore(%run_scoped3A : memref<!tpu.dma_semaphore, #tpu.memory_space<semaphore_mem>>) src(%arg9 : memref<128x128xf32, #tpu.memory_space<vmem>>) dst(%dma_wait3A_67 : memref<128x128xf32, #tpu.memory_space<vmem_shared>>)
        tpu.yield
      }) : () -> ()
      %mul3A_53 = arith.constant 640 : i32
      %mul3A_54 = arith.muli %arg1, %mul3A_53 : i32
      %add3A_55 = arith.constant 384 : i32
      %add3A_56 = arith.addi %mul3A_54, %add3A_55 : i32
      "tpu.region"() ({
        %run_scoped3A = tpu.sem_alloc : memref<!tpu.dma_semaphore, #tpu.memory_space<semaphore_mem>>
        %dma_start3A_61 = arith.constant 0 : i32
        %dma_start3A_62 = tpu.memref_slice %arg11[%add3A_56, %dma_start3A_61] : memref<10064x128xf32, #tpu.memory_space<vmem_shared>> -> memref<128x128xf32, #tpu.memory_space<vmem_shared>>
        %dma_start3A_63 = arith.constant 0 : i32
        %dma_start3A_64 = tpu.memref_slice %arg11[%add3A_56, %dma_start3A_63] : memref<10064x128xf32, #tpu.memory_space<vmem_shared>> -> memref<128x128xf32, #tpu.memory_space<vmem_shared>>
        tpu.enqueue_dma source(%arg9 : memref<128x128xf32, #tpu.memory_space<vmem>>) target(%dma_start3A_64 : memref<128x128xf32, #tpu.memory_space<vmem_shared>>) target_semaphore(%run_scoped3A : memref<!tpu.dma_semaphore, #tpu.memory_space<semaphore_mem>>)
        %dma_wait3A = arith.constant 0 : i32
        %dma_wait3A_65 = tpu.memref_slice %arg11[%add3A_56, %dma_wait3A] : memref<10064x128xf32, #tpu.memory_space<vmem_shared>> -> memref<128x128xf32, #tpu.memory_space<vmem_shared>>
        %dma_wait3A_66 = arith.constant 0 : i32
        %dma_wait3A_67 = tpu.memref_slice %arg11[%add3A_56, %dma_wait3A_66] : memref<10064x128xf32, #tpu.memory_space<vmem_shared>> -> memref<128x128xf32, #tpu.memory_space<vmem_shared>>
        tpu.wait_dma2 semaphore(%run_scoped3A : memref<!tpu.dma_semaphore, #tpu.memory_space<semaphore_mem>>) src(%arg9 : memref<128x128xf32, #tpu.memory_space<vmem>>) dst(%dma_wait3A_67 : memref<128x128xf32, #tpu.memory_space<vmem_shared>>)
        tpu.yield
      }) : () -> ()
      %mul3A_57 = arith.constant 640 : i32
      %mul3A_58 = arith.muli %arg1, %mul3A_57 : i32
      %add3A_59 = arith.constant 512 : i32
      %add3A_60 = arith.addi %mul3A_58, %add3A_59 : i32
      "tpu.region"() ({
        %run_scoped3A = tpu.sem_alloc : memref<!tpu.dma_semaphore, #tpu.memory_space<semaphore_mem>>
        %dma_start3A_61 = arith.constant 0 : i32
        %dma_start3A_62 = tpu.memref_slice %arg11[%add3A_60, %dma_start3A_61] : memref<10064x128xf32, #tpu.memory_space<vmem_shared>> -> memref<128x128xf32, #tpu.memory_space<vmem_shared>>
        %dma_start3A_63 = arith.constant 0 : i32
        %dma_start3A_64 = tpu.memref_slice %arg11[%add3A_60, %dma_start3A_63] : memref<10064x128xf32, #tpu.memory_space<vmem_shared>> -> memref<128x128xf32, #tpu.memory_space<vmem_shared>>
        tpu.enqueue_dma source(%arg9 : memref<128x128xf32, #tpu.memory_space<vmem>>) target(%dma_start3A_64 : memref<128x128xf32, #tpu.memory_space<vmem_shared>>) target_semaphore(%run_scoped3A : memref<!tpu.dma_semaphore, #tpu.memory_space<semaphore_mem>>)
        %dma_wait3A = arith.constant 0 : i32
        %dma_wait3A_65 = tpu.memref_slice %arg11[%add3A_60, %dma_wait3A] : memref<10064x128xf32, #tpu.memory_space<vmem_shared>> -> memref<128x128xf32, #tpu.memory_space<vmem_shared>>
        %dma_wait3A_66 = arith.constant 0 : i32
        %dma_wait3A_67 = tpu.memref_slice %arg11[%add3A_60, %dma_wait3A_66] : memref<10064x128xf32, #tpu.memory_space<vmem_shared>> -> memref<128x128xf32, #tpu.memory_space<vmem_shared>>
        tpu.wait_dma2 semaphore(%run_scoped3A : memref<!tpu.dma_semaphore, #tpu.memory_space<semaphore_mem>>) src(%arg9 : memref<128x128xf32, #tpu.memory_space<vmem>>) dst(%dma_wait3A_67 : memref<128x128xf32, #tpu.memory_space<vmem_shared>>)
        tpu.yield
      }) : () -> ()
    } else {
    }
    %eq3A = arith.constant 15 : i32
    %eq3A_8 = arith.cmpi eq, %arg1, %eq3A : i32
    %convert_element_type3A_9 = arith.extui %eq3A_8 : i1 to i32
    %cond3A_10 = arith.constant 0 : i32
    %cond3A_11 = arith.cmpi ne, %convert_element_type3A_9, %cond3A_10 : i32
    scf.if %cond3A_11 {
      "tpu.region"() ({
        %run_scoped3A = tpu.sem_alloc : memref<!tpu.dma_semaphore, #tpu.memory_space<semaphore_mem>>
        %dma_start3A_41 = arith.constant 9600 : i32
        %dma_start3A_42 = arith.constant 0 : i32
        %dma_start3A_43 = tpu.memref_slice %arg11[%dma_start3A_41, %dma_start3A_42] : memref<10064x128xf32, #tpu.memory_space<vmem_shared>> -> memref<128x128xf32, #tpu.memory_space<vmem_shared>>
        %dma_start3A_44 = arith.constant 9600 : i32
        %dma_start3A_45 = arith.constant 0 : i32
        %dma_start3A_46 = tpu.memref_slice %arg11[%dma_start3A_44, %dma_start3A_45] : memref<10064x128xf32, #tpu.memory_space<vmem_shared>> -> memref<128x128xf32, #tpu.memory_space<vmem_shared>>
        tpu.enqueue_dma source(%arg9 : memref<128x128xf32, #tpu.memory_space<vmem>>) target(%dma_start3A_46 : memref<128x128xf32, #tpu.memory_space<vmem_shared>>) target_semaphore(%run_scoped3A : memref<!tpu.dma_semaphore, #tpu.memory_space<semaphore_mem>>)
        %dma_wait3A = arith.constant 9600 : i32
        %dma_wait3A_47 = arith.constant 0 : i32
        %dma_wait3A_48 = tpu.memref_slice %arg11[%dma_wait3A, %dma_wait3A_47] : memref<10064x128xf32, #tpu.memory_space<vmem_shared>> -> memref<128x128xf32, #tpu.memory_space<vmem_shared>>
        %dma_wait3A_49 = arith.constant 9600 : i32
        %dma_wait3A_50 = arith.constant 0 : i32
        %dma_wait3A_51 = tpu.memref_slice %arg11[%dma_wait3A_49, %dma_wait3A_50] : memref<10064x128xf32, #tpu.memory_space<vmem_shared>> -> memref<128x128xf32, #tpu.memory_space<vmem_shared>>
        tpu.wait_dma2 semaphore(%run_scoped3A : memref<!tpu.dma_semaphore, #tpu.memory_space<semaphore_mem>>) src(%arg9 : memref<128x128xf32, #tpu.memory_space<vmem>>) dst(%dma_wait3A_51 : memref<128x128xf32, #tpu.memory_space<vmem_shared>>)
        tpu.yield
      }) : () -> ()
      "tpu.region"() ({
        %run_scoped3A = tpu.sem_alloc : memref<!tpu.dma_semaphore, #tpu.memory_space<semaphore_mem>>
        %dma_start3A_41 = arith.constant 9728 : i32
        %dma_start3A_42 = arith.constant 0 : i32
        %dma_start3A_43 = tpu.memref_slice %arg11[%dma_start3A_41, %dma_start3A_42] : memref<10064x128xf32, #tpu.memory_space<vmem_shared>> -> memref<128x128xf32, #tpu.memory_space<vmem_shared>>
        %dma_start3A_44 = arith.constant 9728 : i32
        %dma_start3A_45 = arith.constant 0 : i32
        %dma_start3A_46 = tpu.memref_slice %arg11[%dma_start3A_44, %dma_start3A_45] : memref<10064x128xf32, #tpu.memory_space<vmem_shared>> -> memref<128x128xf32, #tpu.memory_space<vmem_shared>>
        tpu.enqueue_dma source(%arg9 : memref<128x128xf32, #tpu.memory_space<vmem>>) target(%dma_start3A_46 : memref<128x128xf32, #tpu.memory_space<vmem_shared>>) target_semaphore(%run_scoped3A : memref<!tpu.dma_semaphore, #tpu.memory_space<semaphore_mem>>)
        %dma_wait3A = arith.constant 9728 : i32
        %dma_wait3A_47 = arith.constant 0 : i32
        %dma_wait3A_48 = tpu.memref_slice %arg11[%dma_wait3A, %dma_wait3A_47] : memref<10064x128xf32, #tpu.memory_space<vmem_shared>> -> memref<128x128xf32, #tpu.memory_space<vmem_shared>>
        %dma_wait3A_49 = arith.constant 9728 : i32
        %dma_wait3A_50 = arith.constant 0 : i32
        %dma_wait3A_51 = tpu.memref_slice %arg11[%dma_wait3A_49, %dma_wait3A_50] : memref<10064x128xf32, #tpu.memory_space<vmem_shared>> -> memref<128x128xf32, #tpu.memory_space<vmem_shared>>
        tpu.wait_dma2 semaphore(%run_scoped3A : memref<!tpu.dma_semaphore, #tpu.memory_space<semaphore_mem>>) src(%arg9 : memref<128x128xf32, #tpu.memory_space<vmem>>) dst(%dma_wait3A_51 : memref<128x128xf32, #tpu.memory_space<vmem_shared>>)
        tpu.yield
      }) : () -> ()
      "tpu.region"() ({
        %run_scoped3A = tpu.sem_alloc : memref<!tpu.dma_semaphore, #tpu.memory_space<semaphore_mem>>
        %dma_start3A_41 = arith.constant 9856 : i32
        %dma_start3A_42 = arith.constant 0 : i32
        %dma_start3A_43 = tpu.memref_slice %arg11[%dma_start3A_41, %dma_start3A_42] : memref<10064x128xf32, #tpu.memory_space<vmem_shared>> -> memref<128x128xf32, #tpu.memory_space<vmem_shared>>
        %dma_start3A_44 = arith.constant 9856 : i32
        %dma_start3A_45 = arith.constant 0 : i32
        %dma_start3A_46 = tpu.memref_slice %arg11[%dma_start3A_44, %dma_start3A_45] : memref<10064x128xf32, #tpu.memory_space<vmem_shared>> -> memref<128x128xf32, #tpu.memory_space<vmem_shared>>
        tpu.enqueue_dma source(%arg9 : memref<128x128xf32, #tpu.memory_space<vmem>>) target(%dma_start3A_46 : memref<128x128xf32, #tpu.memory_space<vmem_shared>>) target_semaphore(%run_scoped3A : memref<!tpu.dma_semaphore, #tpu.memory_space<semaphore_mem>>)
        %dma_wait3A = arith.constant 9856 : i32
        %dma_wait3A_47 = arith.constant 0 : i32
        %dma_wait3A_48 = tpu.memref_slice %arg11[%dma_wait3A, %dma_wait3A_47] : memref<10064x128xf32, #tpu.memory_space<vmem_shared>> -> memref<128x128xf32, #tpu.memory_space<vmem_shared>>
        %dma_wait3A_49 = arith.constant 9856 : i32
        %dma_wait3A_50 = arith.constant 0 : i32
        %dma_wait3A_51 = tpu.memref_slice %arg11[%dma_wait3A_49, %dma_wait3A_50] : memref<10064x128xf32, #tpu.memory_space<vmem_shared>> -> memref<128x128xf32, #tpu.memory_space<vmem_shared>>
        tpu.wait_dma2 semaphore(%run_scoped3A : memref<!tpu.dma_semaphore, #tpu.memory_space<semaphore_mem>>) src(%arg9 : memref<128x128xf32, #tpu.memory_space<vmem>>) dst(%dma_wait3A_51 : memref<128x128xf32, #tpu.memory_space<vmem_shared>>)
        tpu.yield
      }) : () -> ()
      "tpu.region"() ({
        %run_scoped3A = tpu.sem_alloc : memref<!tpu.dma_semaphore, #tpu.memory_space<semaphore_mem>>
        %dma_start3A_41 = arith.constant 0 : i32
        %dma_start3A_42 = arith.constant 0 : i32
        %dma_start3A_43 = tpu.memref_slice %arg9[%dma_start3A_41, %dma_start3A_42] : memref<128x128xf32, #tpu.memory_space<vmem>> -> memref<80x128xf32, #tpu.memory_space<vmem>>
        %dma_start3A_44 = arith.constant 9984 : i32
        %dma_start3A_45 = arith.constant 0 : i32
        %dma_start3A_46 = tpu.memref_slice %arg11[%dma_start3A_44, %dma_start3A_45] : memref<10064x128xf32, #tpu.memory_space<vmem_shared>> -> memref<80x128xf32, #tpu.memory_space<vmem_shared>>
        %dma_start3A_47 = arith.constant 9984 : i32
        %dma_start3A_48 = arith.constant 0 : i32
        %dma_start3A_49 = tpu.memref_slice %arg11[%dma_start3A_47, %dma_start3A_48] : memref<10064x128xf32, #tpu.memory_space<vmem_shared>> -> memref<80x128xf32, #tpu.memory_space<vmem_shared>>
        %dma_start3A_50 = arith.constant 0 : i32
        %dma_start3A_51 = arith.constant 0 : i32
        %dma_start3A_52 = tpu.memref_slice %arg9[%dma_start3A_50, %dma_start3A_51] : memref<128x128xf32, #tpu.memory_space<vmem>> -> memref<80x128xf32, #tpu.memory_space<vmem>>
        tpu.enqueue_dma source(%dma_start3A_52 : memref<80x128xf32, #tpu.memory_space<vmem>>) target(%dma_start3A_49 : memref<80x128xf32, #tpu.memory_space<vmem_shared>>) target_semaphore(%run_scoped3A : memref<!tpu.dma_semaphore, #tpu.memory_space<semaphore_mem>>)
        %dma_wait3A = arith.constant 0 : i32
        %dma_wait3A_53 = arith.constant 0 : i32
        %dma_wait3A_54 = tpu.memref_slice %arg9[%dma_wait3A, %dma_wait3A_53] : memref<128x128xf32, #tpu.memory_space<vmem>> -> memref<80x128xf32, #tpu.memory_space<vmem>>
        %dma_wait3A_55 = arith.constant 9984 : i32
        %dma_wait3A_56 = arith.constant 0 : i32
        %dma_wait3A_57 = tpu.memref_slice %arg11[%dma_wait3A_55, %dma_wait3A_56] : memref<10064x128xf32, #tpu.memory_space<vmem_shared>> -> memref<80x128xf32, #tpu.memory_space<vmem_shared>>
        %dma_wait3A_58 = arith.constant 9984 : i32
        %dma_wait3A_59 = arith.constant 0 : i32
        %dma_wait3A_60 = tpu.memref_slice %arg11[%dma_wait3A_58, %dma_wait3A_59] : memref<10064x128xf32, #tpu.memory_space<vmem_shared>> -> memref<80x128xf32, #tpu.memory_space<vmem_shared>>
        %dma_wait3A_61 = arith.constant 0 : i32
        %dma_wait3A_62 = arith.constant 0 : i32
        %dma_wait3A_63 = tpu.memref_slice %arg9[%dma_wait3A_61, %dma_wait3A_62] : memref<128x128xf32, #tpu.memory_space<vmem>> -> memref<80x128xf32, #tpu.memory_space<vmem>>
        tpu.wait_dma2 semaphore(%run_scoped3A : memref<!tpu.dma_semaphore, #tpu.memory_space<semaphore_mem>>) src(%dma_wait3A_63 : memref<80x128xf32, #tpu.memory_space<vmem>>) dst(%dma_wait3A_60 : memref<80x128xf32, #tpu.memory_space<vmem_shared>>)
        tpu.yield
      }) : () -> ()
    } else {
    }
    %barrier3A = arith.constant 0 : index
    tpu.barrier barrier_id(%barrier3A)
    %mul3A_12 = arith.constant 80 : i32
    %mul3A_13 = arith.muli %add3A, %mul3A_12 : i32
    "tpu.region"() ({
      %run_scoped3A = tpu.sem_alloc : memref<!tpu.dma_semaphore, #tpu.memory_space<semaphore_mem>>
      %dma_start3A_41 = arith.constant 0 : i32
      %dma_start3A_42 = tpu.memref_slice %arg3[%mul3A_13, %dma_start3A_41] : memref<2560x128xi32, #tpu.memory_space<hbm>> -> memref<80x128xi32, #tpu.memory_space<hbm>>
      %dma_start3A_43 = arith.constant 0 : i32
      %dma_start3A_44 = tpu.memref_slice %arg3[%mul3A_13, %dma_start3A_43] : memref<2560x128xi32, #tpu.memory_space<hbm>> -> memref<80x128xi32, #tpu.memory_space<hbm>>
      tpu.enqueue_dma source(%dma_start3A_44 : memref<80x128xi32, #tpu.memory_space<hbm>>) target(%arg8 : memref<80x128xi32, #tpu.memory_space<vmem>>) target_semaphore(%run_scoped3A : memref<!tpu.dma_semaphore, #tpu.memory_space<semaphore_mem>>)
      %dma_wait3A = arith.constant 0 : i32
      %dma_wait3A_45 = tpu.memref_slice %arg3[%mul3A_13, %dma_wait3A] : memref<2560x128xi32, #tpu.memory_space<hbm>> -> memref<80x128xi32, #tpu.memory_space<hbm>>
      %dma_wait3A_46 = arith.constant 0 : i32
      %dma_wait3A_47 = tpu.memref_slice %arg3[%mul3A_13, %dma_wait3A_46] : memref<2560x128xi32, #tpu.memory_space<hbm>> -> memref<80x128xi32, #tpu.memory_space<hbm>>
      tpu.wait_dma2 semaphore(%run_scoped3A : memref<!tpu.dma_semaphore, #tpu.memory_space<semaphore_mem>>) src(%dma_wait3A_47 : memref<80x128xi32, #tpu.memory_space<hbm>>) dst(%arg8 : memref<80x128xi32, #tpu.memory_space<vmem>>)
      tpu.yield
    }) : () -> ()
    "tpu.region"() ({
      %run_scoped3A = tpu.sem_alloc : memref<!tpu.dma_semaphore, #tpu.memory_space<semaphore_mem>>
      %dma_start3A_41 = arith.constant 0 : i32
      %dma_start3A_42 = tpu.memref_slice %arg2[%mul3A_13, %dma_start3A_41] : memref<2560x128xi32, #tpu.memory_space<hbm>> -> memref<1x128xi32, #tpu.memory_space<hbm>>
      %dma_start3A_43 = tpu.memref_squeeze %dma_start3A_42 : memref<1x128xi32, #tpu.memory_space<hbm>> -> memref<128xi32, #tpu.memory_space<hbm>>
      %dma_start3A_44 = arith.constant 0 : i32
      %dma_start3A_45 = tpu.memref_slice %arg2[%mul3A_13, %dma_start3A_44] : memref<2560x128xi32, #tpu.memory_space<hbm>> -> memref<1x128xi32, #tpu.memory_space<hbm>>
      %dma_start3A_46 = tpu.memref_squeeze %dma_start3A_45 : memref<1x128xi32, #tpu.memory_space<hbm>> -> memref<128xi32, #tpu.memory_space<hbm>>
      tpu.enqueue_dma source(%dma_start3A_46 : memref<128xi32, #tpu.memory_space<hbm>>) target(%arg6 : memref<128xi32, #tpu.memory_space<vmem>>) target_semaphore(%run_scoped3A : memref<!tpu.dma_semaphore, #tpu.memory_space<semaphore_mem>>)
      %dma_wait3A = arith.constant 0 : i32
      %dma_wait3A_47 = tpu.memref_slice %arg2[%mul3A_13, %dma_wait3A] : memref<2560x128xi32, #tpu.memory_space<hbm>> -> memref<1x128xi32, #tpu.memory_space<hbm>>
      %dma_wait3A_48 = tpu.memref_squeeze %dma_wait3A_47 : memref<1x128xi32, #tpu.memory_space<hbm>> -> memref<128xi32, #tpu.memory_space<hbm>>
      %dma_wait3A_49 = arith.constant 0 : i32
      %dma_wait3A_50 = tpu.memref_slice %arg2[%mul3A_13, %dma_wait3A_49] : memref<2560x128xi32, #tpu.memory_space<hbm>> -> memref<1x128xi32, #tpu.memory_space<hbm>>
      %dma_wait3A_51 = tpu.memref_squeeze %dma_wait3A_50 : memref<1x128xi32, #tpu.memory_space<hbm>> -> memref<128xi32, #tpu.memory_space<hbm>>
      tpu.wait_dma2 semaphore(%run_scoped3A : memref<!tpu.dma_semaphore, #tpu.memory_space<semaphore_mem>>) src(%dma_wait3A_51 : memref<128xi32, #tpu.memory_space<hbm>>) dst(%arg6 : memref<128xi32, #tpu.memory_space<vmem>>)
      tpu.yield
    }) : () -> ()
    %add3A_14 = arith.constant 1 : i32
    %add3A_15 = arith.addi %mul3A_13, %add3A_14 : i32
    %dma_start3A = arith.constant 0 : i32
    %dma_start3A_16 = tpu.memref_slice %arg2[%add3A_15, %dma_start3A] : memref<2560x128xi32, #tpu.memory_space<hbm>> -> memref<1x128xi32, #tpu.memory_space<hbm>>
    %dma_start3A_17 = tpu.memref_squeeze %dma_start3A_16 : memref<1x128xi32, #tpu.memory_space<hbm>> -> memref<128xi32, #tpu.memory_space<hbm>>
    %dma_start3A_18 = arith.constant 0 : i32
    %dma_start3A_19 = tpu.memref_slice %arg2[%add3A_15, %dma_start3A_18] : memref<2560x128xi32, #tpu.memory_space<hbm>> -> memref<1x128xi32, #tpu.memory_space<hbm>>
    %dma_start3A_20 = tpu.memref_squeeze %dma_start3A_19 : memref<1x128xi32, #tpu.memory_space<hbm>> -> memref<128xi32, #tpu.memory_space<hbm>>
    tpu.enqueue_dma source(%dma_start3A_20 : memref<128xi32, #tpu.memory_space<hbm>>) target(%arg7 : memref<128xi32, #tpu.memory_space<vmem>>) target_semaphore(%arg14 : memref<!tpu.dma_semaphore, #tpu.memory_space<semaphore_mem>>)
    %dma_start3A_21 = arith.constant 0 : i32
    %dma_start3A_22 = arith.constant 0 : i32
    %dma_start3A_23 = tpu.memref_slice %arg4[%dma_start3A_21, %dma_start3A_22] : memref<10000x128xf32, #tpu.memory_space<hbm>> -> memref<10000x128xf32, #tpu.memory_space<hbm>>
    tpu.enqueue_indirect_dma source(%dma_start3A_23 : memref<10000x128xf32, #tpu.memory_space<hbm>>) target(%arg9 : memref<128x128xf32, #tpu.memory_space<vmem>>) offsets(%arg6 : memref<128xi32, #tpu.memory_space<vmem>>) semaphore(%arg12 : memref<!tpu.dma_semaphore, #tpu.memory_space<semaphore_mem>>)
    %scan3A_24 = arith.constant 0 : i32
    %scan3A_25 = arith.constant 0 : i32
    %scan3A_26 = arith.constant 40 : i32
    %scan3A_27 = arith.addi %scan3A_25, %scan3A_26 : i32
    %scan3A_28 = arith.constant 1 : i32
    scf.for %scan3A_41 = %scan3A_25 to %scan3A_27 step %scan3A_28  : i32 {
      %mul3A_42 = arith.constant 2 : i32
      %mul3A_43 = arith.muli %mul3A_42, %scan3A_41 : i32
      %add3A_44 = arith.constant 0 : i32
      %add3A_45 = arith.addi %mul3A_43, %add3A_44 : i32
      %dma_wait3A = arith.constant 0 : i32
      %dma_wait3A_46 = arith.constant 0 : i32
      %dma_wait3A_47 = tpu.memref_slice %arg4[%dma_wait3A, %dma_wait3A_46] : memref<10000x128xf32, #tpu.memory_space<hbm>> -> memref<10000x128xf32, #tpu.memory_space<hbm>>
      tpu.wait_indirect_dma semaphore(%arg12 : memref<!tpu.dma_semaphore, #tpu.memory_space<semaphore_mem>>) src(%dma_wait3A_47 : memref<10000x128xf32, #tpu.memory_space<hbm>>) dst(%arg9 : memref<128x128xf32, #tpu.memory_space<vmem>>)
      %add3A_48 = arith.constant 2 : i32
      %add3A_49 = arith.addi %add3A_45, %add3A_48 : i32
      %lt3A_50 = arith.constant 80 : i32
      %lt3A_51 = arith.cmpi slt, %add3A_49, %lt3A_50 : i32
      %convert_element_type3A_52 = arith.extui %lt3A_51 : i1 to i32
      %cond3A_53 = arith.constant 0 : i32
      %cond3A_54 = arith.cmpi ne, %convert_element_type3A_52, %cond3A_53 : i32
      scf.if %cond3A_54 {
        %add3A_83 = arith.addi %mul3A_13, %add3A_45 : i32
        %add3A_84 = arith.constant 2 : i32
        %add3A_85 = arith.addi %add3A_83, %add3A_84 : i32
        %dma_start3A_86 = arith.constant 0 : i32
        %dma_start3A_87 = tpu.memref_slice %arg2[%add3A_85, %dma_start3A_86] : memref<2560x128xi32, #tpu.memory_space<hbm>> -> memref<1x128xi32, #tpu.memory_space<hbm>>
        %dma_start3A_88 = tpu.memref_squeeze %dma_start3A_87 : memref<1x128xi32, #tpu.memory_space<hbm>> -> memref<128xi32, #tpu.memory_space<hbm>>
        %dma_start3A_89 = arith.constant 0 : i32
        %dma_start3A_90 = tpu.memref_slice %arg2[%add3A_85, %dma_start3A_89] : memref<2560x128xi32, #tpu.memory_space<hbm>> -> memref<1x128xi32, #tpu.memory_space<hbm>>
        %dma_start3A_91 = tpu.memref_squeeze %dma_start3A_90 : memref<1x128xi32, #tpu.memory_space<hbm>> -> memref<128xi32, #tpu.memory_space<hbm>>
        tpu.enqueue_dma source(%dma_start3A_91 : memref<128xi32, #tpu.memory_space<hbm>>) target(%arg6 : memref<128xi32, #tpu.memory_space<vmem>>) target_semaphore(%arg13 : memref<!tpu.dma_semaphore, #tpu.memory_space<semaphore_mem>>)
      } else {
      }
      %add3A_55 = arith.constant 1 : i32
      %add3A_56 = arith.addi %add3A_45, %add3A_55 : i32
      %lt3A_57 = arith.constant 80 : i32
      %lt3A_58 = arith.cmpi slt, %add3A_56, %lt3A_57 : i32
      %convert_element_type3A_59 = arith.extui %lt3A_58 : i1 to i32
      %cond3A_60 = arith.constant 0 : i32
      %cond3A_61 = arith.cmpi ne, %convert_element_type3A_59, %cond3A_60 : i32
      scf.if %cond3A_61 {
        %add3A_83 = arith.addi %mul3A_13, %add3A_45 : i32
        %add3A_84 = arith.constant 1 : i32
        %add3A_85 = arith.addi %add3A_83, %add3A_84 : i32
        %dma_wait3A_86 = arith.constant 0 : i32
        %dma_wait3A_87 = tpu.memref_slice %arg2[%add3A_85, %dma_wait3A_86] : memref<2560x128xi32, #tpu.memory_space<hbm>> -> memref<1x128xi32, #tpu.memory_space<hbm>>
        %dma_wait3A_88 = tpu.memref_squeeze %dma_wait3A_87 : memref<1x128xi32, #tpu.memory_space<hbm>> -> memref<128xi32, #tpu.memory_space<hbm>>
        %dma_wait3A_89 = arith.constant 0 : i32
        %dma_wait3A_90 = tpu.memref_slice %arg2[%add3A_85, %dma_wait3A_89] : memref<2560x128xi32, #tpu.memory_space<hbm>> -> memref<1x128xi32, #tpu.memory_space<hbm>>
        %dma_wait3A_91 = tpu.memref_squeeze %dma_wait3A_90 : memref<1x128xi32, #tpu.memory_space<hbm>> -> memref<128xi32, #tpu.memory_space<hbm>>
        tpu.wait_dma2 semaphore(%arg14 : memref<!tpu.dma_semaphore, #tpu.memory_space<semaphore_mem>>) src(%dma_wait3A_91 : memref<128xi32, #tpu.memory_space<hbm>>) dst(%arg7 : memref<128xi32, #tpu.memory_space<vmem>>)
        %dma_start3A_92 = arith.constant 0 : i32
        %dma_start3A_93 = arith.constant 0 : i32
        %dma_start3A_94 = tpu.memref_slice %arg4[%dma_start3A_92, %dma_start3A_93] : memref<10000x128xf32, #tpu.memory_space<hbm>> -> memref<10000x128xf32, #tpu.memory_space<hbm>>
        tpu.enqueue_indirect_dma source(%dma_start3A_94 : memref<10000x128xf32, #tpu.memory_space<hbm>>) target(%arg10 : memref<128x128xf32, #tpu.memory_space<vmem>>) offsets(%arg7 : memref<128xi32, #tpu.memory_space<vmem>>) semaphore(%arg12 : memref<!tpu.dma_semaphore, #tpu.memory_space<semaphore_mem>>)
      } else {
      }
      "tpu.region"() ({
        %run_scoped3A = tpu.sem_alloc : memref<!tpu.dma_semaphore, #tpu.memory_space<semaphore_mem>>
        %dma_start3A_83 = arith.constant 0 : i32
        %dma_start3A_84 = tpu.memref_slice %arg8[%add3A_45, %dma_start3A_83] : memref<80x128xi32, #tpu.memory_space<vmem>> -> memref<1x128xi32, #tpu.memory_space<vmem>>
        %dma_start3A_85 = tpu.memref_squeeze %dma_start3A_84 : memref<1x128xi32, #tpu.memory_space<vmem>> -> memref<128xi32, #tpu.memory_space<vmem>>
        %dma_start3A_86 = arith.constant 0 : i32
        %dma_start3A_87 = arith.constant 0 : i32
        %dma_start3A_88 = tpu.memref_slice %arg11[%dma_start3A_86, %dma_start3A_87] : memref<10064x128xf32, #tpu.memory_space<vmem_shared>> -> memref<10064x128xf32, #tpu.memory_space<vmem_shared>>
        tpu.enqueue_indirect_dma source(%arg9 : memref<128x128xf32, #tpu.memory_space<vmem>>) target(%dma_start3A_88 : memref<10064x128xf32, #tpu.memory_space<vmem_shared>>) offsets(%dma_start3A_85 : memref<128xi32, #tpu.memory_space<vmem>>) semaphore(%run_scoped3A : memref<!tpu.dma_semaphore, #tpu.memory_space<semaphore_mem>>) {add = true}
        %dma_wait3A_89 = arith.constant 0 : i32
        %dma_wait3A_90 = tpu.memref_slice %arg8[%add3A_45, %dma_wait3A_89] : memref<80x128xi32, #tpu.memory_space<vmem>> -> memref<1x128xi32, #tpu.memory_space<vmem>>
        %dma_wait3A_91 = tpu.memref_squeeze %dma_wait3A_90 : memref<1x128xi32, #tpu.memory_space<vmem>> -> memref<128xi32, #tpu.memory_space<vmem>>
        %dma_wait3A_92 = arith.constant 0 : i32
        %dma_wait3A_93 = arith.constant 0 : i32
        %dma_wait3A_94 = tpu.memref_slice %arg11[%dma_wait3A_92, %dma_wait3A_93] : memref<10064x128xf32, #tpu.memory_space<vmem_shared>> -> memref<10064x128xf32, #tpu.memory_space<vmem_shared>>
        tpu.wait_indirect_dma semaphore(%run_scoped3A : memref<!tpu.dma_semaphore, #tpu.memory_space<semaphore_mem>>) src(%arg9 : memref<128x128xf32, #tpu.memory_space<vmem>>) dst(%dma_wait3A_94 : memref<10064x128xf32, #tpu.memory_space<vmem_shared>>)
        tpu.yield
      }) : () -> ()
      %mul3A_62 = arith.constant 2 : i32
      %mul3A_63 = arith.muli %mul3A_62, %scan3A_41 : i32
      %add3A_64 = arith.constant 1 : i32
      %add3A_65 = arith.addi %mul3A_63, %add3A_64 : i32
      %dma_wait3A_66 = arith.constant 0 : i32
      %dma_wait3A_67 = arith.constant 0 : i32
      %dma_wait3A_68 = tpu.memref_slice %arg4[%dma_wait3A_66, %dma_wait3A_67] : memref<10000x128xf32, #tpu.memory_space<hbm>> -> memref<10000x128xf32, #tpu.memory_space<hbm>>
      tpu.wait_indirect_dma semaphore(%arg12 : memref<!tpu.dma_semaphore, #tpu.memory_space<semaphore_mem>>) src(%dma_wait3A_68 : memref<10000x128xf32, #tpu.memory_space<hbm>>) dst(%arg10 : memref<128x128xf32, #tpu.memory_space<vmem>>)
      %add3A_69 = arith.constant 2 : i32
      %add3A_70 = arith.addi %add3A_65, %add3A_69 : i32
      %lt3A_71 = arith.constant 80 : i32
      %lt3A_72 = arith.cmpi slt, %add3A_70, %lt3A_71 : i32
      %convert_element_type3A_73 = arith.extui %lt3A_72 : i1 to i32
      %cond3A_74 = arith.constant 0 : i32
      %cond3A_75 = arith.cmpi ne, %convert_element_type3A_73, %cond3A_74 : i32
      scf.if %cond3A_75 {
        %add3A_83 = arith.addi %mul3A_13, %add3A_65 : i32
        %add3A_84 = arith.constant 2 : i32
        %add3A_85 = arith.addi %add3A_83, %add3A_84 : i32
        %dma_start3A_86 = arith.constant 0 : i32
        %dma_start3A_87 = tpu.memref_slice %arg2[%add3A_85, %dma_start3A_86] : memref<2560x128xi32, #tpu.memory_space<hbm>> -> memref<1x128xi32, #tpu.memory_space<hbm>>
        %dma_start3A_88 = tpu.memref_squeeze %dma_start3A_87 : memref<1x128xi32, #tpu.memory_space<hbm>> -> memref<128xi32, #tpu.memory_space<hbm>>
        %dma_start3A_89 = arith.constant 0 : i32
        %dma_start3A_90 = tpu.memref_slice %arg2[%add3A_85, %dma_start3A_89] : memref<2560x128xi32, #tpu.memory_space<hbm>> -> memref<1x128xi32, #tpu.memory_space<hbm>>
        %dma_start3A_91 = tpu.memref_squeeze %dma_start3A_90 : memref<1x128xi32, #tpu.memory_space<hbm>> -> memref<128xi32, #tpu.memory_space<hbm>>
        tpu.enqueue_dma source(%dma_start3A_91 : memref<128xi32, #tpu.memory_space<hbm>>) target(%arg7 : memref<128xi32, #tpu.memory_space<vmem>>) target_semaphore(%arg14 : memref<!tpu.dma_semaphore, #tpu.memory_space<semaphore_mem>>)
      } else {
      }
      %add3A_76 = arith.constant 1 : i32
      %add3A_77 = arith.addi %add3A_65, %add3A_76 : i32
      %lt3A_78 = arith.constant 80 : i32
      %lt3A_79 = arith.cmpi slt, %add3A_77, %lt3A_78 : i32
      %convert_element_type3A_80 = arith.extui %lt3A_79 : i1 to i32
      %cond3A_81 = arith.constant 0 : i32
      %cond3A_82 = arith.cmpi ne, %convert_element_type3A_80, %cond3A_81 : i32
      scf.if %cond3A_82 {
        %add3A_83 = arith.addi %mul3A_13, %add3A_65 : i32
        %add3A_84 = arith.constant 1 : i32
        %add3A_85 = arith.addi %add3A_83, %add3A_84 : i32
        %dma_wait3A_86 = arith.constant 0 : i32
        %dma_wait3A_87 = tpu.memref_slice %arg2[%add3A_85, %dma_wait3A_86] : memref<2560x128xi32, #tpu.memory_space<hbm>> -> memref<1x128xi32, #tpu.memory_space<hbm>>
        %dma_wait3A_88 = tpu.memref_squeeze %dma_wait3A_87 : memref<1x128xi32, #tpu.memory_space<hbm>> -> memref<128xi32, #tpu.memory_space<hbm>>
        %dma_wait3A_89 = arith.constant 0 : i32
        %dma_wait3A_90 = tpu.memref_slice %arg2[%add3A_85, %dma_wait3A_89] : memref<2560x128xi32, #tpu.memory_space<hbm>> -> memref<1x128xi32, #tpu.memory_space<hbm>>
        %dma_wait3A_91 = tpu.memref_squeeze %dma_wait3A_90 : memref<1x128xi32, #tpu.memory_space<hbm>> -> memref<128xi32, #tpu.memory_space<hbm>>
        tpu.wait_dma2 semaphore(%arg13 : memref<!tpu.dma_semaphore, #tpu.memory_space<semaphore_mem>>) src(%dma_wait3A_91 : memref<128xi32, #tpu.memory_space<hbm>>) dst(%arg6 : memref<128xi32, #tpu.memory_space<vmem>>)
        %dma_start3A_92 = arith.constant 0 : i32
        %dma_start3A_93 = arith.constant 0 : i32
        %dma_start3A_94 = tpu.memref_slice %arg4[%dma_start3A_92, %dma_start3A_93] : memref<10000x128xf32, #tpu.memory_space<hbm>> -> memref<10000x128xf32, #tpu.memory_space<hbm>>
        tpu.enqueue_indirect_dma source(%dma_start3A_94 : memref<10000x128xf32, #tpu.memory_space<hbm>>) target(%arg9 : memref<128x128xf32, #tpu.memory_space<vmem>>) offsets(%arg6 : memref<128xi32, #tpu.memory_space<vmem>>) semaphore(%arg12 : memref<!tpu.dma_semaphore, #tpu.memory_space<semaphore_mem>>)
      } else {
      }
      "tpu.region"() ({
        %run_scoped3A = tpu.sem_alloc : memref<!tpu.dma_semaphore, #tpu.memory_space<semaphore_mem>>
        %dma_start3A_83 = arith.constant 0 : i32
        %dma_start3A_84 = tpu.memref_slice %arg8[%add3A_65, %dma_start3A_83] : memref<80x128xi32, #tpu.memory_space<vmem>> -> memref<1x128xi32, #tpu.memory_space<vmem>>
        %dma_start3A_85 = tpu.memref_squeeze %dma_start3A_84 : memref<1x128xi32, #tpu.memory_space<vmem>> -> memref<128xi32, #tpu.memory_space<vmem>>
        %dma_start3A_86 = arith.constant 0 : i32
        %dma_start3A_87 = arith.constant 0 : i32
        %dma_start3A_88 = tpu.memref_slice %arg11[%dma_start3A_86, %dma_start3A_87] : memref<10064x128xf32, #tpu.memory_space<vmem_shared>> -> memref<10064x128xf32, #tpu.memory_space<vmem_shared>>
        tpu.enqueue_indirect_dma source(%arg10 : memref<128x128xf32, #tpu.memory_space<vmem>>) target(%dma_start3A_88 : memref<10064x128xf32, #tpu.memory_space<vmem_shared>>) offsets(%dma_start3A_85 : memref<128xi32, #tpu.memory_space<vmem>>) semaphore(%run_scoped3A : memref<!tpu.dma_semaphore, #tpu.memory_space<semaphore_mem>>) {add = true}
        %dma_wait3A_89 = arith.constant 0 : i32
        %dma_wait3A_90 = tpu.memref_slice %arg8[%add3A_65, %dma_wait3A_89] : memref<80x128xi32, #tpu.memory_space<vmem>> -> memref<1x128xi32, #tpu.memory_space<vmem>>
        %dma_wait3A_91 = tpu.memref_squeeze %dma_wait3A_90 : memref<1x128xi32, #tpu.memory_space<vmem>> -> memref<128xi32, #tpu.memory_space<vmem>>
        %dma_wait3A_92 = arith.constant 0 : i32
        %dma_wait3A_93 = arith.constant 0 : i32
        %dma_wait3A_94 = tpu.memref_slice %arg11[%dma_wait3A_92, %dma_wait3A_93] : memref<10064x128xf32, #tpu.memory_space<vmem_shared>> -> memref<10064x128xf32, #tpu.memory_space<vmem_shared>>
        tpu.wait_indirect_dma semaphore(%run_scoped3A : memref<!tpu.dma_semaphore, #tpu.memory_space<semaphore_mem>>) src(%arg10 : memref<128x128xf32, #tpu.memory_space<vmem>>) dst(%dma_wait3A_94 : memref<10064x128xf32, #tpu.memory_space<vmem_shared>>)
        tpu.yield
      }) : () -> ()
    }
    %scan3A_29 = arith.constant 40 : i32
    %barrier3A_30 = arith.constant 0 : index
    tpu.barrier barrier_id(%barrier3A_30)
    %lt3A_31 = arith.constant 15 : i32
    %lt3A_32 = arith.cmpi slt, %arg1, %lt3A_31 : i32
    %convert_element_type3A_33 = arith.extui %lt3A_32 : i1 to i32
    %cond3A_34 = arith.constant 0 : i32
    %cond3A_35 = arith.cmpi ne, %convert_element_type3A_33, %cond3A_34 : i32
    scf.if %cond3A_35 {
      %mul3A_41 = arith.constant 640 : i32
      %mul3A_42 = arith.muli %arg1, %mul3A_41 : i32
      %mul3A_43 = arith.constant 10000 : i32
      %mul3A_44 = arith.muli %arg0, %mul3A_43 : i32
      %add3A_45 = arith.addi %mul3A_44, %mul3A_42 : i32
      "tpu.region"() ({
        %run_scoped3A = tpu.sem_alloc : memref<!tpu.dma_semaphore, #tpu.memory_space<semaphore_mem>>
        %dma_start3A_46 = arith.constant 0 : i32
        %dma_start3A_47 = tpu.memref_slice %arg5[%add3A_45, %dma_start3A_46] : memref<20000x128xf32, #tpu.memory_space<hbm>> -> memref<640x128xf32, #tpu.memory_space<hbm>>
        %dma_start3A_48 = arith.constant 0 : i32
        %dma_start3A_49 = tpu.memref_slice %arg11[%mul3A_42, %dma_start3A_48] : memref<10064x128xf32, #tpu.memory_space<vmem_shared>> -> memref<640x128xf32, #tpu.memory_space<vmem_shared>>
        tpu.enqueue_dma source(%dma_start3A_49 : memref<640x128xf32, #tpu.memory_space<vmem_shared>>) target(%dma_start3A_47 : memref<640x128xf32, #tpu.memory_space<hbm>>) target_semaphore(%run_scoped3A : memref<!tpu.dma_semaphore, #tpu.memory_space<semaphore_mem>>)
        %dma_wait3A = arith.constant 0 : i32
        %dma_wait3A_50 = tpu.memref_slice %arg5[%add3A_45, %dma_wait3A] : memref<20000x128xf32, #tpu.memory_space<hbm>> -> memref<640x128xf32, #tpu.memory_space<hbm>>
        %dma_wait3A_51 = arith.constant 0 : i32
        %dma_wait3A_52 = tpu.memref_slice %arg11[%mul3A_42, %dma_wait3A_51] : memref<10064x128xf32, #tpu.memory_space<vmem_shared>> -> memref<640x128xf32, #tpu.memory_space<vmem_shared>>
        tpu.wait_dma2 semaphore(%run_scoped3A : memref<!tpu.dma_semaphore, #tpu.memory_space<semaphore_mem>>) src(%dma_wait3A_52 : memref<640x128xf32, #tpu.memory_space<vmem_shared>>) dst(%dma_wait3A_50 : memref<640x128xf32, #tpu.memory_space<hbm>>)
        tpu.yield
      }) : () -> ()
    } else {
    }
    %eq3A_36 = arith.constant 15 : i32
    %eq3A_37 = arith.cmpi eq, %arg1, %eq3A_36 : i32
    %convert_element_type3A_38 = arith.extui %eq3A_37 : i1 to i32
    %cond3A_39 = arith.constant 0 : i32
    %cond3A_40 = arith.cmpi ne, %convert_element_type3A_38, %cond3A_39 : i32
    scf.if %cond3A_40 {
      %mul3A_41 = arith.constant 10000 : i32
      %mul3A_42 = arith.muli %arg0, %mul3A_41 : i32
      %add3A_43 = arith.constant 9600 : i32
      %add3A_44 = arith.addi %mul3A_42, %add3A_43 : i32
      "tpu.region"() ({
        %run_scoped3A = tpu.sem_alloc : memref<!tpu.dma_semaphore, #tpu.memory_space<semaphore_mem>>
        %dma_start3A_45 = arith.constant 0 : i32
        %dma_start3A_46 = tpu.memref_slice %arg5[%add3A_44, %dma_start3A_45] : memref<20000x128xf32, #tpu.memory_space<hbm>> -> memref<400x128xf32, #tpu.memory_space<hbm>>
        %dma_start3A_47 = arith.constant 9600 : i32
        %dma_start3A_48 = arith.constant 0 : i32
        %dma_start3A_49 = tpu.memref_slice %arg11[%dma_start3A_47, %dma_start3A_48] : memref<10064x128xf32, #tpu.memory_space<vmem_shared>> -> memref<400x128xf32, #tpu.memory_space<vmem_shared>>
        tpu.enqueue_dma source(%dma_start3A_49 : memref<400x128xf32, #tpu.memory_space<vmem_shared>>) target(%dma_start3A_46 : memref<400x128xf32, #tpu.memory_space<hbm>>) target_semaphore(%run_scoped3A : memref<!tpu.dma_semaphore, #tpu.memory_space<semaphore_mem>>)
        %dma_wait3A = arith.constant 0 : i32
        %dma_wait3A_50 = tpu.memref_slice %arg5[%add3A_44, %dma_wait3A] : memref<20000x128xf32, #tpu.memory_space<hbm>> -> memref<400x128xf32, #tpu.memory_space<hbm>>
        %dma_wait3A_51 = arith.constant 9600 : i32
        %dma_wait3A_52 = arith.constant 0 : i32
        %dma_wait3A_53 = tpu.memref_slice %arg11[%dma_wait3A_51, %dma_wait3A_52] : memref<10064x128xf32, #tpu.memory_space<vmem_shared>> -> memref<400x128xf32, #tpu.memory_space<vmem_shared>>
        tpu.wait_dma2 semaphore(%run_scoped3A : memref<!tpu.dma_semaphore, #tpu.memory_space<semaphore_mem>>) src(%dma_wait3A_53 : memref<400x128xf32, #tpu.memory_space<vmem_shared>>) dst(%dma_wait3A_50 : memref<400x128xf32, #tpu.memory_space<hbm>>)
        tpu.yield
      }) : () -> ()
    } else {
    }
    return
  }
}

#map = affine_map<(d0, d1) -> (0, 0)>
module attributes {stable_mosaic.version = 14 : i64} {
  func.func @_gs_body(%arg0: i32, %arg1: i32, %arg2: memref<2560x128xi32, #tpu.memory_space<hbm>>, %arg3: memref<2560x128xi32, #tpu.memory_space<hbm>>, %arg4: memref<10000x128xf32, #tpu.memory_space<hbm>>, %arg5: memref<20000x128xf32, #tpu.memory_space<hbm>>, %arg6: memref<128xi32, #tpu.memory_space<vmem>>, %arg7: memref<128xi32, #tpu.memory_space<vmem>>, %arg8: memref<80x128xi32, #tpu.memory_space<vmem>>, %arg9: memref<128x128xf32, #tpu.memory_space<vmem>>, %arg10: memref<128x128xf32, #tpu.memory_space<vmem>>, %arg11: memref<10064x128xf32, #tpu.memory_space<vmem_shared>>, %arg12: memref<!tpu.dma_semaphore, #tpu.memory_space<semaphore_mem>>, %arg13: memref<!tpu.dma_semaphore, #tpu.memory_space<semaphore_mem>>, %arg14: memref<!tpu.dma_semaphore, #tpu.memory_space<semaphore_mem>>) attributes {dimension_semantics = [#tpu.dimension_semantics<core_parallel>, #tpu.dimension_semantics<subcore_parallel>], iteration_bounds = array<i64: 2, 16>, scalar_prefetch = 0 : i64, scratch_operands = 9 : i64, tpu.core_type = #tpu.core_type<sc_vector_subcore>, window_params = [{transform_indices = #map}, {transform_indices = #map}, {transform_indices = #map}, {transform_indices = #map}]} {
    %mul3A = arith.constant 2 : i32
    %mul3A_0 = arith.muli %arg1, %mul3A : i32
    %add3A = arith.addi %mul3A_0, %arg0 : i32
    %scan3A = arith.constant 0 : i32
    %scan3A_1 = arith.constant 0 : i32
    %scan3A_2 = arith.constant 128 : i32
    %scan3A_3 = arith.addi %scan3A_1, %scan3A_2 : i32
    %scan3A_4 = arith.constant 1 : i32
    scf.for %scan3A_41 = %scan3A_1 to %scan3A_3 step %scan3A_4  : i32 {
      %broadcast_in_dim3A = arith.constant 0.000000e+00 : f32
      %broadcast_in_dim3A_42 = vector.broadcast %broadcast_in_dim3A : f32 to vector<16xf32>
      %swap3A = arith.index_cast %scan3A_41 : i32 to index
      %swap3A_43 = arith.constant 0 : index
      %swap3A_44 = tpu.vector_load %arg9[%swap3A, %swap3A_43] {strides = array<i32>} : memref<128x128xf32, #tpu.memory_space<vmem>>, vector<1x16xf32>,
      %swap3A_45 = vector.shape_cast %swap3A_44 : vector<1x16xf32> to vector<16xf32>
      %swap3A_46 = vector.shape_cast %broadcast_in_dim3A_42 : vector<16xf32> to vector<1x16xf32>
      tpu.vector_store %arg9[%swap3A, %swap3A_43], %swap3A_46 {strides = array<i32>} : memref<128x128xf32, #tpu.memory_space<vmem>>, vector<1x16xf32>,
      %broadcast_in_dim3A_47 = arith.constant 0.000000e+00 : f32
      %broadcast_in_dim3A_48 = vector.broadcast %broadcast_in_dim3A_47 : f32 to vector<16xf32>
      %swap3A_49 = arith.index_cast %scan3A_41 : i32 to index
      %swap3A_50 = arith.constant 16 : index
      %swap3A_51 = tpu.vector_load %arg9[%swap3A_49, %swap3A_50] {strides = array<i32>} : memref<128x128xf32, #tpu.memory_space<vmem>>, vector<1x16xf32>,
      %swap3A_52 = vector.shape_cast %swap3A_51 : vector<1x16xf32> to vector<16xf32>
      %swap3A_53 = vector.shape_cast %broadcast_in_dim3A_48 : vector<16xf32> to vector<1x16xf32>
      tpu.vector_store %arg9[%swap3A_49, %swap3A_50], %swap3A_53 {strides = array<i32>} : memref<128x128xf32, #tpu.memory_space<vmem>>, vector<1x16xf32>,
      %broadcast_in_dim3A_54 = arith.constant 0.000000e+00 : f32
      %broadcast_in_dim3A_55 = vector.broadcast %broadcast_in_dim3A_54 : f32 to vector<16xf32>
      %swap3A_56 = arith.index_cast %scan3A_41 : i32 to index
      %swap3A_57 = arith.constant 32 : index
      %swap3A_58 = tpu.vector_load %arg9[%swap3A_56, %swap3A_57] {strides = array<i32>} : memref<128x128xf32, #tpu.memory_space<vmem>>, vector<1x16xf32>,
      %swap3A_59 = vector.shape_cast %swap3A_58 : vector<1x16xf32> to vector<16xf32>
      %swap3A_60 = vector.shape_cast %broadcast_in_dim3A_55 : vector<16xf32> to vector<1x16xf32>
      tpu.vector_store %arg9[%swap3A_56, %swap3A_57], %swap3A_60 {strides = array<i32>} : memref<128x128xf32, #tpu.memory_space<vmem>>, vector<1x16xf32>,
      %broadcast_in_dim3A_61 = arith.constant 0.000000e+00 : f32
      %broadcast_in_dim3A_62 = vector.broadcast %broadcast_in_dim3A_61 : f32 to vector<16xf32>
      %swap3A_63 = arith.index_cast %scan3A_41 : i32 to index
      %swap3A_64 = arith.constant 48 : index
      %swap3A_65 = tpu.vector_load %arg9[%swap3A_63, %swap3A_64] {strides = array<i32>} : memref<128x128xf32, #tpu.memory_space<vmem>>, vector<1x16xf32>,
      %swap3A_66 = vector.shape_cast %swap3A_65 : vector<1x16xf32> to vector<16xf32>
      %swap3A_67 = vector.shape_cast %broadcast_in_dim3A_62 : vector<16xf32> to vector<1x16xf32>
      tpu.vector_store %arg9[%swap3A_63, %swap3A_64], %swap3A_67 {strides = array<i32>} : memref<128x128xf32, #tpu.memory_space<vmem>>, vector<1x16xf32>,
      %broadcast_in_dim3A_68 = arith.constant 0.000000e+00 : f32
      %broadcast_in_dim3A_69 = vector.broadcast %broadcast_in_dim3A_68 : f32 to vector<16xf32>
      %swap3A_70 = arith.index_cast %scan3A_41 : i32 to index
      %swap3A_71 = arith.constant 64 : index
      %swap3A_72 = tpu.vector_load %arg9[%swap3A_70, %swap3A_71] {strides = array<i32>} : memref<128x128xf32, #tpu.memory_space<vmem>>, vector<1x16xf32>,
      %swap3A_73 = vector.shape_cast %swap3A_72 : vector<1x16xf32> to vector<16xf32>
      %swap3A_74 = vector.shape_cast %broadcast_in_dim3A_69 : vector<16xf32> to vector<1x16xf32>
      tpu.vector_store %arg9[%swap3A_70, %swap3A_71], %swap3A_74 {strides = array<i32>} : memref<128x128xf32, #tpu.memory_space<vmem>>, vector<1x16xf32>,
      %broadcast_in_dim3A_75 = arith.constant 0.000000e+00 : f32
      %broadcast_in_dim3A_76 = vector.broadcast %broadcast_in_dim3A_75 : f32 to vector<16xf32>
      %swap3A_77 = arith.index_cast %scan3A_41 : i32 to index
      %swap3A_78 = arith.constant 80 : index
      %swap3A_79 = tpu.vector_load %arg9[%swap3A_77, %swap3A_78] {strides = array<i32>} : memref<128x128xf32, #tpu.memory_space<vmem>>, vector<1x16xf32>,
      %swap3A_80 = vector.shape_cast %swap3A_79 : vector<1x16xf32> to vector<16xf32>
      %swap3A_81 = vector.shape_cast %broadcast_in_dim3A_76 : vector<16xf32> to vector<1x16xf32>
      tpu.vector_store %arg9[%swap3A_77, %swap3A_78], %swap3A_81 {strides = array<i32>} : memref<128x128xf32, #tpu.memory_space<vmem>>, vector<1x16xf32>,
      %broadcast_in_dim3A_82 = arith.constant 0.000000e+00 : f32
      %broadcast_in_dim3A_83 = vector.broadcast %broadcast_in_dim3A_82 : f32 to vector<16xf32>
      %swap3A_84 = arith.index_cast %scan3A_41 : i32 to index
      %swap3A_85 = arith.constant 96 : index
      %swap3A_86 = tpu.vector_load %arg9[%swap3A_84, %swap3A_85] {strides = array<i32>} : memref<128x128xf32, #tpu.memory_space<vmem>>, vector<1x16xf32>,
      %swap3A_87 = vector.shape_cast %swap3A_86 : vector<1x16xf32> to vector<16xf32>
      %swap3A_88 = vector.shape_cast %broadcast_in_dim3A_83 : vector<16xf32> to vector<1x16xf32>
      tpu.vector_store %arg9[%swap3A_84, %swap3A_85], %swap3A_88 {strides = array<i32>} : memref<128x128xf32, #tpu.memory_space<vmem>>, vector<1x16xf32>,
      %broadcast_in_dim3A_89 = arith.constant 0.000000e+00 : f32
      %broadcast_in_dim3A_90 = vector.broadcast %broadcast_in_dim3A_89 : f32 to vector<16xf32>
      %swap3A_91 = arith.index_cast %scan3A_41 : i32 to index
      %swap3A_92 = arith.constant 112 : index
      %swap3A_93 = tpu.vector_load %arg9[%swap3A_91, %swap3A_92] {strides = array<i32>} : memref<128x128xf32, #tpu.memory_space<vmem>>, vector<1x16xf32>,
      %swap3A_94 = vector.shape_cast %swap3A_93 : vector<1x16xf32> to vector<16xf32>
      %swap3A_95 = vector.shape_cast %broadcast_in_dim3A_90 : vector<16xf32> to vector<1x16xf32>
      tpu.vector_store %arg9[%swap3A_91, %swap3A_92], %swap3A_95 {strides = array<i32>} : memref<128x128xf32, #tpu.memory_space<vmem>>, vector<1x16xf32>,
    }
    %scan3A_5 = arith.constant 128 : i32
    %lt3A = arith.constant 15 : i32
    %lt3A_6 = arith.cmpi slt, %arg1, %lt3A : i32
    %convert_element_type3A = arith.extui %lt3A_6 : i1 to i32
    %cond3A = arith.constant 0 : i32
    %cond3A_7 = arith.cmpi ne, %convert_element_type3A, %cond3A : i32
    scf.if %cond3A_7 {
      %mul3A_41 = arith.constant 640 : i32
      %mul3A_42 = arith.muli %arg1, %mul3A_41 : i32
      %add3A_43 = arith.constant 0 : i32
      %add3A_44 = arith.addi %mul3A_42, %add3A_43 : i32
      "tpu.region"() ({
        %run_scoped3A = tpu.sem_alloc : memref<!tpu.dma_semaphore, #tpu.memory_space<semaphore_mem>>
        %dma_start3A_61 = arith.constant 0 : i32
        %dma_start3A_62 = tpu.memref_slice %arg11[%add3A_44, %dma_start3A_61] : memref<10064x128xf32, #tpu.memory_space<vmem_shared>> -> memref<128x128xf32, #tpu.memory_space<vmem_shared>>
        %dma_start3A_63 = arith.constant 0 : i32
        %dma_start3A_64 = tpu.memref_slice %arg11[%add3A_44, %dma_start3A_63] : memref<10064x128xf32, #tpu.memory_space<vmem_shared>> -> memref<128x128xf32, #tpu.memory_space<vmem_shared>>
        tpu.enqueue_dma source(%arg9 : memref<128x128xf32, #tpu.memory_space<vmem>>) target(%dma_start3A_64 : memref<128x128xf32, #tpu.memory_space<vmem_shared>>) target_semaphore(%run_scoped3A : memref<!tpu.dma_semaphore, #tpu.memory_space<semaphore_mem>>)
        %dma_wait3A = arith.constant 0 : i32
        %dma_wait3A_65 = tpu.memref_slice %arg11[%add3A_44, %dma_wait3A] : memref<10064x128xf32, #tpu.memory_space<vmem_shared>> -> memref<128x128xf32, #tpu.memory_space<vmem_shared>>
        %dma_wait3A_66 = arith.constant 0 : i32
        %dma_wait3A_67 = tpu.memref_slice %arg11[%add3A_44, %dma_wait3A_66] : memref<10064x128xf32, #tpu.memory_space<vmem_shared>> -> memref<128x128xf32, #tpu.memory_space<vmem_shared>>
        tpu.wait_dma2 semaphore(%run_scoped3A : memref<!tpu.dma_semaphore, #tpu.memory_space<semaphore_mem>>) src(%arg9 : memref<128x128xf32, #tpu.memory_space<vmem>>) dst(%dma_wait3A_67 : memref<128x128xf32, #tpu.memory_space<vmem_shared>>)
        tpu.yield
      }) : () -> ()
      %mul3A_45 = arith.constant 640 : i32
      %mul3A_46 = arith.muli %arg1, %mul3A_45 : i32
      %add3A_47 = arith.constant 128 : i32
      %add3A_48 = arith.addi %mul3A_46, %add3A_47 : i32
      "tpu.region"() ({
        %run_scoped3A = tpu.sem_alloc : memref<!tpu.dma_semaphore, #tpu.memory_space<semaphore_mem>>
        %dma_start3A_61 = arith.constant 0 : i32
        %dma_start3A_62 = tpu.memref_slice %arg11[%add3A_48, %dma_start3A_61] : memref<10064x128xf32, #tpu.memory_space<vmem_shared>> -> memref<128x128xf32, #tpu.memory_space<vmem_shared>>
        %dma_start3A_63 = arith.constant 0 : i32
        %dma_start3A_64 = tpu.memref_slice %arg11[%add3A_48, %dma_start3A_63] : memref<10064x128xf32, #tpu.memory_space<vmem_shared>> -> memref<128x128xf32, #tpu.memory_space<vmem_shared>>
        tpu.enqueue_dma source(%arg9 : memref<128x128xf32, #tpu.memory_space<vmem>>) target(%dma_start3A_64 : memref<128x128xf32, #tpu.memory_space<vmem_shared>>) target_semaphore(%run_scoped3A : memref<!tpu.dma_semaphore, #tpu.memory_space<semaphore_mem>>)
        %dma_wait3A = arith.constant 0 : i32
        %dma_wait3A_65 = tpu.memref_slice %arg11[%add3A_48, %dma_wait3A] : memref<10064x128xf32, #tpu.memory_space<vmem_shared>> -> memref<128x128xf32, #tpu.memory_space<vmem_shared>>
        %dma_wait3A_66 = arith.constant 0 : i32
        %dma_wait3A_67 = tpu.memref_slice %arg11[%add3A_48, %dma_wait3A_66] : memref<10064x128xf32, #tpu.memory_space<vmem_shared>> -> memref<128x128xf32, #tpu.memory_space<vmem_shared>>
        tpu.wait_dma2 semaphore(%run_scoped3A : memref<!tpu.dma_semaphore, #tpu.memory_space<semaphore_mem>>) src(%arg9 : memref<128x128xf32, #tpu.memory_space<vmem>>) dst(%dma_wait3A_67 : memref<128x128xf32, #tpu.memory_space<vmem_shared>>)
        tpu.yield
      }) : () -> ()
      %mul3A_49 = arith.constant 640 : i32
      %mul3A_50 = arith.muli %arg1, %mul3A_49 : i32
      %add3A_51 = arith.constant 256 : i32
      %add3A_52 = arith.addi %mul3A_50, %add3A_51 : i32
      "tpu.region"() ({
        %run_scoped3A = tpu.sem_alloc : memref<!tpu.dma_semaphore, #tpu.memory_space<semaphore_mem>>
        %dma_start3A_61 = arith.constant 0 : i32
        %dma_start3A_62 = tpu.memref_slice %arg11[%add3A_52, %dma_start3A_61] : memref<10064x128xf32, #tpu.memory_space<vmem_shared>> -> memref<128x128xf32, #tpu.memory_space<vmem_shared>>
        %dma_start3A_63 = arith.constant 0 : i32
        %dma_start3A_64 = tpu.memref_slice %arg11[%add3A_52, %dma_start3A_63] : memref<10064x128xf32, #tpu.memory_space<vmem_shared>> -> memref<128x128xf32, #tpu.memory_space<vmem_shared>>
        tpu.enqueue_dma source(%arg9 : memref<128x128xf32, #tpu.memory_space<vmem>>) target(%dma_start3A_64 : memref<128x128xf32, #tpu.memory_space<vmem_shared>>) target_semaphore(%run_scoped3A : memref<!tpu.dma_semaphore, #tpu.memory_space<semaphore_mem>>)
        %dma_wait3A = arith.constant 0 : i32
        %dma_wait3A_65 = tpu.memref_slice %arg11[%add3A_52, %dma_wait3A] : memref<10064x128xf32, #tpu.memory_space<vmem_shared>> -> memref<128x128xf32, #tpu.memory_space<vmem_shared>>
        %dma_wait3A_66 = arith.constant 0 : i32
        %dma_wait3A_67 = tpu.memref_slice %arg11[%add3A_52, %dma_wait3A_66] : memref<10064x128xf32, #tpu.memory_space<vmem_shared>> -> memref<128x128xf32, #tpu.memory_space<vmem_shared>>
        tpu.wait_dma2 semaphore(%run_scoped3A : memref<!tpu.dma_semaphore, #tpu.memory_space<semaphore_mem>>) src(%arg9 : memref<128x128xf32, #tpu.memory_space<vmem>>) dst(%dma_wait3A_67 : memref<128x128xf32, #tpu.memory_space<vmem_shared>>)
        tpu.yield
      }) : () -> ()
      %mul3A_53 = arith.constant 640 : i32
      %mul3A_54 = arith.muli %arg1, %mul3A_53 : i32
      %add3A_55 = arith.constant 384 : i32
      %add3A_56 = arith.addi %mul3A_54, %add3A_55 : i32
      "tpu.region"() ({
        %run_scoped3A = tpu.sem_alloc : memref<!tpu.dma_semaphore, #tpu.memory_space<semaphore_mem>>
        %dma_start3A_61 = arith.constant 0 : i32
        %dma_start3A_62 = tpu.memref_slice %arg11[%add3A_56, %dma_start3A_61] : memref<10064x128xf32, #tpu.memory_space<vmem_shared>> -> memref<128x128xf32, #tpu.memory_space<vmem_shared>>
        %dma_start3A_63 = arith.constant 0 : i32
        %dma_start3A_64 = tpu.memref_slice %arg11[%add3A_56, %dma_start3A_63] : memref<10064x128xf32, #tpu.memory_space<vmem_shared>> -> memref<128x128xf32, #tpu.memory_space<vmem_shared>>
        tpu.enqueue_dma source(%arg9 : memref<128x128xf32, #tpu.memory_space<vmem>>) target(%dma_start3A_64 : memref<128x128xf32, #tpu.memory_space<vmem_shared>>) target_semaphore(%run_scoped3A : memref<!tpu.dma_semaphore, #tpu.memory_space<semaphore_mem>>)
        %dma_wait3A = arith.constant 0 : i32
        %dma_wait3A_65 = tpu.memref_slice %arg11[%add3A_56, %dma_wait3A] : memref<10064x128xf32, #tpu.memory_space<vmem_shared>> -> memref<128x128xf32, #tpu.memory_space<vmem_shared>>
        %dma_wait3A_66 = arith.constant 0 : i32
        %dma_wait3A_67 = tpu.memref_slice %arg11[%add3A_56, %dma_wait3A_66] : memref<10064x128xf32, #tpu.memory_space<vmem_shared>> -> memref<128x128xf32, #tpu.memory_space<vmem_shared>>
        tpu.wait_dma2 semaphore(%run_scoped3A : memref<!tpu.dma_semaphore, #tpu.memory_space<semaphore_mem>>) src(%arg9 : memref<128x128xf32, #tpu.memory_space<vmem>>) dst(%dma_wait3A_67 : memref<128x128xf32, #tpu.memory_space<vmem_shared>>)
        tpu.yield
      }) : () -> ()
      %mul3A_57 = arith.constant 640 : i32
      %mul3A_58 = arith.muli %arg1, %mul3A_57 : i32
      %add3A_59 = arith.constant 512 : i32
      %add3A_60 = arith.addi %mul3A_58, %add3A_59 : i32
      "tpu.region"() ({
        %run_scoped3A = tpu.sem_alloc : memref<!tpu.dma_semaphore, #tpu.memory_space<semaphore_mem>>
        %dma_start3A_61 = arith.constant 0 : i32
        %dma_start3A_62 = tpu.memref_slice %arg11[%add3A_60, %dma_start3A_61] : memref<10064x128xf32, #tpu.memory_space<vmem_shared>> -> memref<128x128xf32, #tpu.memory_space<vmem_shared>>
        %dma_start3A_63 = arith.constant 0 : i32
        %dma_start3A_64 = tpu.memref_slice %arg11[%add3A_60, %dma_start3A_63] : memref<10064x128xf32, #tpu.memory_space<vmem_shared>> -> memref<128x128xf32, #tpu.memory_space<vmem_shared>>
        tpu.enqueue_dma source(%arg9 : memref<128x128xf32, #tpu.memory_space<vmem>>) target(%dma_start3A_64 : memref<128x128xf32, #tpu.memory_space<vmem_shared>>) target_semaphore(%run_scoped3A : memref<!tpu.dma_semaphore, #tpu.memory_space<semaphore_mem>>)
        %dma_wait3A = arith.constant 0 : i32
        %dma_wait3A_65 = tpu.memref_slice %arg11[%add3A_60, %dma_wait3A] : memref<10064x128xf32, #tpu.memory_space<vmem_shared>> -> memref<128x128xf32, #tpu.memory_space<vmem_shared>>
        %dma_wait3A_66 = arith.constant 0 : i32
        %dma_wait3A_67 = tpu.memref_slice %arg11[%add3A_60, %dma_wait3A_66] : memref<10064x128xf32, #tpu.memory_space<vmem_shared>> -> memref<128x128xf32, #tpu.memory_space<vmem_shared>>
        tpu.wait_dma2 semaphore(%run_scoped3A : memref<!tpu.dma_semaphore, #tpu.memory_space<semaphore_mem>>) src(%arg9 : memref<128x128xf32, #tpu.memory_space<vmem>>) dst(%dma_wait3A_67 : memref<128x128xf32, #tpu.memory_space<vmem_shared>>)
        tpu.yield
      }) : () -> ()
    } else {
    }
    %eq3A = arith.constant 15 : i32
    %eq3A_8 = arith.cmpi eq, %arg1, %eq3A : i32
    %convert_element_type3A_9 = arith.extui %eq3A_8 : i1 to i32
    %cond3A_10 = arith.constant 0 : i32
    %cond3A_11 = arith.cmpi ne, %convert_element_type3A_9, %cond3A_10 : i32
    scf.if %cond3A_11 {
      "tpu.region"() ({
        %run_scoped3A = tpu.sem_alloc : memref<!tpu.dma_semaphore, #tpu.memory_space<semaphore_mem>>
        %dma_start3A_41 = arith.constant 9600 : i32
        %dma_start3A_42 = arith.constant 0 : i32
        %dma_start3A_43 = tpu.memref_slice %arg11[%dma_start3A_41, %dma_start3A_42] : memref<10064x128xf32, #tpu.memory_space<vmem_shared>> -> memref<128x128xf32, #tpu.memory_space<vmem_shared>>
        %dma_start3A_44 = arith.constant 9600 : i32
        %dma_start3A_45 = arith.constant 0 : i32
        %dma_start3A_46 = tpu.memref_slice %arg11[%dma_start3A_44, %dma_start3A_45] : memref<10064x128xf32, #tpu.memory_space<vmem_shared>> -> memref<128x128xf32, #tpu.memory_space<vmem_shared>>
        tpu.enqueue_dma source(%arg9 : memref<128x128xf32, #tpu.memory_space<vmem>>) target(%dma_start3A_46 : memref<128x128xf32, #tpu.memory_space<vmem_shared>>) target_semaphore(%run_scoped3A : memref<!tpu.dma_semaphore, #tpu.memory_space<semaphore_mem>>)
        %dma_wait3A = arith.constant 9600 : i32
        %dma_wait3A_47 = arith.constant 0 : i32
        %dma_wait3A_48 = tpu.memref_slice %arg11[%dma_wait3A, %dma_wait3A_47] : memref<10064x128xf32, #tpu.memory_space<vmem_shared>> -> memref<128x128xf32, #tpu.memory_space<vmem_shared>>
        %dma_wait3A_49 = arith.constant 9600 : i32
        %dma_wait3A_50 = arith.constant 0 : i32
        %dma_wait3A_51 = tpu.memref_slice %arg11[%dma_wait3A_49, %dma_wait3A_50] : memref<10064x128xf32, #tpu.memory_space<vmem_shared>> -> memref<128x128xf32, #tpu.memory_space<vmem_shared>>
        tpu.wait_dma2 semaphore(%run_scoped3A : memref<!tpu.dma_semaphore, #tpu.memory_space<semaphore_mem>>) src(%arg9 : memref<128x128xf32, #tpu.memory_space<vmem>>) dst(%dma_wait3A_51 : memref<128x128xf32, #tpu.memory_space<vmem_shared>>)
        tpu.yield
      }) : () -> ()
      "tpu.region"() ({
        %run_scoped3A = tpu.sem_alloc : memref<!tpu.dma_semaphore, #tpu.memory_space<semaphore_mem>>
        %dma_start3A_41 = arith.constant 9728 : i32
        %dma_start3A_42 = arith.constant 0 : i32
        %dma_start3A_43 = tpu.memref_slice %arg11[%dma_start3A_41, %dma_start3A_42] : memref<10064x128xf32, #tpu.memory_space<vmem_shared>> -> memref<128x128xf32, #tpu.memory_space<vmem_shared>>
        %dma_start3A_44 = arith.constant 9728 : i32
        %dma_start3A_45 = arith.constant 0 : i32
        %dma_start3A_46 = tpu.memref_slice %arg11[%dma_start3A_44, %dma_start3A_45] : memref<10064x128xf32, #tpu.memory_space<vmem_shared>> -> memref<128x128xf32, #tpu.memory_space<vmem_shared>>
        tpu.enqueue_dma source(%arg9 : memref<128x128xf32, #tpu.memory_space<vmem>>) target(%dma_start3A_46 : memref<128x128xf32, #tpu.memory_space<vmem_shared>>) target_semaphore(%run_scoped3A : memref<!tpu.dma_semaphore, #tpu.memory_space<semaphore_mem>>)
        %dma_wait3A = arith.constant 9728 : i32
        %dma_wait3A_47 = arith.constant 0 : i32
        %dma_wait3A_48 = tpu.memref_slice %arg11[%dma_wait3A, %dma_wait3A_47] : memref<10064x128xf32, #tpu.memory_space<vmem_shared>> -> memref<128x128xf32, #tpu.memory_space<vmem_shared>>
        %dma_wait3A_49 = arith.constant 9728 : i32
        %dma_wait3A_50 = arith.constant 0 : i32
        %dma_wait3A_51 = tpu.memref_slice %arg11[%dma_wait3A_49, %dma_wait3A_50] : memref<10064x128xf32, #tpu.memory_space<vmem_shared>> -> memref<128x128xf32, #tpu.memory_space<vmem_shared>>
        tpu.wait_dma2 semaphore(%run_scoped3A : memref<!tpu.dma_semaphore, #tpu.memory_space<semaphore_mem>>) src(%arg9 : memref<128x128xf32, #tpu.memory_space<vmem>>) dst(%dma_wait3A_51 : memref<128x128xf32, #tpu.memory_space<vmem_shared>>)
        tpu.yield
      }) : () -> ()
      "tpu.region"() ({
        %run_scoped3A = tpu.sem_alloc : memref<!tpu.dma_semaphore, #tpu.memory_space<semaphore_mem>>
        %dma_start3A_41 = arith.constant 9856 : i32
        %dma_start3A_42 = arith.constant 0 : i32
        %dma_start3A_43 = tpu.memref_slice %arg11[%dma_start3A_41, %dma_start3A_42] : memref<10064x128xf32, #tpu.memory_space<vmem_shared>> -> memref<128x128xf32, #tpu.memory_space<vmem_shared>>
        %dma_start3A_44 = arith.constant 9856 : i32
        %dma_start3A_45 = arith.constant 0 : i32
        %dma_start3A_46 = tpu.memref_slice %arg11[%dma_start3A_44, %dma_start3A_45] : memref<10064x128xf32, #tpu.memory_space<vmem_shared>> -> memref<128x128xf32, #tpu.memory_space<vmem_shared>>
        tpu.enqueue_dma source(%arg9 : memref<128x128xf32, #tpu.memory_space<vmem>>) target(%dma_start3A_46 : memref<128x128xf32, #tpu.memory_space<vmem_shared>>) target_semaphore(%run_scoped3A : memref<!tpu.dma_semaphore, #tpu.memory_space<semaphore_mem>>)
        %dma_wait3A = arith.constant 9856 : i32
        %dma_wait3A_47 = arith.constant 0 : i32
        %dma_wait3A_48 = tpu.memref_slice %arg11[%dma_wait3A, %dma_wait3A_47] : memref<10064x128xf32, #tpu.memory_space<vmem_shared>> -> memref<128x128xf32, #tpu.memory_space<vmem_shared>>
        %dma_wait3A_49 = arith.constant 9856 : i32
        %dma_wait3A_50 = arith.constant 0 : i32
        %dma_wait3A_51 = tpu.memref_slice %arg11[%dma_wait3A_49, %dma_wait3A_50] : memref<10064x128xf32, #tpu.memory_space<vmem_shared>> -> memref<128x128xf32, #tpu.memory_space<vmem_shared>>
        tpu.wait_dma2 semaphore(%run_scoped3A : memref<!tpu.dma_semaphore, #tpu.memory_space<semaphore_mem>>) src(%arg9 : memref<128x128xf32, #tpu.memory_space<vmem>>) dst(%dma_wait3A_51 : memref<128x128xf32, #tpu.memory_space<vmem_shared>>)
        tpu.yield
      }) : () -> ()
      "tpu.region"() ({
        %run_scoped3A = tpu.sem_alloc : memref<!tpu.dma_semaphore, #tpu.memory_space<semaphore_mem>>
        %dma_start3A_41 = arith.constant 0 : i32
        %dma_start3A_42 = arith.constant 0 : i32
        %dma_start3A_43 = tpu.memref_slice %arg9[%dma_start3A_41, %dma_start3A_42] : memref<128x128xf32, #tpu.memory_space<vmem>> -> memref<80x128xf32, #tpu.memory_space<vmem>>
        %dma_start3A_44 = arith.constant 9984 : i32
        %dma_start3A_45 = arith.constant 0 : i32
        %dma_start3A_46 = tpu.memref_slice %arg11[%dma_start3A_44, %dma_start3A_45] : memref<10064x128xf32, #tpu.memory_space<vmem_shared>> -> memref<80x128xf32, #tpu.memory_space<vmem_shared>>
        %dma_start3A_47 = arith.constant 9984 : i32
        %dma_start3A_48 = arith.constant 0 : i32
        %dma_start3A_49 = tpu.memref_slice %arg11[%dma_start3A_47, %dma_start3A_48] : memref<10064x128xf32, #tpu.memory_space<vmem_shared>> -> memref<80x128xf32, #tpu.memory_space<vmem_shared>>
        %dma_start3A_50 = arith.constant 0 : i32
        %dma_start3A_51 = arith.constant 0 : i32
        %dma_start3A_52 = tpu.memref_slice %arg9[%dma_start3A_50, %dma_start3A_51] : memref<128x128xf32, #tpu.memory_space<vmem>> -> memref<80x128xf32, #tpu.memory_space<vmem>>
        tpu.enqueue_dma source(%dma_start3A_52 : memref<80x128xf32, #tpu.memory_space<vmem>>) target(%dma_start3A_49 : memref<80x128xf32, #tpu.memory_space<vmem_shared>>) target_semaphore(%run_scoped3A : memref<!tpu.dma_semaphore, #tpu.memory_space<semaphore_mem>>)
        %dma_wait3A = arith.constant 0 : i32
        %dma_wait3A_53 = arith.constant 0 : i32
        %dma_wait3A_54 = tpu.memref_slice %arg9[%dma_wait3A, %dma_wait3A_53] : memref<128x128xf32, #tpu.memory_space<vmem>> -> memref<80x128xf32, #tpu.memory_space<vmem>>
        %dma_wait3A_55 = arith.constant 9984 : i32
        %dma_wait3A_56 = arith.constant 0 : i32
        %dma_wait3A_57 = tpu.memref_slice %arg11[%dma_wait3A_55, %dma_wait3A_56] : memref<10064x128xf32, #tpu.memory_space<vmem_shared>> -> memref<80x128xf32, #tpu.memory_space<vmem_shared>>
        %dma_wait3A_58 = arith.constant 9984 : i32
        %dma_wait3A_59 = arith.constant 0 : i32
        %dma_wait3A_60 = tpu.memref_slice %arg11[%dma_wait3A_58, %dma_wait3A_59] : memref<10064x128xf32, #tpu.memory_space<vmem_shared>> -> memref<80x128xf32, #tpu.memory_space<vmem_shared>>
        %dma_wait3A_61 = arith.constant 0 : i32
        %dma_wait3A_62 = arith.constant 0 : i32
        %dma_wait3A_63 = tpu.memref_slice %arg9[%dma_wait3A_61, %dma_wait3A_62] : memref<128x128xf32, #tpu.memory_space<vmem>> -> memref<80x128xf32, #tpu.memory_space<vmem>>
        tpu.wait_dma2 semaphore(%run_scoped3A : memref<!tpu.dma_semaphore, #tpu.memory_space<semaphore_mem>>) src(%dma_wait3A_63 : memref<80x128xf32, #tpu.memory_space<vmem>>) dst(%dma_wait3A_60 : memref<80x128xf32, #tpu.memory_space<vmem_shared>>)
        tpu.yield
      }) : () -> ()
    } else {
    }
    %barrier3A = arith.constant 0 : index
    tpu.barrier barrier_id(%barrier3A)
    %mul3A_12 = arith.constant 80 : i32
    %mul3A_13 = arith.muli %add3A, %mul3A_12 : i32
    "tpu.region"() ({
      %run_scoped3A = tpu.sem_alloc : memref<!tpu.dma_semaphore, #tpu.memory_space<semaphore_mem>>
      %dma_start3A_41 = arith.constant 0 : i32
      %dma_start3A_42 = tpu.memref_slice %arg3[%mul3A_13, %dma_start3A_41] : memref<2560x128xi32, #tpu.memory_space<hbm>> -> memref<80x128xi32, #tpu.memory_space<hbm>>
      %dma_start3A_43 = arith.constant 0 : i32
      %dma_start3A_44 = tpu.memref_slice %arg3[%mul3A_13, %dma_start3A_43] : memref<2560x128xi32, #tpu.memory_space<hbm>> -> memref<80x128xi32, #tpu.memory_space<hbm>>
      tpu.enqueue_dma source(%dma_start3A_44 : memref<80x128xi32, #tpu.memory_space<hbm>>) target(%arg8 : memref<80x128xi32, #tpu.memory_space<vmem>>) target_semaphore(%run_scoped3A : memref<!tpu.dma_semaphore, #tpu.memory_space<semaphore_mem>>)
      %dma_wait3A = arith.constant 0 : i32
      %dma_wait3A_45 = tpu.memref_slice %arg3[%mul3A_13, %dma_wait3A] : memref<2560x128xi32, #tpu.memory_space<hbm>> -> memref<80x128xi32, #tpu.memory_space<hbm>>
      %dma_wait3A_46 = arith.constant 0 : i32
      %dma_wait3A_47 = tpu.memref_slice %arg3[%mul3A_13, %dma_wait3A_46] : memref<2560x128xi32, #tpu.memory_space<hbm>> -> memref<80x128xi32, #tpu.memory_space<hbm>>
      tpu.wait_dma2 semaphore(%run_scoped3A : memref<!tpu.dma_semaphore, #tpu.memory_space<semaphore_mem>>) src(%dma_wait3A_47 : memref<80x128xi32, #tpu.memory_space<hbm>>) dst(%arg8 : memref<80x128xi32, #tpu.memory_space<vmem>>)
      tpu.yield
    }) : () -> ()
    "tpu.region"() ({
      %run_scoped3A = tpu.sem_alloc : memref<!tpu.dma_semaphore, #tpu.memory_space<semaphore_mem>>
      %dma_start3A_41 = arith.constant 0 : i32
      %dma_start3A_42 = tpu.memref_slice %arg2[%mul3A_13, %dma_start3A_41] : memref<2560x128xi32, #tpu.memory_space<hbm>> -> memref<1x128xi32, #tpu.memory_space<hbm>>
      %dma_start3A_43 = tpu.memref_squeeze %dma_start3A_42 : memref<1x128xi32, #tpu.memory_space<hbm>> -> memref<128xi32, #tpu.memory_space<hbm>>
      %dma_start3A_44 = arith.constant 0 : i32
      %dma_start3A_45 = tpu.memref_slice %arg2[%mul3A_13, %dma_start3A_44] : memref<2560x128xi32, #tpu.memory_space<hbm>> -> memref<1x128xi32, #tpu.memory_space<hbm>>
      %dma_start3A_46 = tpu.memref_squeeze %dma_start3A_45 : memref<1x128xi32, #tpu.memory_space<hbm>> -> memref<128xi32, #tpu.memory_space<hbm>>
      tpu.enqueue_dma source(%dma_start3A_46 : memref<128xi32, #tpu.memory_space<hbm>>) target(%arg6 : memref<128xi32, #tpu.memory_space<vmem>>) target_semaphore(%run_scoped3A : memref<!tpu.dma_semaphore, #tpu.memory_space<semaphore_mem>>)
      %dma_wait3A = arith.constant 0 : i32
      %dma_wait3A_47 = tpu.memref_slice %arg2[%mul3A_13, %dma_wait3A] : memref<2560x128xi32, #tpu.memory_space<hbm>> -> memref<1x128xi32, #tpu.memory_space<hbm>>
      %dma_wait3A_48 = tpu.memref_squeeze %dma_wait3A_47 : memref<1x128xi32, #tpu.memory_space<hbm>> -> memref<128xi32, #tpu.memory_space<hbm>>
      %dma_wait3A_49 = arith.constant 0 : i32
      %dma_wait3A_50 = tpu.memref_slice %arg2[%mul3A_13, %dma_wait3A_49] : memref<2560x128xi32, #tpu.memory_space<hbm>> -> memref<1x128xi32, #tpu.memory_space<hbm>>
      %dma_wait3A_51 = tpu.memref_squeeze %dma_wait3A_50 : memref<1x128xi32, #tpu.memory_space<hbm>> -> memref<128xi32, #tpu.memory_space<hbm>>
      tpu.wait_dma2 semaphore(%run_scoped3A : memref<!tpu.dma_semaphore, #tpu.memory_space<semaphore_mem>>) src(%dma_wait3A_51 : memref<128xi32, #tpu.memory_space<hbm>>) dst(%arg6 : memref<128xi32, #tpu.memory_space<vmem>>)
      tpu.yield
    }) : () -> ()
    %add3A_14 = arith.constant 1 : i32
    %add3A_15 = arith.addi %mul3A_13, %add3A_14 : i32
    %dma_start3A = arith.constant 0 : i32
    %dma_start3A_16 = tpu.memref_slice %arg2[%add3A_15, %dma_start3A] : memref<2560x128xi32, #tpu.memory_space<hbm>> -> memref<1x128xi32, #tpu.memory_space<hbm>>
    %dma_start3A_17 = tpu.memref_squeeze %dma_start3A_16 : memref<1x128xi32, #tpu.memory_space<hbm>> -> memref<128xi32, #tpu.memory_space<hbm>>
    %dma_start3A_18 = arith.constant 0 : i32
    %dma_start3A_19 = tpu.memref_slice %arg2[%add3A_15, %dma_start3A_18] : memref<2560x128xi32, #tpu.memory_space<hbm>> -> memref<1x128xi32, #tpu.memory_space<hbm>>
    %dma_start3A_20 = tpu.memref_squeeze %dma_start3A_19 : memref<1x128xi32, #tpu.memory_space<hbm>> -> memref<128xi32, #tpu.memory_space<hbm>>
    tpu.enqueue_dma source(%dma_start3A_20 : memref<128xi32, #tpu.memory_space<hbm>>) target(%arg7 : memref<128xi32, #tpu.memory_space<vmem>>) target_semaphore(%arg14 : memref<!tpu.dma_semaphore, #tpu.memory_space<semaphore_mem>>)
    %dma_start3A_21 = arith.constant 0 : i32
    %dma_start3A_22 = arith.constant 0 : i32
    %dma_start3A_23 = tpu.memref_slice %arg4[%dma_start3A_21, %dma_start3A_22] : memref<10000x128xf32, #tpu.memory_space<hbm>> -> memref<10000x128xf32, #tpu.memory_space<hbm>>
    tpu.enqueue_indirect_dma source(%dma_start3A_23 : memref<10000x128xf32, #tpu.memory_space<hbm>>) target(%arg9 : memref<128x128xf32, #tpu.memory_space<vmem>>) offsets(%arg6 : memref<128xi32, #tpu.memory_space<vmem>>) semaphore(%arg12 : memref<!tpu.dma_semaphore, #tpu.memory_space<semaphore_mem>>)
    %scan3A_24 = arith.constant 0 : i32
    %scan3A_25 = arith.constant 0 : i32
    %scan3A_26 = arith.constant 40 : i32
    %scan3A_27 = arith.addi %scan3A_25, %scan3A_26 : i32
    %scan3A_28 = arith.constant 1 : i32
    scf.for %scan3A_41 = %scan3A_25 to %scan3A_27 step %scan3A_28  : i32 {
      %mul3A_42 = arith.constant 2 : i32
      %mul3A_43 = arith.muli %mul3A_42, %scan3A_41 : i32
      %add3A_44 = arith.constant 0 : i32
      %add3A_45 = arith.addi %mul3A_43, %add3A_44 : i32
      %dma_wait3A = arith.constant 0 : i32
      %dma_wait3A_46 = arith.constant 0 : i32
      %dma_wait3A_47 = tpu.memref_slice %arg4[%dma_wait3A, %dma_wait3A_46] : memref<10000x128xf32, #tpu.memory_space<hbm>> -> memref<10000x128xf32, #tpu.memory_space<hbm>>
      tpu.wait_indirect_dma semaphore(%arg12 : memref<!tpu.dma_semaphore, #tpu.memory_space<semaphore_mem>>) src(%dma_wait3A_47 : memref<10000x128xf32, #tpu.memory_space<hbm>>) dst(%arg9 : memref<128x128xf32, #tpu.memory_space<vmem>>)
      %add3A_48 = arith.constant 2 : i32
      %add3A_49 = arith.addi %add3A_45, %add3A_48 : i32
      %lt3A_50 = arith.constant 80 : i32
      %lt3A_51 = arith.cmpi slt, %add3A_49, %lt3A_50 : i32
      %convert_element_type3A_52 = arith.extui %lt3A_51 : i1 to i32
      %cond3A_53 = arith.constant 0 : i32
      %cond3A_54 = arith.cmpi ne, %convert_element_type3A_52, %cond3A_53 : i32
      scf.if %cond3A_54 {
        %add3A_83 = arith.addi %mul3A_13, %add3A_45 : i32
        %add3A_84 = arith.constant 2 : i32
        %add3A_85 = arith.addi %add3A_83, %add3A_84 : i32
        %dma_start3A_86 = arith.constant 0 : i32
        %dma_start3A_87 = tpu.memref_slice %arg2[%add3A_85, %dma_start3A_86] : memref<2560x128xi32, #tpu.memory_space<hbm>> -> memref<1x128xi32, #tpu.memory_space<hbm>>
        %dma_start3A_88 = tpu.memref_squeeze %dma_start3A_87 : memref<1x128xi32, #tpu.memory_space<hbm>> -> memref<128xi32, #tpu.memory_space<hbm>>
        %dma_start3A_89 = arith.constant 0 : i32
        %dma_start3A_90 = tpu.memref_slice %arg2[%add3A_85, %dma_start3A_89] : memref<2560x128xi32, #tpu.memory_space<hbm>> -> memref<1x128xi32, #tpu.memory_space<hbm>>
        %dma_start3A_91 = tpu.memref_squeeze %dma_start3A_90 : memref<1x128xi32, #tpu.memory_space<hbm>> -> memref<128xi32, #tpu.memory_space<hbm>>
        tpu.enqueue_dma source(%dma_start3A_91 : memref<128xi32, #tpu.memory_space<hbm>>) target(%arg6 : memref<128xi32, #tpu.memory_space<vmem>>) target_semaphore(%arg13 : memref<!tpu.dma_semaphore, #tpu.memory_space<semaphore_mem>>)
      } else {
      }
      %add3A_55 = arith.constant 1 : i32
      %add3A_56 = arith.addi %add3A_45, %add3A_55 : i32
      %lt3A_57 = arith.constant 80 : i32
      %lt3A_58 = arith.cmpi slt, %add3A_56, %lt3A_57 : i32
      %convert_element_type3A_59 = arith.extui %lt3A_58 : i1 to i32
      %cond3A_60 = arith.constant 0 : i32
      %cond3A_61 = arith.cmpi ne, %convert_element_type3A_59, %cond3A_60 : i32
      scf.if %cond3A_61 {
        %add3A_83 = arith.addi %mul3A_13, %add3A_45 : i32
        %add3A_84 = arith.constant 1 : i32
        %add3A_85 = arith.addi %add3A_83, %add3A_84 : i32
        %dma_wait3A_86 = arith.constant 0 : i32
        %dma_wait3A_87 = tpu.memref_slice %arg2[%add3A_85, %dma_wait3A_86] : memref<2560x128xi32, #tpu.memory_space<hbm>> -> memref<1x128xi32, #tpu.memory_space<hbm>>
        %dma_wait3A_88 = tpu.memref_squeeze %dma_wait3A_87 : memref<1x128xi32, #tpu.memory_space<hbm>> -> memref<128xi32, #tpu.memory_space<hbm>>
        %dma_wait3A_89 = arith.constant 0 : i32
        %dma_wait3A_90 = tpu.memref_slice %arg2[%add3A_85, %dma_wait3A_89] : memref<2560x128xi32, #tpu.memory_space<hbm>> -> memref<1x128xi32, #tpu.memory_space<hbm>>
        %dma_wait3A_91 = tpu.memref_squeeze %dma_wait3A_90 : memref<1x128xi32, #tpu.memory_space<hbm>> -> memref<128xi32, #tpu.memory_space<hbm>>
        tpu.wait_dma2 semaphore(%arg14 : memref<!tpu.dma_semaphore, #tpu.memory_space<semaphore_mem>>) src(%dma_wait3A_91 : memref<128xi32, #tpu.memory_space<hbm>>) dst(%arg7 : memref<128xi32, #tpu.memory_space<vmem>>)
        %dma_start3A_92 = arith.constant 0 : i32
        %dma_start3A_93 = arith.constant 0 : i32
        %dma_start3A_94 = tpu.memref_slice %arg4[%dma_start3A_92, %dma_start3A_93] : memref<10000x128xf32, #tpu.memory_space<hbm>> -> memref<10000x128xf32, #tpu.memory_space<hbm>>
        tpu.enqueue_indirect_dma source(%dma_start3A_94 : memref<10000x128xf32, #tpu.memory_space<hbm>>) target(%arg10 : memref<128x128xf32, #tpu.memory_space<vmem>>) offsets(%arg7 : memref<128xi32, #tpu.memory_space<vmem>>) semaphore(%arg12 : memref<!tpu.dma_semaphore, #tpu.memory_space<semaphore_mem>>)
      } else {
      }
      "tpu.region"() ({
        %run_scoped3A = tpu.sem_alloc : memref<!tpu.dma_semaphore, #tpu.memory_space<semaphore_mem>>
        %dma_start3A_83 = arith.constant 0 : i32
        %dma_start3A_84 = tpu.memref_slice %arg8[%add3A_45, %dma_start3A_83] : memref<80x128xi32, #tpu.memory_space<vmem>> -> memref<1x128xi32, #tpu.memory_space<vmem>>
        %dma_start3A_85 = tpu.memref_squeeze %dma_start3A_84 : memref<1x128xi32, #tpu.memory_space<vmem>> -> memref<128xi32, #tpu.memory_space<vmem>>
        %dma_start3A_86 = arith.constant 0 : i32
        %dma_start3A_87 = arith.constant 0 : i32
        %dma_start3A_88 = tpu.memref_slice %arg11[%dma_start3A_86, %dma_start3A_87] : memref<10064x128xf32, #tpu.memory_space<vmem_shared>> -> memref<10064x128xf32, #tpu.memory_space<vmem_shared>>
        tpu.enqueue_indirect_dma source(%arg9 : memref<128x128xf32, #tpu.memory_space<vmem>>) target(%dma_start3A_88 : memref<10064x128xf32, #tpu.memory_space<vmem_shared>>) offsets(%dma_start3A_85 : memref<128xi32, #tpu.memory_space<vmem>>) semaphore(%run_scoped3A : memref<!tpu.dma_semaphore, #tpu.memory_space<semaphore_mem>>) {add = true}
        %dma_wait3A_89 = arith.constant 0 : i32
        %dma_wait3A_90 = tpu.memref_slice %arg8[%add3A_45, %dma_wait3A_89] : memref<80x128xi32, #tpu.memory_space<vmem>> -> memref<1x128xi32, #tpu.memory_space<vmem>>
        %dma_wait3A_91 = tpu.memref_squeeze %dma_wait3A_90 : memref<1x128xi32, #tpu.memory_space<vmem>> -> memref<128xi32, #tpu.memory_space<vmem>>
        %dma_wait3A_92 = arith.constant 0 : i32
        %dma_wait3A_93 = arith.constant 0 : i32
        %dma_wait3A_94 = tpu.memref_slice %arg11[%dma_wait3A_92, %dma_wait3A_93] : memref<10064x128xf32, #tpu.memory_space<vmem_shared>> -> memref<10064x128xf32, #tpu.memory_space<vmem_shared>>
        tpu.wait_indirect_dma semaphore(%run_scoped3A : memref<!tpu.dma_semaphore, #tpu.memory_space<semaphore_mem>>) src(%arg9 : memref<128x128xf32, #tpu.memory_space<vmem>>) dst(%dma_wait3A_94 : memref<10064x128xf32, #tpu.memory_space<vmem_shared>>)
        tpu.yield
      }) : () -> ()
      %mul3A_62 = arith.constant 2 : i32
      %mul3A_63 = arith.muli %mul3A_62, %scan3A_41 : i32
      %add3A_64 = arith.constant 1 : i32
      %add3A_65 = arith.addi %mul3A_63, %add3A_64 : i32
      %dma_wait3A_66 = arith.constant 0 : i32
      %dma_wait3A_67 = arith.constant 0 : i32
      %dma_wait3A_68 = tpu.memref_slice %arg4[%dma_wait3A_66, %dma_wait3A_67] : memref<10000x128xf32, #tpu.memory_space<hbm>> -> memref<10000x128xf32, #tpu.memory_space<hbm>>
      tpu.wait_indirect_dma semaphore(%arg12 : memref<!tpu.dma_semaphore, #tpu.memory_space<semaphore_mem>>) src(%dma_wait3A_68 : memref<10000x128xf32, #tpu.memory_space<hbm>>) dst(%arg10 : memref<128x128xf32, #tpu.memory_space<vmem>>)
      %add3A_69 = arith.constant 2 : i32
      %add3A_70 = arith.addi %add3A_65, %add3A_69 : i32
      %lt3A_71 = arith.constant 80 : i32
      %lt3A_72 = arith.cmpi slt, %add3A_70, %lt3A_71 : i32
      %convert_element_type3A_73 = arith.extui %lt3A_72 : i1 to i32
      %cond3A_74 = arith.constant 0 : i32
      %cond3A_75 = arith.cmpi ne, %convert_element_type3A_73, %cond3A_74 : i32
      scf.if %cond3A_75 {
        %add3A_83 = arith.addi %mul3A_13, %add3A_65 : i32
        %add3A_84 = arith.constant 2 : i32
        %add3A_85 = arith.addi %add3A_83, %add3A_84 : i32
        %dma_start3A_86 = arith.constant 0 : i32
        %dma_start3A_87 = tpu.memref_slice %arg2[%add3A_85, %dma_start3A_86] : memref<2560x128xi32, #tpu.memory_space<hbm>> -> memref<1x128xi32, #tpu.memory_space<hbm>>
        %dma_start3A_88 = tpu.memref_squeeze %dma_start3A_87 : memref<1x128xi32, #tpu.memory_space<hbm>> -> memref<128xi32, #tpu.memory_space<hbm>>
        %dma_start3A_89 = arith.constant 0 : i32
        %dma_start3A_90 = tpu.memref_slice %arg2[%add3A_85, %dma_start3A_89] : memref<2560x128xi32, #tpu.memory_space<hbm>> -> memref<1x128xi32, #tpu.memory_space<hbm>>
        %dma_start3A_91 = tpu.memref_squeeze %dma_start3A_90 : memref<1x128xi32, #tpu.memory_space<hbm>> -> memref<128xi32, #tpu.memory_space<hbm>>
        tpu.enqueue_dma source(%dma_start3A_91 : memref<128xi32, #tpu.memory_space<hbm>>) target(%arg7 : memref<128xi32, #tpu.memory_space<vmem>>) target_semaphore(%arg14 : memref<!tpu.dma_semaphore, #tpu.memory_space<semaphore_mem>>)
      } else {
      }
      %add3A_76 = arith.constant 1 : i32
      %add3A_77 = arith.addi %add3A_65, %add3A_76 : i32
      %lt3A_78 = arith.constant 80 : i32
      %lt3A_79 = arith.cmpi slt, %add3A_77, %lt3A_78 : i32
      %convert_element_type3A_80 = arith.extui %lt3A_79 : i1 to i32
      %cond3A_81 = arith.constant 0 : i32
      %cond3A_82 = arith.cmpi ne, %convert_element_type3A_80, %cond3A_81 : i32
      scf.if %cond3A_82 {
        %add3A_83 = arith.addi %mul3A_13, %add3A_65 : i32
        %add3A_84 = arith.constant 1 : i32
        %add3A_85 = arith.addi %add3A_83, %add3A_84 : i32
        %dma_wait3A_86 = arith.constant 0 : i32
        %dma_wait3A_87 = tpu.memref_slice %arg2[%add3A_85, %dma_wait3A_86] : memref<2560x128xi32, #tpu.memory_space<hbm>> -> memref<1x128xi32, #tpu.memory_space<hbm>>
        %dma_wait3A_88 = tpu.memref_squeeze %dma_wait3A_87 : memref<1x128xi32, #tpu.memory_space<hbm>> -> memref<128xi32, #tpu.memory_space<hbm>>
        %dma_wait3A_89 = arith.constant 0 : i32
        %dma_wait3A_90 = tpu.memref_slice %arg2[%add3A_85, %dma_wait3A_89] : memref<2560x128xi32, #tpu.memory_space<hbm>> -> memref<1x128xi32, #tpu.memory_space<hbm>>
        %dma_wait3A_91 = tpu.memref_squeeze %dma_wait3A_90 : memref<1x128xi32, #tpu.memory_space<hbm>> -> memref<128xi32, #tpu.memory_space<hbm>>
        tpu.wait_dma2 semaphore(%arg13 : memref<!tpu.dma_semaphore, #tpu.memory_space<semaphore_mem>>) src(%dma_wait3A_91 : memref<128xi32, #tpu.memory_space<hbm>>) dst(%arg6 : memref<128xi32, #tpu.memory_space<vmem>>)
        %dma_start3A_92 = arith.constant 0 : i32
        %dma_start3A_93 = arith.constant 0 : i32
        %dma_start3A_94 = tpu.memref_slice %arg4[%dma_start3A_92, %dma_start3A_93] : memref<10000x128xf32, #tpu.memory_space<hbm>> -> memref<10000x128xf32, #tpu.memory_space<hbm>>
        tpu.enqueue_indirect_dma source(%dma_start3A_94 : memref<10000x128xf32, #tpu.memory_space<hbm>>) target(%arg9 : memref<128x128xf32, #tpu.memory_space<vmem>>) offsets(%arg6 : memref<128xi32, #tpu.memory_space<vmem>>) semaphore(%arg12 : memref<!tpu.dma_semaphore, #tpu.memory_space<semaphore_mem>>)
      } else {
      }
      "tpu.region"() ({
        %run_scoped3A = tpu.sem_alloc : memref<!tpu.dma_semaphore, #tpu.memory_space<semaphore_mem>>
        %dma_start3A_83 = arith.constant 0 : i32
        %dma_start3A_84 = tpu.memref_slice %arg8[%add3A_65, %dma_start3A_83] : memref<80x128xi32, #tpu.memory_space<vmem>> -> memref<1x128xi32, #tpu.memory_space<vmem>>
        %dma_start3A_85 = tpu.memref_squeeze %dma_start3A_84 : memref<1x128xi32, #tpu.memory_space<vmem>> -> memref<128xi32, #tpu.memory_space<vmem>>
        %dma_start3A_86 = arith.constant 0 : i32
        %dma_start3A_87 = arith.constant 0 : i32
        %dma_start3A_88 = tpu.memref_slice %arg11[%dma_start3A_86, %dma_start3A_87] : memref<10064x128xf32, #tpu.memory_space<vmem_shared>> -> memref<10064x128xf32, #tpu.memory_space<vmem_shared>>
        tpu.enqueue_indirect_dma source(%arg10 : memref<128x128xf32, #tpu.memory_space<vmem>>) target(%dma_start3A_88 : memref<10064x128xf32, #tpu.memory_space<vmem_shared>>) offsets(%dma_start3A_85 : memref<128xi32, #tpu.memory_space<vmem>>) semaphore(%run_scoped3A : memref<!tpu.dma_semaphore, #tpu.memory_space<semaphore_mem>>) {add = true}
        %dma_wait3A_89 = arith.constant 0 : i32
        %dma_wait3A_90 = tpu.memref_slice %arg8[%add3A_65, %dma_wait3A_89] : memref<80x128xi32, #tpu.memory_space<vmem>> -> memref<1x128xi32, #tpu.memory_space<vmem>>
        %dma_wait3A_91 = tpu.memref_squeeze %dma_wait3A_90 : memref<1x128xi32, #tpu.memory_space<vmem>> -> memref<128xi32, #tpu.memory_space<vmem>>
        %dma_wait3A_92 = arith.constant 0 : i32
        %dma_wait3A_93 = arith.constant 0 : i32
        %dma_wait3A_94 = tpu.memref_slice %arg11[%dma_wait3A_92, %dma_wait3A_93] : memref<10064x128xf32, #tpu.memory_space<vmem_shared>> -> memref<10064x128xf32, #tpu.memory_space<vmem_shared>>
        tpu.wait_indirect_dma semaphore(%run_scoped3A : memref<!tpu.dma_semaphore, #tpu.memory_space<semaphore_mem>>) src(%arg10 : memref<128x128xf32, #tpu.memory_space<vmem>>) dst(%dma_wait3A_94 : memref<10064x128xf32, #tpu.memory_space<vmem_shared>>)
        tpu.yield
      }) : () -> ()
    }
    %scan3A_29 = arith.constant 40 : i32
    %barrier3A_30 = arith.constant 0 : index
    tpu.barrier barrier_id(%barrier3A_30)
    %lt3A_31 = arith.constant 15 : i32
    %lt3A_32 = arith.cmpi slt, %arg1, %lt3A_31 : i32
    %convert_element_type3A_33 = arith.extui %lt3A_32 : i1 to i32
    %cond3A_34 = arith.constant 0 : i32
    %cond3A_35 = arith.cmpi ne, %convert_element_type3A_33, %cond3A_34 : i32
    scf.if %cond3A_35 {
      %mul3A_41 = arith.constant 640 : i32
      %mul3A_42 = arith.muli %arg1, %mul3A_41 : i32
      %mul3A_43 = arith.constant 10000 : i32
      %mul3A_44 = arith.muli %arg0, %mul3A_43 : i32
      %add3A_45 = arith.addi %mul3A_44, %mul3A_42 : i32
      "tpu.region"() ({
        %run_scoped3A = tpu.sem_alloc : memref<!tpu.dma_semaphore, #tpu.memory_space<semaphore_mem>>
        %dma_start3A_46 = arith.constant 0 : i32
        %dma_start3A_47 = tpu.memref_slice %arg5[%add3A_45, %dma_start3A_46] : memref<20000x128xf32, #tpu.memory_space<hbm>> -> memref<640x128xf32, #tpu.memory_space<hbm>>
        %dma_start3A_48 = arith.constant 0 : i32
        %dma_start3A_49 = tpu.memref_slice %arg11[%mul3A_42, %dma_start3A_48] : memref<10064x128xf32, #tpu.memory_space<vmem_shared>> -> memref<640x128xf32, #tpu.memory_space<vmem_shared>>
        tpu.enqueue_dma source(%dma_start3A_49 : memref<640x128xf32, #tpu.memory_space<vmem_shared>>) target(%dma_start3A_47 : memref<640x128xf32, #tpu.memory_space<hbm>>) target_semaphore(%run_scoped3A : memref<!tpu.dma_semaphore, #tpu.memory_space<semaphore_mem>>)
        %dma_wait3A = arith.constant 0 : i32
        %dma_wait3A_50 = tpu.memref_slice %arg5[%add3A_45, %dma_wait3A] : memref<20000x128xf32, #tpu.memory_space<hbm>> -> memref<640x128xf32, #tpu.memory_space<hbm>>
        %dma_wait3A_51 = arith.constant 0 : i32
        %dma_wait3A_52 = tpu.memref_slice %arg11[%mul3A_42, %dma_wait3A_51] : memref<10064x128xf32, #tpu.memory_space<vmem_shared>> -> memref<640x128xf32, #tpu.memory_space<vmem_shared>>
        tpu.wait_dma2 semaphore(%run_scoped3A : memref<!tpu.dma_semaphore, #tpu.memory_space<semaphore_mem>>) src(%dma_wait3A_52 : memref<640x128xf32, #tpu.memory_space<vmem_shared>>) dst(%dma_wait3A_50 : memref<640x128xf32, #tpu.memory_space<hbm>>)
        tpu.yield
      }) : () -> ()
    } else {
    }
    %eq3A_36 = arith.constant 15 : i32
    %eq3A_37 = arith.cmpi eq, %arg1, %eq3A_36 : i32
    %convert_element_type3A_38 = arith.extui %eq3A_37 : i1 to i32
    %cond3A_39 = arith.constant 0 : i32
    %cond3A_40 = arith.cmpi ne, %convert_element_type3A_38, %cond3A_39 : i32
    scf.if %cond3A_40 {
      %mul3A_41 = arith.constant 10000 : i32
      %mul3A_42 = arith.muli %arg0, %mul3A_41 : i32
      %add3A_43 = arith.constant 9600 : i32
      %add3A_44 = arith.addi %mul3A_42, %add3A_43 : i32
      "tpu.region"() ({
        %run_scoped3A = tpu.sem_alloc : memref<!tpu.dma_semaphore, #tpu.memory_space<semaphore_mem>>
        %dma_start3A_45 = arith.constant 0 : i32
        %dma_start3A_46 = tpu.memref_slice %arg5[%add3A_44, %dma_start3A_45] : memref<20000x128xf32, #tpu.memory_space<hbm>> -> memref<400x128xf32, #tpu.memory_space<hbm>>
        %dma_start3A_47 = arith.constant 9600 : i32
        %dma_start3A_48 = arith.constant 0 : i32
        %dma_start3A_49 = tpu.memref_slice %arg11[%dma_start3A_47, %dma_start3A_48] : memref<10064x128xf32, #tpu.memory_space<vmem_shared>> -> memref<400x128xf32, #tpu.memory_space<vmem_shared>>
        tpu.enqueue_dma source(%dma_start3A_49 : memref<400x128xf32, #tpu.memory_space<vmem_shared>>) target(%dma_start3A_46 : memref<400x128xf32, #tpu.memory_space<hbm>>) target_semaphore(%run_scoped3A : memref<!tpu.dma_semaphore, #tpu.memory_space<semaphore_mem>>)
        %dma_wait3A = arith.constant 0 : i32
        %dma_wait3A_50 = tpu.memref_slice %arg5[%add3A_44, %dma_wait3A] : memref<20000x128xf32, #tpu.memory_space<hbm>> -> memref<400x128xf32, #tpu.memory_space<hbm>>
        %dma_wait3A_51 = arith.constant 9600 : i32
        %dma_wait3A_52 = arith.constant 0 : i32
        %dma_wait3A_53 = tpu.memref_slice %arg11[%dma_wait3A_51, %dma_wait3A_52] : memref<10064x128xf32, #tpu.memory_space<vmem_shared>> -> memref<400x128xf32, #tpu.memory_space<vmem_shared>>
        tpu.wait_dma2 semaphore(%run_scoped3A : memref<!tpu.dma_semaphore, #tpu.memory_space<semaphore_mem>>) src(%dma_wait3A_53 : memref<400x128xf32, #tpu.memory_space<vmem_shared>>) dst(%dma_wait3A_50 : memref<400x128xf32, #tpu.memory_space<hbm>>)
        tpu.yield
      }) : () -> ()
    } else {
    }
    return
  }
}

module attributes {stable_mosaic.version = 14 : i64} {
  func.func @_tc_mm_body(%arg0: i32, %arg1: memref<1000x128xf32, #tpu.memory_space<vmem>>, %arg2: memref<128x128xf32, #tpu.memory_space<vmem>>, %arg3: memref<1000x128xf32, #tpu.memory_space<vmem>>) attributes {dimension_semantics = [#tpu.dimension_semantics<arbitrary>], iteration_bounds = array<i64: 10>, scalar_prefetch = 0 : i64, scratch_operands = 0 : i64, tpu.core_type = #tpu.core_type<tc>, window_params = [{transform_indices = @transform_0, window_bounds = array<i64: 1000, 128>}, {pipeline_mode = #tpu.pipeline_mode<synchronous>, transform_indices = @transform_1, window_bounds = array<i64: 128, 128>}, {transform_indices = @transform_2, window_bounds = array<i64: 1000, 128>}]} {
    %get3A = arith.constant 0 : index
    %get3A_0 = arith.constant 0 : index
    %get3A_1 = vector.load %arg1[%get3A, %get3A_0] : memref<1000x128xf32, #tpu.memory_space<vmem>>, vector<1000x128xf32>
    %get3A_2 = arith.constant 0 : index
    %get3A_3 = arith.constant 0 : index
    %get3A_4 = vector.load %arg2[%get3A_2, %get3A_3] : memref<128x128xf32, #tpu.memory_space<vmem>>, vector<128x128xf32>
    %dot_general3A = arith.constant dense<0.000000e+00> : vector<1000x128xf32>
    %dot_general3A_5 = tpu.matmul %get3A_1, %get3A_4, %dot_general3A {dimension_numbers = #tpu.dot_dimension_numbers<[1], [0], [0], [1], [0, 0, 1, 1], [], []>, transpose_lhs_hint = false} : vector<1000x128xf32>, vector<128x128xf32>, vector<1000x128xf32> -> vector<1000x128xf32>
    %swap3A = arith.constant 0 : index
    %swap3A_6 = arith.constant 0 : index
    %swap3A_7 = vector.load %arg3[%swap3A, %swap3A_6] : memref<1000x128xf32, #tpu.memory_space<vmem>>, vector<1000x128xf32>
    tpu.vector_store %arg3[%swap3A, %swap3A_6], %dot_general3A_5 {strides = array<i32>} : memref<1000x128xf32, #tpu.memory_space<vmem>>, vector<1000x128xf32>,
    return
  }
  func.func @transform_0(%arg0: i32) -> (i32, i32) {
    %c0_i32 = arith.constant 0 : i32
    %c0_i32_0 = arith.constant 0 : i32
    return %arg0, %c0_i32 : i32, i32
  }
  func.func @transform_1(%arg0: i32) -> (i32, i32) {
    %c0_i32 = arith.constant 0 : i32
    %c0_i32_0 = arith.constant 0 : i32
    %c0_i32_1 = arith.constant 0 : i32
    return %c0_i32, %c0_i32_0 : i32, i32
  }
  func.func @transform_2(%arg0: i32) -> (i32, i32) {
    %c0_i32 = arith.constant 0 : i32
    %c0_i32_0 = arith.constant 0 : i32
    return %arg0, %c0_i32 : i32, i32
  }
}

module attributes {stable_mosaic.version = 14 : i64} {
  func.func @_tc_a_body(%arg0: i32, %arg1: memref<1000x128xf32, #tpu.memory_space<vmem>>, %arg2: memref<1000x1xf32, #tpu.memory_space<vmem>>, %arg3: memref<1000x1xf32, #tpu.memory_space<vmem>>, %arg4: memref<1000x128xf32, #tpu.memory_space<vmem>>, %arg5: memref<1000x1xf32, #tpu.memory_space<vmem>>) attributes {dimension_semantics = [#tpu.dimension_semantics<arbitrary>], iteration_bounds = array<i64: 10>, scalar_prefetch = 0 : i64, scratch_operands = 0 : i64, tpu.core_type = #tpu.core_type<tc>, window_params = [{transform_indices = @transform_0, window_bounds = array<i64: 1000, 128>}, {transform_indices = @transform_1, window_bounds = array<i64: 1000, 1>}, {transform_indices = @transform_2, window_bounds = array<i64: 1000, 1>}, {transform_indices = @transform_3, window_bounds = array<i64: 1000, 128>}, {transform_indices = @transform_4, window_bounds = array<i64: 1000, 1>}]} {
    %get3A = arith.constant 0 : index
    %get3A_0 = arith.constant 0 : index
    %get3A_1 = vector.load %arg2[%get3A, %get3A_0] : memref<1000x1xf32, #tpu.memory_space<vmem>>, vector<1000x1xf32>
    %get3A_2 = arith.constant 0 : index
    %get3A_3 = arith.constant 0 : index
    %get3A_4 = vector.load %arg3[%get3A_2, %get3A_3] : memref<1000x1xf32, #tpu.memory_space<vmem>>, vector<1000x1xf32>
    %add3A = arith.addf %get3A_1, %get3A_4 : vector<1000x1xf32>
    %add3A_5 = arith.constant 1.000000e+00 : f32
    %add3A_6 = vector.broadcast %add3A_5 : f32 to vector<1000x1xf32>
    %add3A_7 = arith.addf %add3A, %add3A_6 : vector<1000x1xf32>
    %rsqrt3A = math.rsqrt %add3A_7 : vector<1000x1xf32>
    %get3A_8 = arith.constant 0 : index
    %get3A_9 = arith.constant 0 : index
    %get3A_10 = vector.load %arg1[%get3A_8, %get3A_9] : memref<1000x128xf32, #tpu.memory_space<vmem>>, vector<1000x128xf32>
    %mul3A = vector.broadcast %rsqrt3A : vector<1000x1xf32> to vector<1000x128xf32>
    %mul3A_11 = arith.mulf %get3A_10, %mul3A : vector<1000x128xf32>
    %swap3A = arith.constant 0 : index
    %swap3A_12 = arith.constant 0 : index
    %swap3A_13 = vector.load %arg4[%swap3A, %swap3A_12] : memref<1000x128xf32, #tpu.memory_space<vmem>>, vector<1000x128xf32>
    tpu.vector_store %arg4[%swap3A, %swap3A_12], %mul3A_11 {strides = array<i32>} : memref<1000x128xf32, #tpu.memory_space<vmem>>, vector<1000x128xf32>,
    %swap3A_14 = arith.constant 0 : index
    %swap3A_15 = arith.constant 0 : index
    %swap3A_16 = vector.load %arg5[%swap3A_14, %swap3A_15] : memref<1000x1xf32, #tpu.memory_space<vmem>>, vector<1000x1xf32>
    tpu.vector_store %arg5[%swap3A_14, %swap3A_15], %rsqrt3A {strides = array<i32>} : memref<1000x1xf32, #tpu.memory_space<vmem>>, vector<1000x1xf32>,
    return
  }
  func.func @transform_0(%arg0: i32) -> (i32, i32) {
    %c0_i32 = arith.constant 0 : i32
    %c0_i32_0 = arith.constant 0 : i32
    return %arg0, %c0_i32 : i32, i32
  }
  func.func @transform_1(%arg0: i32) -> (i32, i32) {
    %c0_i32 = arith.constant 0 : i32
    %c0_i32_0 = arith.constant 0 : i32
    return %arg0, %c0_i32 : i32, i32
  }
  func.func @transform_2(%arg0: i32) -> (i32, i32) {
    %add3A = arith.constant 10 : i32
    %add3A_0 = arith.addi %arg0, %add3A : i32
    %c0_i32 = arith.constant 0 : i32
    %c0_i32_1 = arith.constant 0 : i32
    return %add3A_0, %c0_i32 : i32, i32
  }
  func.func @transform_3(%arg0: i32) -> (i32, i32) {
    %c0_i32 = arith.constant 0 : i32
    %c0_i32_0 = arith.constant 0 : i32
    return %arg0, %c0_i32 : i32, i32
  }
  func.func @transform_4(%arg0: i32) -> (i32, i32) {
    %c0_i32 = arith.constant 0 : i32
    %c0_i32_0 = arith.constant 0 : i32
    return %arg0, %c0_i32 : i32, i32
  }
}

module attributes {stable_mosaic.version = 14 : i64} {
  func.func @_tc_b_body(%arg0: i32, %arg1: memref<1000x128xf32, #tpu.memory_space<vmem>>, %arg2: memref<1000x128xf32, #tpu.memory_space<vmem>>, %arg3: memref<1000x128xf32, #tpu.memory_space<vmem>>, %arg4: memref<1000x1xf32, #tpu.memory_space<vmem>>, %arg5: memref<1x128xf32, #tpu.memory_space<vmem>>, %arg6: memref<128x128xf32, #tpu.memory_space<vmem>>, %arg7: memref<1000x128xf32, #tpu.memory_space<vmem>>) attributes {dimension_semantics = [#tpu.dimension_semantics<arbitrary>], iteration_bounds = array<i64: 10>, scalar_prefetch = 0 : i64, scratch_operands = 0 : i64, tpu.core_type = #tpu.core_type<tc>, window_params = [{transform_indices = @transform_0, window_bounds = array<i64: 1000, 128>}, {transform_indices = @transform_1, window_bounds = array<i64: 1000, 128>}, {transform_indices = @transform_2, window_bounds = array<i64: 1000, 128>}, {transform_indices = @transform_3, window_bounds = array<i64: 1000, 1>}, {pipeline_mode = #tpu.pipeline_mode<synchronous>, transform_indices = @transform_4, window_bounds = array<i64: 1, 128>}, {pipeline_mode = #tpu.pipeline_mode<synchronous>, transform_indices = @transform_5, window_bounds = array<i64: 128, 128>}, {transform_indices = @transform_6, window_bounds = array<i64: 1000, 128>}]} {
    %get3A = arith.constant 0 : index
    %get3A_0 = arith.constant 0 : index
    %get3A_1 = vector.load %arg4[%get3A, %get3A_0] : memref<1000x1xf32, #tpu.memory_space<vmem>>, vector<1000x1xf32>
    %get3A_2 = arith.constant 0 : index
    %get3A_3 = arith.constant 0 : index
    %get3A_4 = vector.load %arg1[%get3A_2, %get3A_3] : memref<1000x128xf32, #tpu.memory_space<vmem>>, vector<1000x128xf32>
    %get3A_5 = arith.constant 0 : index
    %get3A_6 = arith.constant 0 : index
    %get3A_7 = vector.load %arg2[%get3A_5, %get3A_6] : memref<1000x128xf32, #tpu.memory_space<vmem>>, vector<1000x128xf32>
    %add3A = arith.addf %get3A_4, %get3A_7 : vector<1000x128xf32>
    %get3A_8 = arith.constant 0 : index
    %get3A_9 = arith.constant 0 : index
    %get3A_10 = vector.load %arg3[%get3A_8, %get3A_9] : memref<1000x128xf32, #tpu.memory_space<vmem>>, vector<1000x128xf32>
    %add3A_11 = arith.addf %add3A, %get3A_10 : vector<1000x128xf32>
    %mul3A = vector.broadcast %get3A_1 : vector<1000x1xf32> to vector<1000x128xf32>
    %mul3A_12 = arith.mulf %mul3A, %add3A_11 : vector<1000x128xf32>
    %get3A_13 = arith.constant 0 : index
    %get3A_14 = arith.constant 0 : index
    %get3A_15 = vector.load %arg5[%get3A_13, %get3A_14] : memref<1x128xf32, #tpu.memory_space<vmem>>, vector<1x128xf32>
    %add3A_16 = vector.broadcast %get3A_15 : vector<1x128xf32> to vector<1000x128xf32>
    %add3A_17 = arith.addf %mul3A_12, %add3A_16 : vector<1000x128xf32>
    %max3A = arith.constant 0.000000e+00 : f32
    %max3A_18 = vector.broadcast %max3A : f32 to vector<1000x128xf32>
    %max3A_19 = arith.maximumf %add3A_17, %max3A_18 : vector<1000x128xf32>
    %get3A_20 = arith.constant 0 : index
    %get3A_21 = arith.constant 0 : index
    %get3A_22 = vector.load %arg6[%get3A_20, %get3A_21] : memref<128x128xf32, #tpu.memory_space<vmem>>, vector<128x128xf32>
    %dot_general3A = arith.constant dense<0.000000e+00> : vector<1000x128xf32>
    %dot_general3A_23 = tpu.matmul %max3A_19, %get3A_22, %dot_general3A {dimension_numbers = #tpu.dot_dimension_numbers<[1], [0], [0], [1], [0, 0, 1, 1], [], []>, transpose_lhs_hint = false} : vector<1000x128xf32>, vector<128x128xf32>, vector<1000x128xf32> -> vector<1000x128xf32>
    %mul3A_24 = vector.broadcast %get3A_1 : vector<1000x1xf32> to vector<1000x128xf32>
    %mul3A_25 = arith.mulf %dot_general3A_23, %mul3A_24 : vector<1000x128xf32>
    %swap3A = arith.constant 0 : index
    %swap3A_26 = arith.constant 0 : index
    %swap3A_27 = vector.load %arg7[%swap3A, %swap3A_26] : memref<1000x128xf32, #tpu.memory_space<vmem>>, vector<1000x128xf32>
    tpu.vector_store %arg7[%swap3A, %swap3A_26], %mul3A_25 {strides = array<i32>} : memref<1000x128xf32, #tpu.memory_space<vmem>>, vector<1000x128xf32>,
    return
  }
  func.func @transform_0(%arg0: i32) -> (i32, i32) {
    %c0_i32 = arith.constant 0 : i32
    %c0_i32_0 = arith.constant 0 : i32
    return %arg0, %c0_i32 : i32, i32
  }
  func.func @transform_1(%arg0: i32) -> (i32, i32) {
    %add3A = arith.constant 10 : i32
    %add3A_0 = arith.addi %arg0, %add3A : i32
    %c0_i32 = arith.constant 0 : i32
    %c0_i32_1 = arith.constant 0 : i32
    return %add3A_0, %c0_i32 : i32, i32
  }
  func.func @transform_2(%arg0: i32) -> (i32, i32) {
    %c0_i32 = arith.constant 0 : i32
    %c0_i32_0 = arith.constant 0 : i32
    return %arg0, %c0_i32 : i32, i32
  }
  func.func @transform_3(%arg0: i32) -> (i32, i32) {
    %c0_i32 = arith.constant 0 : i32
    %c0_i32_0 = arith.constant 0 : i32
    return %arg0, %c0_i32 : i32, i32
  }
  func.func @transform_4(%arg0: i32) -> (i32, i32) {
    %c0_i32 = arith.constant 0 : i32
    %c0_i32_0 = arith.constant 0 : i32
    %c0_i32_1 = arith.constant 0 : i32
    return %c0_i32, %c0_i32_0 : i32, i32
  }
  func.func @transform_5(%arg0: i32) -> (i32, i32) {
    %c0_i32 = arith.constant 0 : i32
    %c0_i32_0 = arith.constant 0 : i32
    %c0_i32_1 = arith.constant 0 : i32
    return %c0_i32, %c0_i32_0 : i32, i32
  }
  func.func @transform_6(%arg0: i32) -> (i32, i32) {
    %c0_i32 = arith.constant 0 : i32
    %c0_i32_0 = arith.constant 0 : i32
    return %arg0, %c0_i32 : i32, i32
  }
}

module attributes {stable_mosaic.version = 14 : i64} {
  func.func @_tc_c_body(%arg0: i32, %arg1: memref<1000x128xf32, #tpu.memory_space<vmem>>, %arg2: memref<1000x128xf32, #tpu.memory_space<vmem>>, %arg3: memref<1000x128xf32, #tpu.memory_space<vmem>>, %arg4: memref<1000x1xf32, #tpu.memory_space<vmem>>, %arg5: memref<1x128xf32, #tpu.memory_space<vmem>>, %arg6: memref<1000x128xf32, #tpu.memory_space<vmem>>) attributes {dimension_semantics = [#tpu.dimension_semantics<arbitrary>], iteration_bounds = array<i64: 10>, scalar_prefetch = 0 : i64, scratch_operands = 0 : i64, tpu.core_type = #tpu.core_type<tc>, window_params = [{transform_indices = @transform_0, window_bounds = array<i64: 1000, 128>}, {transform_indices = @transform_1, window_bounds = array<i64: 1000, 128>}, {transform_indices = @transform_2, window_bounds = array<i64: 1000, 128>}, {transform_indices = @transform_3, window_bounds = array<i64: 1000, 1>}, {pipeline_mode = #tpu.pipeline_mode<synchronous>, transform_indices = @transform_4, window_bounds = array<i64: 1, 128>}, {transform_indices = @transform_5, window_bounds = array<i64: 1000, 128>}]} {
    %get3A = arith.constant 0 : index
    %get3A_0 = arith.constant 0 : index
    %get3A_1 = vector.load %arg4[%get3A, %get3A_0] : memref<1000x1xf32, #tpu.memory_space<vmem>>, vector<1000x1xf32>
    %get3A_2 = arith.constant 0 : index
    %get3A_3 = arith.constant 0 : index
    %get3A_4 = vector.load %arg1[%get3A_2, %get3A_3] : memref<1000x128xf32, #tpu.memory_space<vmem>>, vector<1000x128xf32>
    %get3A_5 = arith.constant 0 : index
    %get3A_6 = arith.constant 0 : index
    %get3A_7 = vector.load %arg2[%get3A_5, %get3A_6] : memref<1000x128xf32, #tpu.memory_space<vmem>>, vector<1000x128xf32>
    %add3A = arith.addf %get3A_4, %get3A_7 : vector<1000x128xf32>
    %get3A_8 = arith.constant 0 : index
    %get3A_9 = arith.constant 0 : index
    %get3A_10 = vector.load %arg3[%get3A_8, %get3A_9] : memref<1000x128xf32, #tpu.memory_space<vmem>>, vector<1000x128xf32>
    %add3A_11 = arith.addf %add3A, %get3A_10 : vector<1000x128xf32>
    %mul3A = vector.broadcast %get3A_1 : vector<1000x1xf32> to vector<1000x128xf32>
    %mul3A_12 = arith.mulf %mul3A, %add3A_11 : vector<1000x128xf32>
    %get3A_13 = arith.constant 0 : index
    %get3A_14 = arith.constant 0 : index
    %get3A_15 = vector.load %arg5[%get3A_13, %get3A_14] : memref<1x128xf32, #tpu.memory_space<vmem>>, vector<1x128xf32>
    %add3A_16 = vector.broadcast %get3A_15 : vector<1x128xf32> to vector<1000x128xf32>
    %add3A_17 = arith.addf %mul3A_12, %add3A_16 : vector<1000x128xf32>
    %swap3A = arith.constant 0 : index
    %swap3A_18 = arith.constant 0 : index
    %swap3A_19 = vector.load %arg6[%swap3A, %swap3A_18] : memref<1000x128xf32, #tpu.memory_space<vmem>>, vector<1000x128xf32>
    tpu.vector_store %arg6[%swap3A, %swap3A_18], %add3A_17 {strides = array<i32>} : memref<1000x128xf32, #tpu.memory_space<vmem>>, vector<1000x128xf32>,
    return
  }
  func.func @transform_0(%arg0: i32) -> (i32, i32) {
    %c0_i32 = arith.constant 0 : i32
    %c0_i32_0 = arith.constant 0 : i32
    return %arg0, %c0_i32 : i32, i32
  }
  func.func @transform_1(%arg0: i32) -> (i32, i32) {
    %add3A = arith.constant 10 : i32
    %add3A_0 = arith.addi %arg0, %add3A : i32
    %c0_i32 = arith.constant 0 : i32
    %c0_i32_1 = arith.constant 0 : i32
    return %add3A_0, %c0_i32 : i32, i32
  }
  func.func @transform_2(%arg0: i32) -> (i32, i32) {
    %c0_i32 = arith.constant 0 : i32
    %c0_i32_0 = arith.constant 0 : i32
    return %arg0, %c0_i32 : i32, i32
  }
  func.func @transform_3(%arg0: i32) -> (i32, i32) {
    %c0_i32 = arith.constant 0 : i32
    %c0_i32_0 = arith.constant 0 : i32
    return %arg0, %c0_i32 : i32, i32
  }
  func.func @transform_4(%arg0: i32) -> (i32, i32) {
    %c0_i32 = arith.constant 0 : i32
    %c0_i32_0 = arith.constant 0 : i32
    %c0_i32_1 = arith.constant 0 : i32
    return %c0_i32, %c0_i32_0 : i32, i32
  }
  func.func @transform_5(%arg0: i32) -> (i32, i32) {
    %c0_i32 = arith.constant 0 : i32
    %c0_i32_0 = arith.constant 0 : i32
    return %arg0, %c0_i32 : i32, i32
  }
}

</mosaic_0001>

<sc_bundles>
// kernel: kernel.12.cloned.1.call-start
scs
__scs_entry_jumppad:
0x0: {  	(pc) =	sbr.rel $0x88, $3  }
0x1: {  	(tag) =	ssettag $0x0;
	lr =	simm.s32 $0x1  }
0x2: {  	[smem:$0x3F9B] =	sst lr;
	_ =	strace $0xD0000000  }
0x3: {  	_ = 	snop  }
0x4: {  	_ = 	snop  }
0x5: {  	_ = 	snop  }
0x6: {  	_ = 	snop  }
0x7: {  	_ = 	snop  }
__scs_overlays_trampoline_lowered:
0x8: {  	[smem:$0x3FAA] =	sst s0  }
0x9: {  	[smem:$0x3FAB] =	sst s1  }
0xa: {  	[smem:$0x3FAC] =	sst s2  }
0xb: {  	[smem:$0x3FAD] =	sst s3  }
0xc: {  	[smem:$0x3FAE] =	sst s4  }
0xd: {  	[smem:$0x3FAF] =	sst s5  }
0xe: {  	[smem:$0x3FB0] =	sst s6  }
0xf: {  	[smem:$0x3FB1] =	sst s7  }
0x10: {  	[smem:$0x3FB2] =	sst s8  }
0x11: {  	[smem:$0x3FB3] =	sst s9;
	s0 =	simm.s32 @!p0 $0x0  }
0x12: {  	s1 =	sld [smem:$0x3F99];
	s0 =	simm.s32 @p0 $0x1  }
0x13: {  	[smem:$0x3FB4] =	sst s0;
	s0 =	simm.s32 @!p1 $0x0  }
0x14: {  	s2 =	sld [smem:$0x3F98];
	s0 =	simm.s32 @p1 $0x1  }
0x15: {  	[smem:$0x3FB5] =	sst s0;
	s0 =	simm.s32 @!p2 $0x0  }
0x16: {  	s3 =	sld [smem:$0x3FDB];
	s0 =	simm.s32 @p2 $0x1  }
0x17: {  	s4 =	simm.s32 $0x1BF5;
	[smem:$0x3FB7] =	sst s0  }
0x18: {  	s0 =	sld [smem:$0x3F9A];
	_ =	swait.ge [sflag:s4], $0x0  }
0x19: {  	s7 =	sld [smem:$0x3F9B]  }
0x1a: {  	s8 =	sadd.s32 $0xFFFFE003, lr  }
0x1b: {  	s9 =	sadd.s32 $0xFFFFFEF7, lr;
	s5 =	simm.s32 $0xFFFFFFFF;
	p2 =	slt.u32 s8, $0xFFFFF086  }
0x1c: {  	p1 =	slt.u32 s9, $0xF7A;
	s5 =	simm.s32 @!p2 $0x0  }
0x1d: {  	s5 =	simm.s32 @p1 $0x1;
	p0 =	seq.s32 s7, s2  }
0x1e: {  	s7 =	smul.u32 @!p0 $0xF7A, s2;
	p2 =	seq.s32 @!p0 s5, $0x0  }
0x1f: {  	s9 =	smul.u32 $0xF7A, s1;
	s8 =	simm.s32 @!p0 $0x1BF5;
	p2 =	por !p2, p0  }
0x20: {  	[sflag:s8] =	ssyncset.s32 @!p0 $0xFFFFF086;
	s6 =	sadd.s32 @!p0 s3, s7;
	s7 =	simm.s32 @!p0 $0x108  }
0x21: {  	s3 =	sadd.s32 s3, s9;
	s6 =	sadd.s32 @!p0 $0x88, s6;
	s7 =	simm.s32 @p2 $0x1082  }
0x22: {  	[simem:s7], [sflag:s8] =	dma.local @!p0 [hbm:s6], $0xF7A  }
0x23: {  	s9 =	sor.u32 $0xD0000000, s2;
	s6 =	simm.s32 $0x108;
	_ =	swait.ge @!p0 [sflag:s8], $0x0  }
0x24: {  	s3 =	sadd.s32 $0x88, s3;
	s6 =	simm.s32 @!p1 $0x1082;
	[sflag:s4] =	ssyncset.s32 $0xFFFFF086  }
0x25: {  	[simem:s6], [sflag:s4] =	dma.local [hbm:s3], $0xF7A  }
0x26: {  	[smem:$0x3F9B] =	sst s1;
	(tag) =	ssettag s2;
	_ =	strace s9  }
0x27: {  	s1 =	sld [smem:$0x3FAB]  }
0x28: {  	s2 =	sld [smem:$0x3FAC]  }
0x29: {  	s4 =	sld [smem:$0x3FAE]  }
0x2a: {  	p0 =	seq.s32 s5, $0x0;
	s5 =	sld [smem:$0x3FAF]  }
0x2b: {  	s6 =	sld [smem:$0x3FB0]  }
0x2c: {  	s7 =	sld [smem:$0x3FB1]  }
0x2d: {  	s3 =	simm.s32 $0x108;
	s8 =	sld [smem:$0x3FB2]  }
0x2e: {  	s3 =	simm.s32 @!p0 $0x1082;
	s9 =	sld [smem:$0x3FB3]  }
0x2f: {  	lr =	sadd.s32 s0, s3;
	s0 =	sld [smem:$0x3FAA]  }
0x30: {  	s3 =	sld [smem:$0x3FAD]  }
0x31: {  	[smem:$0x3FB6] =	sst s10  }
0x32: {  	s10 =	sld [smem:$0x3FB4];
	_ =	sdelay $0x3  }
0x33: {  	p0 =	seq.s32 s10, $0x1;
	s10 =	sld [smem:$0x3FB6];
	_ =	sdelay $0x3  }
0x34: {  	[smem:$0x3FB6] =	sst s10  }
0x35: {  	s10 =	sld [smem:$0x3FB5];
	_ =	sdelay $0x3  }
0x36: {  	p1 =	seq.s32 s10, $0x1;
	s10 =	sld [smem:$0x3FB6];
	_ =	sdelay $0x3  }
0x37: {  	[smem:$0x3FB6] =	sst s10  }
0x38: {  	s10 =	sld [smem:$0x3FB7]  }
0x39: {  	_ = 	snop;
	(pc) =	sbr.ind lr, $3  }
0x3a: {  	_ = 	snop  }
0x3b: {  	_ = 	snop  }
0x3c: {  	p2 =	seq.s32 s10, $0x1;
	s10 =	sld [smem:$0x3FB6]  }
0x3d: {  	_ =	shalt  }
0x3e: {  	_ =	shalt  }
0x3f: {  	_ =	shalt  }
0x40: {  	_ =	shalt  }
0x41: {  	_ =	shalt  }
0x42: {  	_ =	shalt  }
0x43: {  	_ =	shalt  }
0x44: {  	_ =	shalt  }
0x45: {  	_ =	shalt  }
0x46: {  	_ =	shalt  }
0x47: {  	_ =	shalt  }
0x48: {  	_ =	shalt  }
0x49: {  	_ =	shalt  }
0x4a: {  	_ =	shalt  }
0x4b: {  	_ =	shalt  }
0x4c: {  	_ =	shalt  }
0x4d: {  	_ =	shalt  }
0x4e: {  	_ =	shalt  }
0x4f: {  	_ =	shalt  }
0x50: {  	_ =	shalt  }
0x51: {  	_ =	shalt  }
0x52: {  	_ =	shalt  }
0x53: {  	_ =	shalt  }
0x54: {  	_ =	shalt  }
0x55: {  	_ =	shalt  }
0x56: {  	_ =	shalt  }
0x57: {  	_ =	shalt  }
0x58: {  	_ =	shalt  }
0x59: {  	_ =	shalt  }
0x5a: {  	_ =	shalt  }
0x5b: {  	_ =	shalt  }
0x5c: {  	_ =	shalt  }
0x5d: {  	_ =	shalt  }
0x5e: {  	_ =	shalt  }
0x5f: {  	_ =	shalt  }
0x60: {  	_ =	shalt  }
0x61: {  	_ =	shalt  }
0x62: {  	_ =	shalt  }
0x63: {  	_ =	shalt  }
0x64: {  	_ =	shalt  }
0x65: {  	_ =	shalt  }
0x66: {  	_ =	shalt  }
0x67: {  	_ =	shalt  }
0x68: {  	_ =	shalt  }
0x69: {  	_ =	shalt  }
0x6a: {  	_ =	shalt  }
0x6b: {  	_ =	shalt  }
0x6c: {  	_ =	shalt  }
0x6d: {  	_ =	shalt  }
0x6e: {  	_ =	shalt  }
0x6f: {  	_ =	shalt  }
0x70: {  	_ =	shalt  }
0x71: {  	_ =	shalt  }
0x72: {  	_ =	shalt  }
0x73: {  	_ =	shalt  }
0x74: {  	_ =	shalt  }
0x75: {  	_ =	shalt  }
0x76: {  	_ =	shalt  }
0x77: {  	_ =	shalt  }
0x78: {  	_ =	shalt  }
0x79: {  	_ =	shalt  }
0x7a: {  	_ =	shalt  }
0x7b: {  	_ =	shalt  }
0x7c: {  	_ =	shalt  }
0x7d: {  	_ =	shalt  }
0x7e: {  	_ =	shalt  }
0x7f: {  	_ =	shalt  }
0x80: {  	_ =	shalt  }
0x81: {  	_ =	shalt  }
0x82: {  	_ =	shalt  }
0x83: {  	_ =	shalt  }
0x84: {  	_ =	shalt  }
0x85: {  	_ =	shalt  }
0x86: {  	_ =	shalt  }
0x87: {  	_ =	shalt  }
.Lfunc_end0:
.L_simem_size_0:
called_computation.1_lowered:
.L_overlay_start_0:
0x88: {  	s2 =	sld [smem:$0x3FD9]  }
0x89: {  	s3 =	sld [smem:$0x3FFE];
	_ =	sdelay $0x1  }
0x8a: {  	s1 =	srdreg.scid  }
0x8b: {  	s0 =	sand.u32 $0x1, s1  }
0x8c: {  	s17 =	sshll.u32 s0, $0xA;
	s2 =	sadd.s32 s3, s2  }
0x8d: {  	s2 =	sadd.s32 s2, s17  }
0x8e: {  	[smem:$0x3FC2] =	sst s2  }
0x8f: {  	_ = 	snop  }
0x90: {  	s2 =	sld [smem:$0x3FD0];
	(tm) =	ssettm $0x1  }
0x91: {  	s18 =	sld [smem:$0x3FFB];
	_ =	sdelay $0x3  }
0x92: {  	_ =	strace s18  }
0x93: {  	s3 =	sld [smem:$0x3FFC];
	_ =	sdelay $0x3  }
0x94: {  	_ =	strace s3  }
0x95: {  	s3 =	sld [smem:$0x3FFD];
	_ =	sdelay $0x3  }
0x96: {  	_ =	strace s3  }
0x97: {  	_ =	strace $0x8FFFFFFF  }
0x98: {  	s19 =	sld [smem:$0x3FDB];
	_ =	sdelay $0x1  }
0x99: {  	s4 =	simm.s32 $_scs_section_size  }
0x9a: {  	s5 =	simm.s32 $_size__tile_overlayer_lowered;
	s6 =	simm.s32 $_tile_overlayer_lowered  }
0x9b: {  	s22 =	simm.s32 $0x1BFF;
	s21 =	sshll.u32 s6, $0x1;
	s3 =	sadd.s32 s4, s19  }
0x9c: {  	s7 =	simm.s32 $0x0;
	s20 =	sshll.u32 s5, $0x1;
	s5 =	sadd.s32 s21, s3  }
0x9d: {  	[timem:s7], [sflag:s22] =	dma.local [hbm:s5], s20  }
0x9e: {  	_ =	swait.ge [sflag:s22], s20  }
0x9f: {  	s4 =	ssub.s32 $0x0, s20;
	[sflag:s22] =	ssyncset.done $0x0  }
0xa0: {  	[sflag:s22] =	ssyncadd.s32 s4;
	_ =	sdelay $0x1  }
0xa1: {  	s23 =	simm.s32 $0x1B8B  }
0xa2: {  	_ =	swait.ge [sflag:s23], $0x1  }
0xa3: {  	[sflag:s23] =	ssyncset.done $0x0  }
0xa4: {  	s25 =	simm.s32 $0x1B8E;
	s24 =	sld [smem:$0x3FFE];
	[sflag:s23] =	ssyncadd.s32 $0xFFFFFFFF  }
0xa5: {  	s26 =	simm.s32 $execute0_lowered;
	[smem:$0x3FD2] =	sst s25  }
0xa6: {  	s5 =	sshll.u32 s26, $0x1;
	_ =	strace $0x80000049;
	[dreg:$0x1] =	wrdreg $0xFFFFFFFF  }
0xa7: {  	s28 =	simm.s32 $_size_execute0_lowered;
	s3 =	sadd.s32 s3, s5;
	[dreg:$0x0] =	wrdreg $0x0  }
0xa8: {  	s5 =	sshll.u32 s28, $0x1;
	[dreg:$0x2] =	wrdreg s3  }
0xa9: {  	[dreg:$0x3] =	wrdreg s5  }
0xaa: {  	[dreg:$0x4] =	wrdreg $0xC0  }
0xab: {  	_ =	task [dreg:s7], $0x5FFFF  }
0xac: {  	[dreg:$0x1] =	wrdreg $0xFFFFFFFF  }
0xad: {  	[dreg:$0x0] =	wrdreg $0x60  }
0xae: {  	[dreg:$0x2] =	wrdreg s24  }
0xaf: {  	[dreg:$0x3] =	wrdreg s2  }
0xb0: {  	[dreg:$0x4] =	wrdreg $0xA9000  }
0xb1: {  	[dreg:$0x5] =	wrdreg $0x9  }
0xb2: {  	_ =	task.clear_ibuf [dreg:s7], $0x6FFFF;
	_ =	strace $0x90000049  }
0xb3: {  	s29 =	simm.s32 $0x9;
	_ =	strace $0x8000004B  }
0xb4: {  	_ =	swait.ge [sflag:s29], $0x1  }
0xb5: {  	[sflag:s29] =	ssyncadd.s32 $0xFFFFFFFF  }
0xb6: {  	_ =	strace $0x9000004B  }
0xb7: {  	_ =	sfence  }
0xb8: {  	s30 =	sld [smem:$0x0];
	_ =	sdelay $0x2  }
0xb9: {  	s31 =	sshll.u32 s1, $0xD;
	s1 =	sshrl.u32 s1, $0x2  }
0xba: {  	s3 =	sand.u32 $0x4000, s31;
	s1 =	sadd.s32 s1, s30  }
0xbb: {  	s0 =	sor.u32 s3, s0;
	s1 =	sshll.u32 s1, $0x11  }
0xbc: {  	s0 =	sor.u32 s1, s0  }
0xbd: {  	s0 =	sadd.s32 $0x8F2B, s0  }
0xbe: {  	[sflag:s0] =	ssyncadd.remote.s32 $0x1  }
0xbf: {  	_ =	sfence.sel $0xFFFF  }
0xc0: {  	[dreg:$0x0] =	wrdreg $0xFFFFFFFF;
	(pc) =	sbr.abs _section_cstart, $3  }
0xc1: {  	[dreg:$0x1] =	wrdreg $0xFFFFFFFF  }
0xc2: {  	_ =	task.clear_ibuf [dreg:s7], $0x2FFFF;
	_ =	strace $0x9FFFFFFF  }
0xc3: {  	(tm) =	ssettm $0x7FFFFFFF  }
tec
execute0_lowered:
.L_overlay_start_1:
0x0: {  	(tag) =	ssettag $0x1  }
0x1: {  	s0 =	rddreg [dreg:$0x0]  }
0x2: {  	s2 =	rddreg [dreg:$0x1]  }
0x3: {  	s3 =	rddreg [dreg:$0x2];
	s1 =	srdreg.scid  }
0x4: {  	s23 =	stileid.u32;
	s4 =	simm.s32 $0x0;
	s24 =	simm.s32 $0x2900  }
0x5: {  	s28 =	simm.s32 $0x6900;
	s29 =	simm.s32 $0x2;
	s1 =	sand.u32 $0x1, s1  }
0x6: {  	s5 =	sshll.u32 s23, $0x1;
	[smem:$0x7FF] =	sst s4;
	s6 =	smul.u32 $0x50000, s23  }
0x7: {  	s17 =	sadd.s32 $0x2800, s0;
	s10 =	sadd.s32 $0x12C000, s3;
	s20 =	smul.u32 $0x2800, s23  }
0x8: {  	s11 =	sadd.s32 $0x130000, s3;
	s12 =	sadd.s32 $0x134000, s3;
	s22 =	smul.u32 $0xA00, s23  }
0x9: {  	s13 =	sadd.s32 $0x138000, s3;
	p0 =	seq.s32 s23, $0xF;
	s18 =	smul.u32 $0x27100, s1  }
0xa: {  	s23 =	simm.s32 $0x80;
	s5 =	sor.u32 s1, s5;
	s21 =	smul.u32 $0x138800, s1  }
0xb: {  	_ =	strace $0x8000004A;
	s7 =	ssub.s32 $0x2, s1;
	s1 =	smul.u32 $0x500, s1  }
0xc: {  	s14 =	smul.u32 $0x500, s5;
	s25 =	sshrl.u32 s6, $0x2;
	s26 =	sshrl.u32 s7, $0x1  }
0xd: {  	s31 =	sadd.s32 s22, s17;
	s22 =	simm.s32 $0x4;
	s5 =	sadd.s32 s25, s3  }
0xe: {  	s19 =	ssub.s32 s7, s26;
	s18 =	sadd.s32 s20, s18;
	s30 =	sshrl.u32 s21, $0x3  }
0xf: {  	s1 =	sadd.s32 s1, s31;
	s25 =	simm.s32 $0x1;
	s26 =	simm.s32 $0x3  }
0x10: {  	s15 =	sadd.s32 s14, s0;
	s0 =	sadd.s32 $0x16800, s0;
	s6 =	sadd.s32 $0x4000, s5  }
0x11: {  	s7 =	sadd.s32 $0x8000, s5;
	s8 =	sadd.s32 $0xC000, s5;
	s9 =	sadd.s32 $0x10000, s5  }
0x12: {  	s14 =	sadd.s32 s17, s14;
	s19 =	smax.u32 s19, $0x1;
	s21 =	sadd.s32 $0x30, s1  }
0x13: {  	s15 =	sadd.s32 $0xC800, s15;
	s17 =	sadd.s32 s0, s18;
	s0 =	sadd.s32 s0, s30  }
0x14: {  	v0 =	vimm.f32 $0.0e+00;
	s16 =	sadd.s32 $0x10, s14;
	s18 =	sadd.s32 $0x25800, s0;
	s0 =	simm.s32 $0x0  }
.LBB2_1:
0x15: {  	s1 =	simm.s32 $0x0;
	s20 =	simm.s32 $0x200  }
.LBB2_2:
0x16: {  	p1 =	sne.s32 s20, $0xFE00;
	[tilespmem:s1+$0x2970] =	vst v0  }
0x17: {  	[tilespmem:s1+$0x2900] =	vst v0  }
0x18: {  	[tilespmem:s1+$0x2910] =	vst v0  }
.Ltmp0:
0x19: {  	[tilespmem:s1+$0x2920] =	vst v0;
	(pc) =	sbr.rel @p1 .LBB2_2-.Ltmp0, $4  }
0x1a: {  	[tilespmem:s1+$0x2930] =	vst v0  }
0x1b: {  	[tilespmem:s1+$0x2940] =	vst v0  }
0x1c: {  	[tilespmem:s1+$0x2950] =	vst v0  }
0x1d: {  	[tilespmem:s1+$0x2960] =	vst v0;
	s1 =	sshra.s32 s20, $0x2;
	s20 =	sadd.s32 $0x200, s20  }
0x1e: {  	[tilespmem:s1+$0x2970] =	vst v0  }
0x1f: {  	[tilespmem:s1+$0x2900] =	vst v0  }
0x20: {  	[tilespmem:s1+$0x2910] =	vst v0  }
0x21: {  	[tilespmem:s1+$0x2920] =	vst v0  }
0x22: {  	[tilespmem:s1+$0x2930] =	vst v0  }
0x23: {  	[tilespmem:s1+$0x2940] =	vst v0  }
0x24: {  	[tilespmem:s1+$0x2950] =	vst v0  }
0x25: {  	[tilespmem:s1+$0x2960] =	vst v0;
	s1 =	simm.s32 @p0 $0x2900;
	s20 =	simm.s32 @p0 $0x4  }
0x26: {  	[spmem:s10] =	stream.linear.scatter @p0 [tilespmem:s1], [sflag:$0x4], $0x4000, $0x38;
	[tilespmem:$0x1E380] =	vst v63  }
0x27: {  	_ =	swait.ge @p0 [sflag:s20], $0x4000  }
0x28: {  	[sflag:s20] =	ssyncset.done @p0 $0x0  }
0x29: {  	[sflag:s20] =	ssyncadd.s32 @p0 $0xFFFFC000  }
0x2a: {  	[spmem:s11] =	stream.linear.scatter @p0 [tilespmem:s1], [sflag:$0x4], $0x4000, $0x38;
	[tilespmem:$0x1E380] =	vst v63  }
0x2b: {  	_ =	swait.ge @p0 [sflag:s20], $0x4000  }
0x2c: {  	[sflag:s20] =	ssyncset.done @p0 $0x0  }
0x2d: {  	[sflag:s20] =	ssyncadd.s32 @p0 $0xFFFFC000  }
0x2e: {  	[spmem:s12] =	stream.linear.scatter @p0 [tilespmem:s1], [sflag:$0x4], $0x4000, $0x38;
	[tilespmem:$0x1E380] =	vst v63  }
0x2f: {  	_ =	swait.ge @p0 [sflag:s20], $0x4000  }
0x30: {  	[sflag:s20] =	ssyncset.done @p0 $0x0  }
0x31: {  	[sflag:s20] =	ssyncadd.s32 @p0 $0xFFFFC000  }
0x32: {  	[spmem:s13] =	stream.linear.scatter @p0 [tilespmem:s1], [sflag:$0x4], $0x2800, $0x38;
	[tilespmem:$0x1E380] =	vst v63  }
0x33: {  	_ =	swait.ge @p0 [sflag:s20], $0x2800  }
0x34: {  	[sflag:s20] =	ssyncset.done @p0 $0x0  }
0x35: {  	s1 =	simm.s32 @!p0 $0x2900;
	[sflag:s20] =	ssyncadd.s32 @p0 $0xFFFFD800;
	s20 =	simm.s32 @!p0 $0x4  }
0x36: {  	[spmem:s5] =	stream.linear.scatter @!p0 [tilespmem:s1], [sflag:$0x4], $0x4000, $0x38;
	[tilespmem:$0x1E380] =	vst v63  }
0x37: {  	_ =	swait.ge @!p0 [sflag:s20], $0x4000  }
0x38: {  	[sflag:s20] =	ssyncset.done @!p0 $0x0  }
0x39: {  	[sflag:s20] =	ssyncadd.s32 @!p0 $0xFFFFC000  }
0x3a: {  	[spmem:s6] =	stream.linear.scatter @!p0 [tilespmem:s1], [sflag:$0x4], $0x4000, $0x38;
	[tilespmem:$0x1E380] =	vst v63  }
0x3b: {  	_ =	swait.ge @!p0 [sflag:s20], $0x4000  }
0x3c: {  	[sflag:s20] =	ssyncset.done @!p0 $0x0  }
0x3d: {  	[sflag:s20] =	ssyncadd.s32 @!p0 $0xFFFFC000  }
0x3e: {  	[spmem:s7] =	stream.linear.scatter @!p0 [tilespmem:s1], [sflag:$0x4], $0x4000, $0x38;
	[tilespmem:$0x1E380] =	vst v63  }
0x3f: {  	_ =	swait.ge @!p0 [sflag:s20], $0x4000  }
0x40: {  	[sflag:s20] =	ssyncset.done @!p0 $0x0  }
0x41: {  	[sflag:s20] =	ssyncadd.s32 @!p0 $0xFFFFC000  }
0x42: {  	[spmem:s8] =	stream.linear.scatter @!p0 [tilespmem:s1], [sflag:$0x4], $0x4000, $0x38;
	[tilespmem:$0x1E380] =	vst v63  }
0x43: {  	_ =	swait.ge @!p0 [sflag:s20], $0x4000  }
0x44: {  	[sflag:s20] =	ssyncset.done @!p0 $0x0  }
0x45: {  	[sflag:s20] =	ssyncadd.s32 @!p0 $0xFFFFC000  }
0x46: {  	[spmem:s9] =	stream.linear.scatter @!p0 [tilespmem:s1], [sflag:$0x4], $0x4000, $0x38;
	[tilespmem:$0x1E380] =	vst v63  }
0x47: {  	_ =	swait.ge @!p0 [sflag:s20], $0x4000  }
0x48: {  	[sflag:s20] =	ssyncset.done @!p0 $0x0  }
0x49: {  	[sflag:s20] =	ssyncadd.s32 @!p0 $0xFFFFC000  }
0x4a: {  	s30 =	simm.s32 $0x0;
	s31 =	simm.s32 $0x100;
	[bflag:$0x0] =	sbarrier.arrive $0xFFFF  }
0x4b: {  	[tilespmem:s31], [sflag:$0x4] =	stream.linear.gather [hbm4b:s15+s30], $0x2800, $0x38;
	[tilespmem:$0x1E380] =	vst v63  }
0x4c: {  	_ =	swait.ge [sflag:s22], $0x2800  }
0x4d: {  	[sflag:s22] =	ssyncset.done $0x0  }
0x4e: {  	[sflag:s22] =	ssyncadd.s32 $0xFFFFD800  }
0x4f: {  	[tilespmem:s30], [sflag:$0x4] =	stream.linear.gather [hbm4b:s14+s30], $0x80, $0x38;
	[tilespmem:$0x1E380] =	vst v63  }
0x50: {  	_ =	swait.ge [sflag:s22], $0x80  }
0x51: {  	[sflag:s22] =	ssyncset.done $0x0  }
0x52: {  	[sflag:s22] =	ssyncadd.s32 $0xFFFFFF80  }
0x53: {  	[tilespmem:s23], [sflag:$0x3] =	stream.linear.gather [hbm4b:s16+s30], $0x80, $0x38;
	[tilespmem:$0x1E380] =	vst v63  }
0x54: {  	_ = 	snop  }
0x55: {  	[tilespmem:s24], [sflag:$0x1] =	stream.indirect.gather [hbm4b:s2+s23], $0x80, s30, s23, $0xb8;
	[tilespmem:$0x1E380] =	vst v63  }
0x56: {  	_ =	swait.ge [sflag:s25], $0x4000  }
0x57: {  	[sflag:s25] =	ssyncset.done $0x0  }
0x58: {  	s20 =	sadd.s32 $0xFFFFFFF0, s21;
	[sflag:s25] =	ssyncadd.s32 $0xFFFFC000  }
0x59: {  	[tilespmem:s4], [sflag:$0x2] =	stream.linear.gather [hbm4b:s20+s4], $0x80, $0x38;
	[tilespmem:$0x1E380] =	vst v63  }
0x5a: {  	_ =	swait.ge [sflag:s26], $0x80  }
0x5b: {  	[sflag:s26] =	ssyncset.done $0x0  }
0x5c: {  	[sflag:s26] =	ssyncadd.s32 $0xFFFFFF80  }
0x5d: {  	[tilespmem:s28], [sflag:$0x1] =	stream.indirect.gather [hbm4b:s2+s23], $0x80, s23, s23, $0xb8;
	[tilespmem:$0x1E380] =	vst v63  }
0x5e: {  	s30 =	simm.s32 $0x100  }
0x5f: {  	[spmem:s3] =	stream.indirect.scatter.add.f32 [tilespmem:s24], [sflag:$0x4], $0x80, s30, s23, $0xb8;
	[tilespmem:$0x1E380] =	vst v63  }
0x60: {  	_ =	swait.ge [sflag:s22], $0x4000  }
0x61: {  	[sflag:s22] =	ssyncset.done $0x0  }
0x62: {  	[sflag:s22] =	ssyncadd.s32 $0xFFFFC000  }
0x63: {  	_ =	swait.ge [sflag:s25], $0x4000  }
0x64: {  	[sflag:s25] =	ssyncset.done $0x0  }
0x65: {  	[sflag:s25] =	ssyncadd.s32 $0xFFFFC000  }
0x66: {  	[tilespmem:s23], [sflag:$0x3] =	stream.linear.gather [hbm4b:s21+s4], $0x80, $0x38;
	[tilespmem:$0x1E380] =	vst v63  }
0x67: {  	_ =	swait.ge [sflag:s29], $0x80  }
0x68: {  	[sflag:s29] =	ssyncset.done $0x0  }
0x69: {  	[sflag:s29] =	ssyncadd.s32 $0xFFFFFF80  }
0x6a: {  	[tilespmem:s24], [sflag:$0x1] =	stream.indirect.gather [hbm4b:s2+s23], $0x80, s4, s23, $0xb8;
	[tilespmem:$0x1E380] =	vst v63  }
0x6b: {  	s31 =	simm.s32 $0x180  }
0x6c: {  	[spmem:s3] =	stream.indirect.scatter.add.f32 [tilespmem:s28], [sflag:$0x4], $0x80, s31, s23, $0xb8;
	[tilespmem:$0x1E380] =	vst v63  }
0x6d: {  	_ =	swait.ge [sflag:s22], $0x4000  }
0x6e: {  	s1 =	simm.s32 $0x400;
	s20 =	smov.u32 s21;
	[sflag:s22] =	ssyncset.done $0x0  }
.LBB2_4:
0x6f: {  	p1 =	sne.s32 s1, $0x9800;
	[sflag:s22] =	ssyncadd.s32 $0xFFFFC000;
	s20 =	sadd.s32 $0x20, s20  }
0x70: {  	s30 =	smov.u32 s1;
	s1 =	sadd.s32 $0x400, s1  }
0x71: {  	_ =	swait.ge [sflag:s25], $0x4000  }
0x72: {  	[sflag:s25] =	ssyncset.done $0x0  }
0x73: {  	s31 =	sadd.s32 $0xFFFFFFF0, s20;
	[sflag:s25] =	ssyncadd.s32 $0xFFFFC000  }
0x74: {  	[tilespmem:s4], [sflag:$0x2] =	stream.linear.gather [hbm4b:s31+s4], $0x80, $0x38;
	[tilespmem:$0x1E380] =	vst v63  }
0x75: {  	_ =	swait.ge [sflag:s26], $0x80  }
0x76: {  	[sflag:s26] =	ssyncset.done $0x0  }
0x77: {  	s30 =	sshra.s32 s30, $0x2;
	[sflag:s26] =	ssyncadd.s32 $0xFFFFFF80  }
0x78: {  	[tilespmem:s28], [sflag:$0x1] =	stream.indirect.gather [hbm4b:s2+s23], $0x80, s23, s23, $0xb8;
	[tilespmem:$0x1E380] =	vst v63  }
0x79: {  	s31 =	sadd.s32 $0x100, s30  }
0x7a: {  	[spmem:s3] =	stream.indirect.scatter.add.f32 [tilespmem:s24], [sflag:$0x4], $0x80, s31, s23, $0xb8;
	[tilespmem:$0x1E380] =	vst v63  }
0x7b: {  	_ =	swait.ge [sflag:s22], $0x4000  }
0x7c: {  	[sflag:s22] =	ssyncset.done $0x0  }
0x7d: {  	[sflag:s22] =	ssyncadd.s32 $0xFFFFC000  }
0x7e: {  	_ =	swait.ge [sflag:s25], $0x4000  }
0x7f: {  	[sflag:s25] =	ssyncset.done $0x0  }
0x80: {  	[sflag:s25] =	ssyncadd.s32 $0xFFFFC000  }
0x81: {  	[tilespmem:s23], [sflag:$0x3] =	stream.linear.gather [hbm4b:s20+s4], $0x80, $0x38;
	[tilespmem:$0x1E380] =	vst v63  }
0x82: {  	_ =	swait.ge [sflag:s29], $0x80  }
0x83: {  	[sflag:s29] =	ssyncset.done $0x0  }
0x84: {  	[sflag:s29] =	ssyncadd.s32 $0xFFFFFF80  }
0x85: {  	[tilespmem:s24], [sflag:$0x1] =	stream.indirect.gather [hbm4b:s2+s23], $0x80, s4, s23, $0xb8;
	[tilespmem:$0x1E380] =	vst v63  }
.Ltmp1:
0x86: {  	_ = 	snop;
	(pc) =	sbr.rel @p1 .LBB2_4-.Ltmp1, $4  }
0x87: {  	s30 =	sadd.s32 $0x180, s30  }
0x88: {  	[spmem:s3] =	stream.indirect.scatter.add.f32 [tilespmem:s28], [sflag:$0x4], $0x80, s30, s23, $0xb8;
	[tilespmem:$0x1E380] =	vst v63  }
0x89: {  	_ =	swait.ge [sflag:s22], $0x4000  }
0x8a: {  	[sflag:s22] =	ssyncset.done $0x0  }
0x8b: {  	[sflag:s22] =	ssyncadd.s32 $0xFFFFC000  }
0x8c: {  	_ =	swait.ge [sflag:s25], $0x4000  }
0x8d: {  	[sflag:s25] =	ssyncset.done $0x0  }
0x8e: {  	[sflag:s25] =	ssyncadd.s32 $0xFFFFC000  }
0x8f: {  	_ =	swait.ge [sflag:s26], $0x80  }
0x90: {  	[sflag:s26] =	ssyncset.done $0x0  }
0x91: {  	[sflag:s26] =	ssyncadd.s32 $0xFFFFFF80  }
0x92: {  	[tilespmem:s28], [sflag:$0x1] =	stream.indirect.gather [hbm4b:s2+s23], $0x80, s23, s23, $0xb8;
	[tilespmem:$0x1E380] =	vst v63  }
0x93: {  	s1 =	simm.s32 $0x2800  }
0x94: {  	[spmem:s3] =	stream.indirect.scatter.add.f32 [tilespmem:s24], [sflag:$0x4], $0x80, s1, s23, $0xb8;
	[tilespmem:$0x1E380] =	vst v63  }
0x95: {  	_ =	swait.ge [sflag:s22], $0x4000  }
0x96: {  	[sflag:s22] =	ssyncset.done $0x0  }
0x97: {  	[sflag:s22] =	ssyncadd.s32 $0xFFFFC000  }
0x98: {  	_ =	swait.ge [sflag:s25], $0x4000  }
0x99: {  	[sflag:s25] =	ssyncset.done $0x0  }
0x9a: {  	s31 =	simm.s32 $0x2880;
	[sflag:s25] =	ssyncadd.s32 $0xFFFFC000  }
0x9b: {  	[spmem:s3] =	stream.indirect.scatter.add.f32 [tilespmem:s28], [sflag:$0x4], $0x80, s31, s23, $0xb8;
	[tilespmem:$0x1E380] =	vst v63  }
0x9c: {  	_ =	swait.ge [sflag:s22], $0x4000  }
0x9d: {  	[sflag:s22] =	ssyncset.done $0x0  }
0x9e: {  	[sflag:s22] =	ssyncadd.s32 $0xFFFFC000  }
0x9f: {  	s20 =	simm.s32 @p0 $0x1FC4;
	s1 =	sshrl.u32 @p0 s10, $0x3;
	[bflag:$0x0] =	sbarrier.arrive $0xFFFF  }
0xa0: {  	[hbm:s18], [sflag:s20] =	dma.local @p0 [spmem:s1], $0x1900  }
0xa1: {  	s1 =	simm.s32 @p0 $0x4  }
0xa2: {  	s0 =	sadd.s32 $0x1, s0;
	s20 =	stileid.u32;
	_ =	swait.ge @p0 [sflag:s1], $0x1900  }
0xa3: {  	p1 =	sne.s32 s0, s19;
	s20 =	sshll.u32 @!p0 s20, $0x6;
	[sflag:s1] =	ssyncset.done @p0 $0x0  }
0xa4: {  	[sflag:s1] =	ssyncadd.s32 @p0 $0xFFFFE700;
	s1 =	sor.u32 @!p0 $0x1C04, s20;
	s20 =	sshrl.u32 @!p0 s5, $0x3  }
0xa5: {  	[hbm:s17], [sflag:s1] =	dma.local @!p0 [spmem:s20], $0x2800  }
.Ltmp2:
0xa6: {  	_ = 	snop;
	(pc) =	sbr.rel @p1 .LBB2_1-.Ltmp2, $4  }
0xa7: {  	s1 =	simm.s32 @!p0 $0x4  }
0xa8: {  	_ =	swait.ge @!p0 [sflag:s1], $0x2800  }
0xa9: {  	[sflag:s1] =	ssyncset.done @!p0 $0x0  }
0xaa: {  	[sflag:s1] =	ssyncadd.s32 @!p0 $0xFFFFD800  }
0xab: {  	_ =	sfence.sel $0x180000  }
0xac: {  	[bflag:$0x0] =	sbarrier.arrive $0xFFFF  }
0xad: {  	_ =	strace $0x9000004A  }
0xae: {  	s0 =	stileid.u32;
	[bflag:$0x2] =	sbarrier.arrive $0xFFFF  }
0xaf: {  	p0 =	sne.s32 s0, $0x0;
	s0 =	rddreg [dreg:$0x3]  }
0xb0: {  	s0 =	sadd.s32 @!p0 $0x100000, s0  }
0xb1: {  	[sflag:s0] =	ssyncadd.tile.s32 @!p0 $0x1;
	_ =	shalt  }
.Lfunc_end2:
_tile_overlayer_lowered:
.L_overlay_start_2:
0xb2: {  	(tag) =	ssettag $0x2  }
0xb3: {  	s0 =	rddreg [dreg:$0x0];
	s2 =	stileid.u32  }
0xb4: {  	s1 =	rddreg [dreg:$0x1];
	p0 =	sne.s32 s2, $0x0  }
0xb5: {  	s3 =	rddreg [dreg:$0x2];
	[bflag:$0x3] =	sbarrier.arrive $0xFFFF;
	s2 =	simm.s32 @!p0 $0x1C04  }
0xb6: {  	[timem:s3], [sflag:s2] =	dma.local @!p0 [hbm:s0], s1  }
0xb7: {  	s0 =	simm.s32 @!p0 $0x4  }
0xb8: {  	_ =	swait.ge @!p0 [sflag:s0], s1  }
0xb9: {  	s1 =	ssub.s32 @!p0 $0x0, s1;
	[sflag:s0] =	ssyncset.done @!p0 $0x0  }
0xba: {  	[sflag:s0] =	ssyncadd.s32 @!p0 s1  }
0xbb: {  	[bflag:$0x3] =	sbarrier.arrive $0xFFFF  }
0xbc: {  	_ =	shalt  }

// kernel: kernel.15.cloned.1.call-start
scs
__scs_entry_jumppad:
0x0: {  	(pc) =	sbr.rel $0x88, $3  }
0x1: {  	(tag) =	ssettag $0x0;
	lr =	simm.s32 $0x1  }
0x2: {  	[smem:$0x3F9B] =	sst lr;
	_ =	strace $0xD0000000  }
0x3: {  	_ = 	snop  }
0x4: {  	_ = 	snop  }
0x5: {  	_ = 	snop  }
0x6: {  	_ = 	snop  }
0x7: {  	_ = 	snop  }
__scs_overlays_trampoline_lowered:
0x8: {  	[smem:$0x3FAA] =	sst s0  }
0x9: {  	[smem:$0x3FAB] =	sst s1  }
0xa: {  	[smem:$0x3FAC] =	sst s2  }
0xb: {  	[smem:$0x3FAD] =	sst s3  }
0xc: {  	[smem:$0x3FAE] =	sst s4  }
0xd: {  	[smem:$0x3FAF] =	sst s5  }
0xe: {  	[smem:$0x3FB0] =	sst s6  }
0xf: {  	[smem:$0x3FB1] =	sst s7  }
0x10: {  	[smem:$0x3FB2] =	sst s8  }
0x11: {  	[smem:$0x3FB3] =	sst s9;
	s0 =	simm.s32 @!p0 $0x0  }
0x12: {  	s1 =	sld [smem:$0x3F99];
	s0 =	simm.s32 @p0 $0x1  }
0x13: {  	[smem:$0x3FB4] =	sst s0;
	s0 =	simm.s32 @!p1 $0x0  }
0x14: {  	s2 =	sld [smem:$0x3F98];
	s0 =	simm.s32 @p1 $0x1  }
0x15: {  	[smem:$0x3FB5] =	sst s0;
	s0 =	simm.s32 @!p2 $0x0  }
0x16: {  	s3 =	sld [smem:$0x3FDB];
	s0 =	simm.s32 @p2 $0x1  }
0x17: {  	s4 =	simm.s32 $0x1BF5;
	[smem:$0x3FB7] =	sst s0  }
0x18: {  	s0 =	sld [smem:$0x3F9A];
	_ =	swait.ge [sflag:s4], $0x0  }
0x19: {  	s7 =	sld [smem:$0x3F9B]  }
0x1a: {  	s8 =	sadd.s32 $0xFFFFE003, lr  }
0x1b: {  	s9 =	sadd.s32 $0xFFFFFEF7, lr;
	s5 =	simm.s32 $0xFFFFFFFF;
	p2 =	slt.u32 s8, $0xFFFFF086  }
0x1c: {  	p1 =	slt.u32 s9, $0xF7A;
	s5 =	simm.s32 @!p2 $0x0  }
0x1d: {  	s5 =	simm.s32 @p1 $0x1;
	p0 =	seq.s32 s7, s2  }
0x1e: {  	s7 =	smul.u32 @!p0 $0xF7A, s2;
	p2 =	seq.s32 @!p0 s5, $0x0  }
0x1f: {  	s9 =	smul.u32 $0xF7A, s1;
	s8 =	simm.s32 @!p0 $0x1BF5;
	p2 =	por !p2, p0  }
0x20: {  	[sflag:s8] =	ssyncset.s32 @!p0 $0xFFFFF086;
	s6 =	sadd.s32 @!p0 s3, s7;
	s7 =	simm.s32 @!p0 $0x108  }
0x21: {  	s3 =	sadd.s32 s3, s9;
	s6 =	sadd.s32 @!p0 $0x88, s6;
	s7 =	simm.s32 @p2 $0x1082  }
0x22: {  	[simem:s7], [sflag:s8] =	dma.local @!p0 [hbm:s6], $0xF7A  }
0x23: {  	s9 =	sor.u32 $0xD0000000, s2;
	s6 =	simm.s32 $0x108;
	_ =	swait.ge @!p0 [sflag:s8], $0x0  }
0x24: {  	s3 =	sadd.s32 $0x88, s3;
	s6 =	simm.s32 @!p1 $0x1082;
	[sflag:s4] =	ssyncset.s32 $0xFFFFF086  }
0x25: {  	[simem:s6], [sflag:s4] =	dma.local [hbm:s3], $0xF7A  }
0x26: {  	[smem:$0x3F9B] =	sst s1;
	(tag) =	ssettag s2;
	_ =	strace s9  }
0x27: {  	s1 =	sld [smem:$0x3FAB]  }
0x28: {  	s2 =	sld [smem:$0x3FAC]  }
0x29: {  	s4 =	sld [smem:$0x3FAE]  }
0x2a: {  	p0 =	seq.s32 s5, $0x0;
	s5 =	sld [smem:$0x3FAF]  }
0x2b: {  	s6 =	sld [smem:$0x3FB0]  }
0x2c: {  	s7 =	sld [smem:$0x3FB1]  }
0x2d: {  	s3 =	simm.s32 $0x108;
	s8 =	sld [smem:$0x3FB2]  }
0x2e: {  	s3 =	simm.s32 @!p0 $0x1082;
	s9 =	sld [smem:$0x3FB3]  }
0x2f: {  	lr =	sadd.s32 s0, s3;
	s0 =	sld [smem:$0x3FAA]  }
0x30: {  	s3 =	sld [smem:$0x3FAD]  }
0x31: {  	[smem:$0x3FB6] =	sst s10  }
0x32: {  	s10 =	sld [smem:$0x3FB4];
	_ =	sdelay $0x3  }
0x33: {  	p0 =	seq.s32 s10, $0x1;
	s10 =	sld [smem:$0x3FB6];
	_ =	sdelay $0x3  }
0x34: {  	[smem:$0x3FB6] =	sst s10  }
0x35: {  	s10 =	sld [smem:$0x3FB5];
	_ =	sdelay $0x3  }
0x36: {  	p1 =	seq.s32 s10, $0x1;
	s10 =	sld [smem:$0x3FB6];
	_ =	sdelay $0x3  }
0x37: {  	[smem:$0x3FB6] =	sst s10  }
0x38: {  	s10 =	sld [smem:$0x3FB7]  }
0x39: {  	_ = 	snop;
	(pc) =	sbr.ind lr, $3  }
0x3a: {  	_ = 	snop  }
0x3b: {  	_ = 	snop  }
0x3c: {  	p2 =	seq.s32 s10, $0x1;
	s10 =	sld [smem:$0x3FB6]  }
0x3d: {  	_ =	shalt  }
0x3e: {  	_ =	shalt  }
0x3f: {  	_ =	shalt  }
0x40: {  	_ =	shalt  }
0x41: {  	_ =	shalt  }
0x42: {  	_ =	shalt  }
0x43: {  	_ =	shalt  }
0x44: {  	_ =	shalt  }
0x45: {  	_ =	shalt  }
0x46: {  	_ =	shalt  }
0x47: {  	_ =	shalt  }
0x48: {  	_ =	shalt  }
0x49: {  	_ =	shalt  }
0x4a: {  	_ =	shalt  }
0x4b: {  	_ =	shalt  }
0x4c: {  	_ =	shalt  }
0x4d: {  	_ =	shalt  }
0x4e: {  	_ =	shalt  }
0x4f: {  	_ =	shalt  }
0x50: {  	_ =	shalt  }
0x51: {  	_ =	shalt  }
0x52: {  	_ =	shalt  }
0x53: {  	_ =	shalt  }
0x54: {  	_ =	shalt  }
0x55: {  	_ =	shalt  }
0x56: {  	_ =	shalt  }
0x57: {  	_ =	shalt  }
0x58: {  	_ =	shalt  }
0x59: {  	_ =	shalt  }
0x5a: {  	_ =	shalt  }
0x5b: {  	_ =	shalt  }
0x5c: {  	_ =	shalt  }
0x5d: {  	_ =	shalt  }
0x5e: {  	_ =	shalt  }
0x5f: {  	_ =	shalt  }
0x60: {  	_ =	shalt  }
0x61: {  	_ =	shalt  }
0x62: {  	_ =	shalt  }
0x63: {  	_ =	shalt  }
0x64: {  	_ =	shalt  }
0x65: {  	_ =	shalt  }
0x66: {  	_ =	shalt  }
0x67: {  	_ =	shalt  }
0x68: {  	_ =	shalt  }
0x69: {  	_ =	shalt  }
0x6a: {  	_ =	shalt  }
0x6b: {  	_ =	shalt  }
0x6c: {  	_ =	shalt  }
0x6d: {  	_ =	shalt  }
0x6e: {  	_ =	shalt  }
0x6f: {  	_ =	shalt  }
0x70: {  	_ =	shalt  }
0x71: {  	_ =	shalt  }
0x72: {  	_ =	shalt  }
0x73: {  	_ =	shalt  }
0x74: {  	_ =	shalt  }
0x75: {  	_ =	shalt  }
0x76: {  	_ =	shalt  }
0x77: {  	_ =	shalt  }
0x78: {  	_ =	shalt  }
0x79: {  	_ =	shalt  }
0x7a: {  	_ =	shalt  }
0x7b: {  	_ =	shalt  }
0x7c: {  	_ =	shalt  }
0x7d: {  	_ =	shalt  }
0x7e: {  	_ =	shalt  }
0x7f: {  	_ =	shalt  }
0x80: {  	_ =	shalt  }
0x81: {  	_ =	shalt  }
0x82: {  	_ =	shalt  }
0x83: {  	_ =	shalt  }
0x84: {  	_ =	shalt  }
0x85: {  	_ =	shalt  }
0x86: {  	_ =	shalt  }
0x87: {  	_ =	shalt  }
.Lfunc_end0:
.L_simem_size_0:
called_computation.2_lowered:
.L_overlay_start_0:
0x88: {  	s2 =	sld [smem:$0x3FD9]  }
0x89: {  	s3 =	sld [smem:$0x3FFE];
	_ =	sdelay $0x1  }
0x8a: {  	s1 =	srdreg.scid  }
0x8b: {  	s0 =	sand.u32 $0x1, s1  }
0x8c: {  	s17 =	sshll.u32 s0, $0xA;
	s2 =	sadd.s32 s3, s2  }
0x8d: {  	s2 =	sadd.s32 s2, s17  }
0x8e: {  	[smem:$0x3FC2] =	sst s2  }
0x8f: {  	_ = 	snop  }
0x90: {  	s2 =	sld [smem:$0x3FD0];
	(tm) =	ssettm $0x1  }
0x91: {  	s18 =	sld [smem:$0x3FFB];
	_ =	sdelay $0x3  }
0x92: {  	_ =	strace s18  }
0x93: {  	s3 =	sld [smem:$0x3FFC];
	_ =	sdelay $0x3  }
0x94: {  	_ =	strace s3  }
0x95: {  	s3 =	sld [smem:$0x3FFD];
	_ =	sdelay $0x3  }
0x96: {  	_ =	strace s3  }
0x97: {  	_ =	strace $0x8FFFFFFF  }
0x98: {  	s19 =	sld [smem:$0x3FDB];
	_ =	sdelay $0x1  }
0x99: {  	s4 =	simm.s32 $_scs_section_size  }
0x9a: {  	s5 =	simm.s32 $_size__tile_overlayer_lowered;
	s6 =	simm.s32 $_tile_overlayer_lowered  }
0x9b: {  	s22 =	simm.s32 $0x1BFF;
	s21 =	sshll.u32 s6, $0x1;
	s3 =	sadd.s32 s4, s19  }
0x9c: {  	s7 =	simm.s32 $0x0;
	s20 =	sshll.u32 s5, $0x1;
	s5 =	sadd.s32 s21, s3  }
0x9d: {  	[timem:s7], [sflag:s22] =	dma.local [hbm:s5], s20  }
0x9e: {  	_ =	swait.ge [sflag:s22], s20  }
0x9f: {  	s4 =	ssub.s32 $0x0, s20;
	[sflag:s22] =	ssyncset.done $0x0  }
0xa0: {  	[sflag:s22] =	ssyncadd.s32 s4;
	_ =	sdelay $0x1  }
0xa1: {  	s23 =	simm.s32 $0x1B8B  }
0xa2: {  	_ =	swait.ge [sflag:s23], $0x1  }
0xa3: {  	[sflag:s23] =	ssyncset.done $0x0  }
0xa4: {  	s25 =	simm.s32 $0x1B8E;
	s24 =	sld [smem:$0x3FFE];
	[sflag:s23] =	ssyncadd.s32 $0xFFFFFFFF  }
0xa5: {  	s26 =	simm.s32 $execute0_lowered;
	[smem:$0x3FD2] =	sst s25  }
0xa6: {  	s5 =	sshll.u32 s26, $0x1;
	_ =	strace $0x8000004C;
	[dreg:$0x1] =	wrdreg $0xFFFFFFFF  }
0xa7: {  	s28 =	simm.s32 $_size_execute0_lowered;
	s3 =	sadd.s32 s3, s5;
	[dreg:$0x0] =	wrdreg $0x0  }
0xa8: {  	s5 =	sshll.u32 s28, $0x1;
	[dreg:$0x2] =	wrdreg s3  }
0xa9: {  	[dreg:$0x3] =	wrdreg s5  }
0xaa: {  	[dreg:$0x4] =	wrdreg $0xC0  }
0xab: {  	_ =	task [dreg:s7], $0x5FFFF  }
0xac: {  	[dreg:$0x1] =	wrdreg $0xFFFFFFFF  }
0xad: {  	[dreg:$0x0] =	wrdreg $0x60  }
0xae: {  	[dreg:$0x2] =	wrdreg s24  }
0xaf: {  	[dreg:$0x3] =	wrdreg s2  }
0xb0: {  	[dreg:$0x4] =	wrdreg $0xA9000  }
0xb1: {  	[dreg:$0x5] =	wrdreg $0x9  }
0xb2: {  	_ =	task.clear_ibuf [dreg:s7], $0x6FFFF;
	_ =	strace $0x9000004C  }
0xb3: {  	s29 =	simm.s32 $0x9;
	_ =	strace $0x8000004E  }
0xb4: {  	_ =	swait.ge [sflag:s29], $0x1  }
0xb5: {  	[sflag:s29] =	ssyncadd.s32 $0xFFFFFFFF  }
0xb6: {  	_ =	strace $0x9000004E  }
0xb7: {  	_ =	sfence  }
0xb8: {  	s30 =	sld [smem:$0x0];
	_ =	sdelay $0x2  }
0xb9: {  	s31 =	sshll.u32 s1, $0xD;
	s1 =	sshrl.u32 s1, $0x2  }
0xba: {  	s3 =	sand.u32 $0x4000, s31;
	s1 =	sadd.s32 s1, s30  }
0xbb: {  	s0 =	sor.u32 s3, s0;
	s1 =	sshll.u32 s1, $0x11  }
0xbc: {  	s0 =	sor.u32 s1, s0  }
0xbd: {  	s0 =	sadd.s32 $0x8F2B, s0  }
0xbe: {  	[sflag:s0] =	ssyncadd.remote.s32 $0x1  }
0xbf: {  	_ =	sfence.sel $0xFFFF  }
0xc0: {  	[dreg:$0x0] =	wrdreg $0xFFFFFFFF;
	(pc) =	sbr.abs _section_cstart, $3  }
0xc1: {  	[dreg:$0x1] =	wrdreg $0xFFFFFFFF  }
0xc2: {  	_ =	task.clear_ibuf [dreg:s7], $0x2FFFF;
	_ =	strace $0x9FFFFFFF  }
0xc3: {  	(tm) =	ssettm $0x7FFFFFFF  }
tec
execute0_lowered:
.L_overlay_start_1:
0x0: {  	(tag) =	ssettag $0x1  }
0x1: {  	s0 =	rddreg [dreg:$0x0]  }
0x2: {  	s2 =	rddreg [dreg:$0x1]  }
0x3: {  	s3 =	rddreg [dreg:$0x2];
	s1 =	srdreg.scid  }
0x4: {  	s23 =	stileid.u32;
	s4 =	simm.s32 $0x0;
	s24 =	simm.s32 $0x2900  }
0x5: {  	s28 =	simm.s32 $0x6900;
	s29 =	simm.s32 $0x2;
	s1 =	sand.u32 $0x1, s1  }
0x6: {  	s5 =	sshll.u32 s23, $0x1;
	[smem:$0x7FF] =	sst s4;
	s6 =	smul.u32 $0x50000, s23  }
0x7: {  	s17 =	sadd.s32 $0x2800, s0;
	s10 =	sadd.s32 $0x12C000, s3;
	s20 =	smul.u32 $0x2800, s23  }
0x8: {  	s11 =	sadd.s32 $0x130000, s3;
	s12 =	sadd.s32 $0x134000, s3;
	s22 =	smul.u32 $0xA00, s23  }
0x9: {  	s13 =	sadd.s32 $0x138000, s3;
	p0 =	seq.s32 s23, $0xF;
	s18 =	smul.u32 $0x27100, s1  }
0xa: {  	s23 =	simm.s32 $0x80;
	s5 =	sor.u32 s1, s5;
	s21 =	smul.u32 $0x138800, s1  }
0xb: {  	_ =	strace $0x8000004D;
	s7 =	ssub.s32 $0x2, s1;
	s1 =	smul.u32 $0x500, s1  }
0xc: {  	s14 =	smul.u32 $0x500, s5;
	s25 =	sshrl.u32 s6, $0x2;
	s26 =	sshrl.u32 s7, $0x1  }
0xd: {  	s31 =	sadd.s32 s22, s17;
	s22 =	simm.s32 $0x4;
	s5 =	sadd.s32 s25, s3  }
0xe: {  	s19 =	ssub.s32 s7, s26;
	s18 =	sadd.s32 s20, s18;
	s30 =	sshrl.u32 s21, $0x3  }
0xf: {  	s1 =	sadd.s32 s1, s31;
	s25 =	simm.s32 $0x1;
	s26 =	simm.s32 $0x3  }
0x10: {  	s15 =	sadd.s32 s14, s0;
	s0 =	sadd.s32 $0x16800, s0;
	s6 =	sadd.s32 $0x4000, s5  }
0x11: {  	s7 =	sadd.s32 $0x8000, s5;
	s8 =	sadd.s32 $0xC000, s5;
	s9 =	sadd.s32 $0x10000, s5  }
0x12: {  	s14 =	sadd.s32 s17, s14;
	s19 =	smax.u32 s19, $0x1;
	s21 =	sadd.s32 $0x30, s1  }
0x13: {  	s15 =	sadd.s32 $0xC800, s15;
	s17 =	sadd.s32 s0, s18;
	s0 =	sadd.s32 s0, s30  }
0x14: {  	v0 =	vimm.f32 $0.0e+00;
	s16 =	sadd.s32 $0x10, s14;
	s18 =	sadd.s32 $0x25800, s0;
	s0 =	simm.s32 $0x0  }
.LBB2_1:
0x15: {  	s1 =	simm.s32 $0x0;
	s20 =	simm.s32 $0x200  }
.LBB2_2:
0x16: {  	p1 =	sne.s32 s20, $0xFE00;
	[tilespmem:s1+$0x2970] =	vst v0  }
0x17: {  	[tilespmem:s1+$0x2900] =	vst v0  }
0x18: {  	[tilespmem:s1+$0x2910] =	vst v0  }
.Ltmp0:
0x19: {  	[tilespmem:s1+$0x2920] =	vst v0;
	(pc) =	sbr.rel @p1 .LBB2_2-.Ltmp0, $4  }
0x1a: {  	[tilespmem:s1+$0x2930] =	vst v0  }
0x1b: {  	[tilespmem:s1+$0x2940] =	vst v0  }
0x1c: {  	[tilespmem:s1+$0x2950] =	vst v0  }
0x1d: {  	[tilespmem:s1+$0x2960] =	vst v0;
	s1 =	sshra.s32 s20, $0x2;
	s20 =	sadd.s32 $0x200, s20  }
0x1e: {  	[tilespmem:s1+$0x2970] =	vst v0  }
0x1f: {  	[tilespmem:s1+$0x2900] =	vst v0  }
0x20: {  	[tilespmem:s1+$0x2910] =	vst v0  }
0x21: {  	[tilespmem:s1+$0x2920] =	vst v0  }
0x22: {  	[tilespmem:s1+$0x2930] =	vst v0  }
0x23: {  	[tilespmem:s1+$0x2940] =	vst v0  }
0x24: {  	[tilespmem:s1+$0x2950] =	vst v0  }
0x25: {  	[tilespmem:s1+$0x2960] =	vst v0;
	s1 =	simm.s32 @p0 $0x2900;
	s20 =	simm.s32 @p0 $0x4  }
0x26: {  	[spmem:s10] =	stream.linear.scatter @p0 [tilespmem:s1], [sflag:$0x4], $0x4000, $0x38;
	[tilespmem:$0x1E380] =	vst v63  }
0x27: {  	_ =	swait.ge @p0 [sflag:s20], $0x4000  }
0x28: {  	[sflag:s20] =	ssyncset.done @p0 $0x0  }
0x29: {  	[sflag:s20] =	ssyncadd.s32 @p0 $0xFFFFC000  }
0x2a: {  	[spmem:s11] =	stream.linear.scatter @p0 [tilespmem:s1], [sflag:$0x4], $0x4000, $0x38;
	[tilespmem:$0x1E380] =	vst v63  }
0x2b: {  	_ =	swait.ge @p0 [sflag:s20], $0x4000  }
0x2c: {  	[sflag:s20] =	ssyncset.done @p0 $0x0  }
0x2d: {  	[sflag:s20] =	ssyncadd.s32 @p0 $0xFFFFC000  }
0x2e: {  	[spmem:s12] =	stream.linear.scatter @p0 [tilespmem:s1], [sflag:$0x4], $0x4000, $0x38;
	[tilespmem:$0x1E380] =	vst v63  }
0x2f: {  	_ =	swait.ge @p0 [sflag:s20], $0x4000  }
0x30: {  	[sflag:s20] =	ssyncset.done @p0 $0x0  }
0x31: {  	[sflag:s20] =	ssyncadd.s32 @p0 $0xFFFFC000  }
0x32: {  	[spmem:s13] =	stream.linear.scatter @p0 [tilespmem:s1], [sflag:$0x4], $0x2800, $0x38;
	[tilespmem:$0x1E380] =	vst v63  }
0x33: {  	_ =	swait.ge @p0 [sflag:s20], $0x2800  }
0x34: {  	[sflag:s20] =	ssyncset.done @p0 $0x0  }
0x35: {  	s1 =	simm.s32 @!p0 $0x2900;
	[sflag:s20] =	ssyncadd.s32 @p0 $0xFFFFD800;
	s20 =	simm.s32 @!p0 $0x4  }
0x36: {  	[spmem:s5] =	stream.linear.scatter @!p0 [tilespmem:s1], [sflag:$0x4], $0x4000, $0x38;
	[tilespmem:$0x1E380] =	vst v63  }
0x37: {  	_ =	swait.ge @!p0 [sflag:s20], $0x4000  }
0x38: {  	[sflag:s20] =	ssyncset.done @!p0 $0x0  }
0x39: {  	[sflag:s20] =	ssyncadd.s32 @!p0 $0xFFFFC000  }
0x3a: {  	[spmem:s6] =	stream.linear.scatter @!p0 [tilespmem:s1], [sflag:$0x4], $0x4000, $0x38;
	[tilespmem:$0x1E380] =	vst v63  }
0x3b: {  	_ =	swait.ge @!p0 [sflag:s20], $0x4000  }
0x3c: {  	[sflag:s20] =	ssyncset.done @!p0 $0x0  }
0x3d: {  	[sflag:s20] =	ssyncadd.s32 @!p0 $0xFFFFC000  }
0x3e: {  	[spmem:s7] =	stream.linear.scatter @!p0 [tilespmem:s1], [sflag:$0x4], $0x4000, $0x38;
	[tilespmem:$0x1E380] =	vst v63  }
0x3f: {  	_ =	swait.ge @!p0 [sflag:s20], $0x4000  }
0x40: {  	[sflag:s20] =	ssyncset.done @!p0 $0x0  }
0x41: {  	[sflag:s20] =	ssyncadd.s32 @!p0 $0xFFFFC000  }
0x42: {  	[spmem:s8] =	stream.linear.scatter @!p0 [tilespmem:s1], [sflag:$0x4], $0x4000, $0x38;
	[tilespmem:$0x1E380] =	vst v63  }
0x43: {  	_ =	swait.ge @!p0 [sflag:s20], $0x4000  }
0x44: {  	[sflag:s20] =	ssyncset.done @!p0 $0x0  }
0x45: {  	[sflag:s20] =	ssyncadd.s32 @!p0 $0xFFFFC000  }
0x46: {  	[spmem:s9] =	stream.linear.scatter @!p0 [tilespmem:s1], [sflag:$0x4], $0x4000, $0x38;
	[tilespmem:$0x1E380] =	vst v63  }
0x47: {  	_ =	swait.ge @!p0 [sflag:s20], $0x4000  }
0x48: {  	[sflag:s20] =	ssyncset.done @!p0 $0x0  }
0x49: {  	[sflag:s20] =	ssyncadd.s32 @!p0 $0xFFFFC000  }
0x4a: {  	s30 =	simm.s32 $0x0;
	s31 =	simm.s32 $0x100;
	[bflag:$0x0] =	sbarrier.arrive $0xFFFF  }
0x4b: {  	[tilespmem:s31], [sflag:$0x4] =	stream.linear.gather [hbm4b:s15+s30], $0x2800, $0x38;
	[tilespmem:$0x1E380] =	vst v63  }
0x4c: {  	_ =	swait.ge [sflag:s22], $0x2800  }
0x4d: {  	[sflag:s22] =	ssyncset.done $0x0  }
0x4e: {  	[sflag:s22] =	ssyncadd.s32 $0xFFFFD800  }
0x4f: {  	[tilespmem:s30], [sflag:$0x4] =	stream.linear.gather [hbm4b:s14+s30], $0x80, $0x38;
	[tilespmem:$0x1E380] =	vst v63  }
0x50: {  	_ =	swait.ge [sflag:s22], $0x80  }
0x51: {  	[sflag:s22] =	ssyncset.done $0x0  }
0x52: {  	[sflag:s22] =	ssyncadd.s32 $0xFFFFFF80  }
0x53: {  	[tilespmem:s23], [sflag:$0x3] =	stream.linear.gather [hbm4b:s16+s30], $0x80, $0x38;
	[tilespmem:$0x1E380] =	vst v63  }
0x54: {  	_ = 	snop  }
0x55: {  	[tilespmem:s24], [sflag:$0x1] =	stream.indirect.gather [hbm4b:s2+s23], $0x80, s30, s23, $0xb8;
	[tilespmem:$0x1E380] =	vst v63  }
0x56: {  	_ =	swait.ge [sflag:s25], $0x4000  }
0x57: {  	[sflag:s25] =	ssyncset.done $0x0  }
0x58: {  	s20 =	sadd.s32 $0xFFFFFFF0, s21;
	[sflag:s25] =	ssyncadd.s32 $0xFFFFC000  }
0x59: {  	[tilespmem:s4], [sflag:$0x2] =	stream.linear.gather [hbm4b:s20+s4], $0x80, $0x38;
	[tilespmem:$0x1E380] =	vst v63  }
0x5a: {  	_ =	swait.ge [sflag:s26], $0x80  }
0x5b: {  	[sflag:s26] =	ssyncset.done $0x0  }
0x5c: {  	[sflag:s26] =	ssyncadd.s32 $0xFFFFFF80  }
0x5d: {  	[tilespmem:s28], [sflag:$0x1] =	stream.indirect.gather [hbm4b:s2+s23], $0x80, s23, s23, $0xb8;
	[tilespmem:$0x1E380] =	vst v63  }
0x5e: {  	s30 =	simm.s32 $0x100  }
0x5f: {  	[spmem:s3] =	stream.indirect.scatter.add.f32 [tilespmem:s24], [sflag:$0x4], $0x80, s30, s23, $0xb8;
	[tilespmem:$0x1E380] =	vst v63  }
0x60: {  	_ =	swait.ge [sflag:s22], $0x4000  }
0x61: {  	[sflag:s22] =	ssyncset.done $0x0  }
0x62: {  	[sflag:s22] =	ssyncadd.s32 $0xFFFFC000  }
0x63: {  	_ =	swait.ge [sflag:s25], $0x4000  }
0x64: {  	[sflag:s25] =	ssyncset.done $0x0  }
0x65: {  	[sflag:s25] =	ssyncadd.s32 $0xFFFFC000  }
0x66: {  	[tilespmem:s23], [sflag:$0x3] =	stream.linear.gather [hbm4b:s21+s4], $0x80, $0x38;
	[tilespmem:$0x1E380] =	vst v63  }
0x67: {  	_ =	swait.ge [sflag:s29], $0x80  }
0x68: {  	[sflag:s29] =	ssyncset.done $0x0  }
0x69: {  	[sflag:s29] =	ssyncadd.s32 $0xFFFFFF80  }
0x6a: {  	[tilespmem:s24], [sflag:$0x1] =	stream.indirect.gather [hbm4b:s2+s23], $0x80, s4, s23, $0xb8;
	[tilespmem:$0x1E380] =	vst v63  }
0x6b: {  	s31 =	simm.s32 $0x180  }
0x6c: {  	[spmem:s3] =	stream.indirect.scatter.add.f32 [tilespmem:s28], [sflag:$0x4], $0x80, s31, s23, $0xb8;
	[tilespmem:$0x1E380] =	vst v63  }
0x6d: {  	_ =	swait.ge [sflag:s22], $0x4000  }
0x6e: {  	s1 =	simm.s32 $0x400;
	s20 =	smov.u32 s21;
	[sflag:s22] =	ssyncset.done $0x0  }
.LBB2_4:
0x6f: {  	p1 =	sne.s32 s1, $0x9800;
	[sflag:s22] =	ssyncadd.s32 $0xFFFFC000;
	s20 =	sadd.s32 $0x20, s20  }
0x70: {  	s30 =	smov.u32 s1;
	s1 =	sadd.s32 $0x400, s1  }
0x71: {  	_ =	swait.ge [sflag:s25], $0x4000  }
0x72: {  	[sflag:s25] =	ssyncset.done $0x0  }
0x73: {  	s31 =	sadd.s32 $0xFFFFFFF0, s20;
	[sflag:s25] =	ssyncadd.s32 $0xFFFFC000  }
0x74: {  	[tilespmem:s4], [sflag:$0x2] =	stream.linear.gather [hbm4b:s31+s4], $0x80, $0x38;
	[tilespmem:$0x1E380] =	vst v63  }
0x75: {  	_ =	swait.ge [sflag:s26], $0x80  }
0x76: {  	[sflag:s26] =	ssyncset.done $0x0  }
0x77: {  	s30 =	sshra.s32 s30, $0x2;
	[sflag:s26] =	ssyncadd.s32 $0xFFFFFF80  }
0x78: {  	[tilespmem:s28], [sflag:$0x1] =	stream.indirect.gather [hbm4b:s2+s23], $0x80, s23, s23, $0xb8;
	[tilespmem:$0x1E380] =	vst v63  }
0x79: {  	s31 =	sadd.s32 $0x100, s30  }
0x7a: {  	[spmem:s3] =	stream.indirect.scatter.add.f32 [tilespmem:s24], [sflag:$0x4], $0x80, s31, s23, $0xb8;
	[tilespmem:$0x1E380] =	vst v63  }
0x7b: {  	_ =	swait.ge [sflag:s22], $0x4000  }
0x7c: {  	[sflag:s22] =	ssyncset.done $0x0  }
0x7d: {  	[sflag:s22] =	ssyncadd.s32 $0xFFFFC000  }
0x7e: {  	_ =	swait.ge [sflag:s25], $0x4000  }
0x7f: {  	[sflag:s25] =	ssyncset.done $0x0  }
0x80: {  	[sflag:s25] =	ssyncadd.s32 $0xFFFFC000  }
0x81: {  	[tilespmem:s23], [sflag:$0x3] =	stream.linear.gather [hbm4b:s20+s4], $0x80, $0x38;
	[tilespmem:$0x1E380] =	vst v63  }
0x82: {  	_ =	swait.ge [sflag:s29], $0x80  }
0x83: {  	[sflag:s29] =	ssyncset.done $0x0  }
0x84: {  	[sflag:s29] =	ssyncadd.s32 $0xFFFFFF80  }
0x85: {  	[tilespmem:s24], [sflag:$0x1] =	stream.indirect.gather [hbm4b:s2+s23], $0x80, s4, s23, $0xb8;
	[tilespmem:$0x1E380] =	vst v63  }
.Ltmp1:
0x86: {  	_ = 	snop;
	(pc) =	sbr.rel @p1 .LBB2_4-.Ltmp1, $4  }
0x87: {  	s30 =	sadd.s32 $0x180, s30  }
0x88: {  	[spmem:s3] =	stream.indirect.scatter.add.f32 [tilespmem:s28], [sflag:$0x4], $0x80, s30, s23, $0xb8;
	[tilespmem:$0x1E380] =	vst v63  }
0x89: {  	_ =	swait.ge [sflag:s22], $0x4000  }
0x8a: {  	[sflag:s22] =	ssyncset.done $0x0  }
0x8b: {  	[sflag:s22] =	ssyncadd.s32 $0xFFFFC000  }
0x8c: {  	_ =	swait.ge [sflag:s25], $0x4000  }
0x8d: {  	[sflag:s25] =	ssyncset.done $0x0  }
0x8e: {  	[sflag:s25] =	ssyncadd.s32 $0xFFFFC000  }
0x8f: {  	_ =	swait.ge [sflag:s26], $0x80  }
0x90: {  	[sflag:s26] =	ssyncset.done $0x0  }
0x91: {  	[sflag:s26] =	ssyncadd.s32 $0xFFFFFF80  }
0x92: {  	[tilespmem:s28], [sflag:$0x1] =	stream.indirect.gather [hbm4b:s2+s23], $0x80, s23, s23, $0xb8;
	[tilespmem:$0x1E380] =	vst v63  }
0x93: {  	s1 =	simm.s32 $0x2800  }
0x94: {  	[spmem:s3] =	stream.indirect.scatter.add.f32 [tilespmem:s24], [sflag:$0x4], $0x80, s1, s23, $0xb8;
	[tilespmem:$0x1E380] =	vst v63  }
0x95: {  	_ =	swait.ge [sflag:s22], $0x4000  }
0x96: {  	[sflag:s22] =	ssyncset.done $0x0  }
0x97: {  	[sflag:s22] =	ssyncadd.s32 $0xFFFFC000  }
0x98: {  	_ =	swait.ge [sflag:s25], $0x4000  }
0x99: {  	[sflag:s25] =	ssyncset.done $0x0  }
0x9a: {  	s31 =	simm.s32 $0x2880;
	[sflag:s25] =	ssyncadd.s32 $0xFFFFC000  }
0x9b: {  	[spmem:s3] =	stream.indirect.scatter.add.f32 [tilespmem:s28], [sflag:$0x4], $0x80, s31, s23, $0xb8;
	[tilespmem:$0x1E380] =	vst v63  }
0x9c: {  	_ =	swait.ge [sflag:s22], $0x4000  }
0x9d: {  	[sflag:s22] =	ssyncset.done $0x0  }
0x9e: {  	[sflag:s22] =	ssyncadd.s32 $0xFFFFC000  }
0x9f: {  	s20 =	simm.s32 @p0 $0x1FC4;
	s1 =	sshrl.u32 @p0 s10, $0x3;
	[bflag:$0x0] =	sbarrier.arrive $0xFFFF  }
0xa0: {  	[hbm:s18], [sflag:s20] =	dma.local @p0 [spmem:s1], $0x1900  }
0xa1: {  	s1 =	simm.s32 @p0 $0x4  }
0xa2: {  	s0 =	sadd.s32 $0x1, s0;
	s20 =	stileid.u32;
	_ =	swait.ge @p0 [sflag:s1], $0x1900  }
0xa3: {  	p1 =	sne.s32 s0, s19;
	s20 =	sshll.u32 @!p0 s20, $0x6;
	[sflag:s1] =	ssyncset.done @p0 $0x0  }
0xa4: {  	[sflag:s1] =	ssyncadd.s32 @p0 $0xFFFFE700;
	s1 =	sor.u32 @!p0 $0x1C04, s20;
	s20 =	sshrl.u32 @!p0 s5, $0x3  }
0xa5: {  	[hbm:s17], [sflag:s1] =	dma.local @!p0 [spmem:s20], $0x2800  }
.Ltmp2:
0xa6: {  	_ = 	snop;
	(pc) =	sbr.rel @p1 .LBB2_1-.Ltmp2, $4  }
0xa7: {  	s1 =	simm.s32 @!p0 $0x4  }
0xa8: {  	_ =	swait.ge @!p0 [sflag:s1], $0x2800  }
0xa9: {  	[sflag:s1] =	ssyncset.done @!p0 $0x0  }
0xaa: {  	[sflag:s1] =	ssyncadd.s32 @!p0 $0xFFFFD800  }
0xab: {  	_ =	sfence.sel $0x180000  }
0xac: {  	[bflag:$0x0] =	sbarrier.arrive $0xFFFF  }
0xad: {  	_ =	strace $0x9000004D  }
0xae: {  	s0 =	stileid.u32;
	[bflag:$0x2] =	sbarrier.arrive $0xFFFF  }
0xaf: {  	p0 =	sne.s32 s0, $0x0;
	s0 =	rddreg [dreg:$0x3]  }
0xb0: {  	s0 =	sadd.s32 @!p0 $0x100000, s0  }
0xb1: {  	[sflag:s0] =	ssyncadd.tile.s32 @!p0 $0x1;
	_ =	shalt  }
.Lfunc_end2:
_tile_overlayer_lowered:
.L_overlay_start_2:
0xb2: {  	(tag) =	ssettag $0x2  }
0xb3: {  	s0 =	rddreg [dreg:$0x0];
	s2 =	stileid.u32  }
0xb4: {  	s1 =	rddreg [dreg:$0x1];
	p0 =	sne.s32 s2, $0x0  }
0xb5: {  	s3 =	rddreg [dreg:$0x2];
	[bflag:$0x3] =	sbarrier.arrive $0xFFFF;
	s2 =	simm.s32 @!p0 $0x1C04  }
0xb6: {  	[timem:s3], [sflag:s2] =	dma.local @!p0 [hbm:s0], s1  }
0xb7: {  	s0 =	simm.s32 @!p0 $0x4  }
0xb8: {  	_ =	swait.ge @!p0 [sflag:s0], s1  }
0xb9: {  	s1 =	ssub.s32 @!p0 $0x0, s1;
	[sflag:s0] =	ssyncset.done @!p0 $0x0  }
0xba: {  	[sflag:s0] =	ssyncadd.s32 @!p0 s1  }
0xbb: {  	[bflag:$0x3] =	sbarrier.arrive $0xFFFF  }
0xbc: {  	_ =	shalt  }

// kernel: kernel.9.cloned.1.call-start
scs
__scs_entry_jumppad:
0x0: {  	(pc) =	sbr.rel $0x88, $3  }
0x1: {  	(tag) =	ssettag $0x0;
	lr =	simm.s32 $0x1  }
0x2: {  	[smem:$0x3F9B] =	sst lr;
	_ =	strace $0xD0000000  }
0x3: {  	_ = 	snop  }
0x4: {  	_ = 	snop  }
0x5: {  	_ = 	snop  }
0x6: {  	_ = 	snop  }
0x7: {  	_ = 	snop  }
__scs_overlays_trampoline_lowered:
0x8: {  	[smem:$0x3FAA] =	sst s0  }
0x9: {  	[smem:$0x3FAB] =	sst s1  }
0xa: {  	[smem:$0x3FAC] =	sst s2  }
0xb: {  	[smem:$0x3FAD] =	sst s3  }
0xc: {  	[smem:$0x3FAE] =	sst s4  }
0xd: {  	[smem:$0x3FAF] =	sst s5  }
0xe: {  	[smem:$0x3FB0] =	sst s6  }
0xf: {  	[smem:$0x3FB1] =	sst s7  }
0x10: {  	[smem:$0x3FB2] =	sst s8  }
0x11: {  	[smem:$0x3FB3] =	sst s9;
	s0 =	simm.s32 @!p0 $0x0  }
0x12: {  	s1 =	sld [smem:$0x3F99];
	s0 =	simm.s32 @p0 $0x1  }
0x13: {  	[smem:$0x3FB4] =	sst s0;
	s0 =	simm.s32 @!p1 $0x0  }
0x14: {  	s2 =	sld [smem:$0x3F98];
	s0 =	simm.s32 @p1 $0x1  }
0x15: {  	[smem:$0x3FB5] =	sst s0;
	s0 =	simm.s32 @!p2 $0x0  }
0x16: {  	s3 =	sld [smem:$0x3FDB];
	s0 =	simm.s32 @p2 $0x1  }
0x17: {  	s4 =	simm.s32 $0x1BF5;
	[smem:$0x3FB7] =	sst s0  }
0x18: {  	s0 =	sld [smem:$0x3F9A];
	_ =	swait.ge [sflag:s4], $0x0  }
0x19: {  	s7 =	sld [smem:$0x3F9B]  }
0x1a: {  	s8 =	sadd.s32 $0xFFFFE003, lr  }
0x1b: {  	s9 =	sadd.s32 $0xFFFFFEF7, lr;
	s5 =	simm.s32 $0xFFFFFFFF;
	p2 =	slt.u32 s8, $0xFFFFF086  }
0x1c: {  	p1 =	slt.u32 s9, $0xF7A;
	s5 =	simm.s32 @!p2 $0x0  }
0x1d: {  	s5 =	simm.s32 @p1 $0x1;
	p0 =	seq.s32 s7, s2  }
0x1e: {  	s7 =	smul.u32 @!p0 $0xF7A, s2;
	p2 =	seq.s32 @!p0 s5, $0x0  }
0x1f: {  	s9 =	smul.u32 $0xF7A, s1;
	s8 =	simm.s32 @!p0 $0x1BF5;
	p2 =	por !p2, p0  }
0x20: {  	[sflag:s8] =	ssyncset.s32 @!p0 $0xFFFFF086;
	s6 =	sadd.s32 @!p0 s3, s7;
	s7 =	simm.s32 @!p0 $0x108  }
0x21: {  	s3 =	sadd.s32 s3, s9;
	s6 =	sadd.s32 @!p0 $0x88, s6;
	s7 =	simm.s32 @p2 $0x1082  }
0x22: {  	[simem:s7], [sflag:s8] =	dma.local @!p0 [hbm:s6], $0xF7A  }
0x23: {  	s9 =	sor.u32 $0xD0000000, s2;
	s6 =	simm.s32 $0x108;
	_ =	swait.ge @!p0 [sflag:s8], $0x0  }
0x24: {  	s3 =	sadd.s32 $0x88, s3;
	s6 =	simm.s32 @!p1 $0x1082;
	[sflag:s4] =	ssyncset.s32 $0xFFFFF086  }
0x25: {  	[simem:s6], [sflag:s4] =	dma.local [hbm:s3], $0xF7A  }
0x26: {  	[smem:$0x3F9B] =	sst s1;
	(tag) =	ssettag s2;
	_ =	strace s9  }
0x27: {  	s1 =	sld [smem:$0x3FAB]  }
0x28: {  	s2 =	sld [smem:$0x3FAC]  }
0x29: {  	s4 =	sld [smem:$0x3FAE]  }
0x2a: {  	p0 =	seq.s32 s5, $0x0;
	s5 =	sld [smem:$0x3FAF]  }
0x2b: {  	s6 =	sld [smem:$0x3FB0]  }
0x2c: {  	s7 =	sld [smem:$0x3FB1]  }
0x2d: {  	s3 =	simm.s32 $0x108;
	s8 =	sld [smem:$0x3FB2]  }
0x2e: {  	s3 =	simm.s32 @!p0 $0x1082;
	s9 =	sld [smem:$0x3FB3]  }
0x2f: {  	lr =	sadd.s32 s0, s3;
	s0 =	sld [smem:$0x3FAA]  }
0x30: {  	s3 =	sld [smem:$0x3FAD]  }
0x31: {  	[smem:$0x3FB6] =	sst s10  }
0x32: {  	s10 =	sld [smem:$0x3FB4];
	_ =	sdelay $0x3  }
0x33: {  	p0 =	seq.s32 s10, $0x1;
	s10 =	sld [smem:$0x3FB6];
	_ =	sdelay $0x3  }
0x34: {  	[smem:$0x3FB6] =	sst s10  }
0x35: {  	s10 =	sld [smem:$0x3FB5];
	_ =	sdelay $0x3  }
0x36: {  	p1 =	seq.s32 s10, $0x1;
	s10 =	sld [smem:$0x3FB6];
	_ =	sdelay $0x3  }
0x37: {  	[smem:$0x3FB6] =	sst s10  }
0x38: {  	s10 =	sld [smem:$0x3FB7]  }
0x39: {  	_ = 	snop;
	(pc) =	sbr.ind lr, $3  }
0x3a: {  	_ = 	snop  }
0x3b: {  	_ = 	snop  }
0x3c: {  	p2 =	seq.s32 s10, $0x1;
	s10 =	sld [smem:$0x3FB6]  }
0x3d: {  	_ =	shalt  }
0x3e: {  	_ =	shalt  }
0x3f: {  	_ =	shalt  }
0x40: {  	_ =	shalt  }
0x41: {  	_ =	shalt  }
0x42: {  	_ =	shalt  }
0x43: {  	_ =	shalt  }
0x44: {  	_ =	shalt  }
0x45: {  	_ =	shalt  }
0x46: {  	_ =	shalt  }
0x47: {  	_ =	shalt  }
0x48: {  	_ =	shalt  }
0x49: {  	_ =	shalt  }
0x4a: {  	_ =	shalt  }
0x4b: {  	_ =	shalt  }
0x4c: {  	_ =	shalt  }
0x4d: {  	_ =	shalt  }
0x4e: {  	_ =	shalt  }
0x4f: {  	_ =	shalt  }
0x50: {  	_ =	shalt  }
0x51: {  	_ =	shalt  }
0x52: {  	_ =	shalt  }
0x53: {  	_ =	shalt  }
0x54: {  	_ =	shalt  }
0x55: {  	_ =	shalt  }
0x56: {  	_ =	shalt  }
0x57: {  	_ =	shalt  }
0x58: {  	_ =	shalt  }
0x59: {  	_ =	shalt  }
0x5a: {  	_ =	shalt  }
0x5b: {  	_ =	shalt  }
0x5c: {  	_ =	shalt  }
0x5d: {  	_ =	shalt  }
0x5e: {  	_ =	shalt  }
0x5f: {  	_ =	shalt  }
0x60: {  	_ =	shalt  }
0x61: {  	_ =	shalt  }
0x62: {  	_ =	shalt  }
0x63: {  	_ =	shalt  }
0x64: {  	_ =	shalt  }
0x65: {  	_ =	shalt  }
0x66: {  	_ =	shalt  }
0x67: {  	_ =	shalt  }
0x68: {  	_ =	shalt  }
0x69: {  	_ =	shalt  }
0x6a: {  	_ =	shalt  }
0x6b: {  	_ =	shalt  }
0x6c: {  	_ =	shalt  }
0x6d: {  	_ =	shalt  }
0x6e: {  	_ =	shalt  }
0x6f: {  	_ =	shalt  }
0x70: {  	_ =	shalt  }
0x71: {  	_ =	shalt  }
0x72: {  	_ =	shalt  }
0x73: {  	_ =	shalt  }
0x74: {  	_ =	shalt  }
0x75: {  	_ =	shalt  }
0x76: {  	_ =	shalt  }
0x77: {  	_ =	shalt  }
0x78: {  	_ =	shalt  }
0x79: {  	_ =	shalt  }
0x7a: {  	_ =	shalt  }
0x7b: {  	_ =	shalt  }
0x7c: {  	_ =	shalt  }
0x7d: {  	_ =	shalt  }
0x7e: {  	_ =	shalt  }
0x7f: {  	_ =	shalt  }
0x80: {  	_ =	shalt  }
0x81: {  	_ =	shalt  }
0x82: {  	_ =	shalt  }
0x83: {  	_ =	shalt  }
0x84: {  	_ =	shalt  }
0x85: {  	_ =	shalt  }
0x86: {  	_ =	shalt  }
0x87: {  	_ =	shalt  }
.Lfunc_end0:
.L_simem_size_0:
called_computation_lowered:
.L_overlay_start_0:
0x88: {  	s2 =	sld [smem:$0x3FD9]  }
0x89: {  	s3 =	sld [smem:$0x3FFE];
	_ =	sdelay $0x1  }
0x8a: {  	s1 =	srdreg.scid  }
0x8b: {  	s0 =	sand.u32 $0x1, s1  }
0x8c: {  	s17 =	sshll.u32 s0, $0xA;
	s2 =	sadd.s32 s3, s2  }
0x8d: {  	s2 =	sadd.s32 s2, s17  }
0x8e: {  	[smem:$0x3FC2] =	sst s2  }
0x8f: {  	_ = 	snop  }
0x90: {  	s2 =	sld [smem:$0x3FD0];
	(tm) =	ssettm $0x1  }
0x91: {  	s18 =	sld [smem:$0x3FFB];
	_ =	sdelay $0x3  }
0x92: {  	_ =	strace s18  }
0x93: {  	s3 =	sld [smem:$0x3FFC];
	_ =	sdelay $0x3  }
0x94: {  	_ =	strace s3  }
0x95: {  	s3 =	sld [smem:$0x3FFD];
	_ =	sdelay $0x3  }
0x96: {  	_ =	strace s3  }
0x97: {  	_ =	strace $0x8FFFFFFF  }
0x98: {  	s19 =	sld [smem:$0x3FDB];
	_ =	sdelay $0x1  }
0x99: {  	s4 =	simm.s32 $_scs_section_size  }
0x9a: {  	s5 =	simm.s32 $_size__tile_overlayer_lowered;
	s6 =	simm.s32 $_tile_overlayer_lowered  }
0x9b: {  	s22 =	simm.s32 $0x1BFF;
	s21 =	sshll.u32 s6, $0x1;
	s3 =	sadd.s32 s4, s19  }
0x9c: {  	s7 =	simm.s32 $0x0;
	s20 =	sshll.u32 s5, $0x1;
	s5 =	sadd.s32 s21, s3  }
0x9d: {  	[timem:s7], [sflag:s22] =	dma.local [hbm:s5], s20  }
0x9e: {  	_ =	swait.ge [sflag:s22], s20  }
0x9f: {  	s4 =	ssub.s32 $0x0, s20;
	[sflag:s22] =	ssyncset.done $0x0  }
0xa0: {  	[sflag:s22] =	ssyncadd.s32 s4;
	_ =	sdelay $0x1  }
0xa1: {  	s23 =	simm.s32 $0x1B8B  }
0xa2: {  	_ =	swait.ge [sflag:s23], $0x1  }
0xa3: {  	[sflag:s23] =	ssyncset.done $0x0  }
0xa4: {  	s25 =	simm.s32 $0x1B8E;
	s24 =	sld [smem:$0x3FFE];
	[sflag:s23] =	ssyncadd.s32 $0xFFFFFFFF  }
0xa5: {  	s26 =	simm.s32 $execute0_lowered;
	[smem:$0x3FD2] =	sst s25  }
0xa6: {  	s5 =	sshll.u32 s26, $0x1;
	_ =	strace $0x80000046;
	[dreg:$0x1] =	wrdreg $0xFFFFFFFF  }
0xa7: {  	s28 =	simm.s32 $_size_execute0_lowered;
	s3 =	sadd.s32 s3, s5;
	[dreg:$0x0] =	wrdreg $0x0  }
0xa8: {  	s5 =	sshll.u32 s28, $0x1;
	[dreg:$0x2] =	wrdreg s3  }
0xa9: {  	[dreg:$0x3] =	wrdreg s5  }
0xaa: {  	[dreg:$0x4] =	wrdreg $0xC0  }
0xab: {  	_ =	task [dreg:s7], $0x5FFFF  }
0xac: {  	[dreg:$0x1] =	wrdreg $0xFFFFFFFF  }
0xad: {  	[dreg:$0x0] =	wrdreg $0x60  }
0xae: {  	[dreg:$0x2] =	wrdreg s24  }
0xaf: {  	[dreg:$0x3] =	wrdreg s2  }
0xb0: {  	[dreg:$0x4] =	wrdreg $0x50000  }
0xb1: {  	[dreg:$0x5] =	wrdreg $0x9  }
0xb2: {  	_ =	task.clear_ibuf [dreg:s7], $0x6FFFF;
	_ =	strace $0x90000046  }
0xb3: {  	s29 =	simm.s32 $0x9;
	_ =	strace $0x80000048  }
0xb4: {  	_ =	swait.ge [sflag:s29], $0x1  }
0xb5: {  	[sflag:s29] =	ssyncadd.s32 $0xFFFFFFFF  }
0xb6: {  	_ =	strace $0x90000048  }
0xb7: {  	_ =	sfence  }
0xb8: {  	s30 =	sld [smem:$0x0];
	_ =	sdelay $0x2  }
0xb9: {  	s31 =	sshll.u32 s1, $0xD;
	s1 =	sshrl.u32 s1, $0x2  }
0xba: {  	s3 =	sand.u32 $0x4000, s31;
	s1 =	sadd.s32 s1, s30  }
0xbb: {  	s0 =	sor.u32 s3, s0;
	s1 =	sshll.u32 s1, $0x11  }
0xbc: {  	s0 =	sor.u32 s1, s0  }
0xbd: {  	s0 =	sadd.s32 $0x8F2B, s0  }
0xbe: {  	[sflag:s0] =	ssyncadd.remote.s32 $0x1  }
0xbf: {  	_ =	sfence.sel $0xFFFF  }
0xc0: {  	[dreg:$0x0] =	wrdreg $0xFFFFFFFF;
	(pc) =	sbr.abs _section_cstart, $3  }
0xc1: {  	[dreg:$0x1] =	wrdreg $0xFFFFFFFF  }
0xc2: {  	_ =	task.clear_ibuf [dreg:s7], $0x2FFFF;
	_ =	strace $0x9FFFFFFF  }
0xc3: {  	(tm) =	ssettm $0x7FFFFFFF  }
tec
execute0_lowered:
.L_overlay_start_1:
0x0: {  	(tag) =	ssettag $0x1  }
0x1: {  	s3 =	rddreg [dreg:$0x0];
	s0 =	srdreg.scid  }
0x2: {  	s7 =	stileid.u32;
	s4 =	rddreg [dreg:$0x1]  }
0x3: {  	s1 =	rddreg [dreg:$0x2];
	s5 =	sand.u32 $0x1, s0;
	s30 =	sshll.u32 s7, $0x1  }
0x4: {  	s6 =	sor.u32 s5, s30;
	s31 =	ssub.s32 $0x2, s5;
	s5 =	smul.u32 $0x4E2, s5  }
0x5: {  	s2 =	simm.s32 $0x0;
	s10 =	simm.s32 $0x2800;
	s8 =	smul.u32 $0x500, s6  }
0x6: {  	s11 =	simm.s32 $0x0;
	[smem:$0x7FF] =	sst s2;
	s6 =	smul.u32 $0xFFFFFFB0, s6  }
0x7: {  	s0 =	rddreg [dreg:$0x3];
	_ =	strace $0x80000047;
	s9 =	sshrl.u32 s31, $0x1  }
0x8: {  	s4 =	sadd.s32 s4, s5;
	s3 =	sadd.s32 s8, s3;
	p0 =	slt.s32 s6, $0xFFFFF68C  }
0x9: {  	s8 =	ssub.s32 s31, s9;
	s9 =	simm.s32 $0x80;
	s3 =	sadd.s32 $0xC800, s3  }
0xa: {  	s6 =	simm.s32 @!p0 $0xFFFFF68C;
	s5 =	smax.u32 s8, $0x1;
	p0 =	sne.s32 s7, $0x0  }
0xb: {  	v0 =	vimm.f32 $1.000000000e+00;
	v1 =	vimm.f32 $0.0e+00;
	s7 =	simm.s32 $0x1;
	s8 =	simm.s32 $0x2880;
	s6 =	sadd.s32 $0x9C3, s6  }
.LBB2_1:
0xc: {  	[tilespmem:$0x2800] =	vst v0  }
0xd: {  	[tilespmem:$0x2810] =	vst v0  }
0xe: {  	[tilespmem:$0x2820] =	vst v0  }
0xf: {  	[tilespmem:$0x2830] =	vst v0  }
0x10: {  	[tilespmem:$0x2840] =	vst v0  }
0x11: {  	[tilespmem:$0x2850] =	vst v0  }
0x12: {  	[tilespmem:$0x2860] =	vst v0  }
.Ltmp0:
0x13: {  	[tilespmem:$0x2870] =	vst v0;
	(pc) =	sbr.rel @p0 .LBB2_5-.Ltmp0, $4  }
0x14: {  	[tilespmem:s2], [sflag:$0x1] =	stream.linear.gather [hbm4b:s3+s2], $0x2800, $0x38;
	[tilespmem:$0x5278] =	vst v63  }
0x15: {  	_ =	swait.ge [sflag:s7], $0x2800  }
0x16: {  	[sflag:s7] =	ssyncset.done $0x0  }
0x17: {  	[sflag:s7] =	ssyncadd.s32 $0xFFFFD800  }
0x18: {  	s12 =	sshra.s32 s2, $0x2;
	s13 =	sadd.s32 $0x200, s2  }
.LBB2_3:
0x19: {  	p1 =	sne.s32 s13, $0x9A00;
	[tilespmem:s12+$0x28F0] =	vst v1  }
0x1a: {  	[tilespmem:s12+$0x2880] =	vst v1  }
0x1b: {  	[tilespmem:s12+$0x2890] =	vst v1  }
.Ltmp1:
0x1c: {  	[tilespmem:s12+$0x28A0] =	vst v1;
	(pc) =	sbr.rel @p1 .LBB2_3-.Ltmp1, $4  }
0x1d: {  	[tilespmem:s12+$0x28B0] =	vst v1  }
0x1e: {  	[tilespmem:s12+$0x28C0] =	vst v1  }
0x1f: {  	[tilespmem:s12+$0x28D0] =	vst v1  }
0x20: {  	[tilespmem:s12+$0x28E0] =	vst v1;
	s12 =	sshra.s32 s13, $0x2;
	s13 =	sadd.s32 $0x200, s13  }
0x21: {  	[tilespmem:s12+$0x28F0] =	vst v1  }
0x22: {  	[tilespmem:s12+$0x2880] =	vst v1  }
0x23: {  	[tilespmem:s12+$0x2890] =	vst v1  }
0x24: {  	[tilespmem:s12+$0x28A0] =	vst v1  }
0x25: {  	[tilespmem:s12+$0x28B0] =	vst v1  }
0x26: {  	[tilespmem:s12+$0x28C0] =	vst v1  }
0x27: {  	[tilespmem:s12+$0x28D0] =	vst v1  }
0x28: {  	[tilespmem:s12+$0x28E0] =	vst v1  }
0x29: {  	[tilespmem:$0x4F80] =	vst v1  }
0x2a: {  	[spmem:s1] =	stream.linear.scatter [tilespmem:s8], [sflag:$0x1], $0x2780, $0x38;
	[tilespmem:$0x5278] =	vst v63  }
0x2b: {  	_ =	swait.ge [sflag:s7], $0x2780  }
0x2c: {  	[sflag:s7] =	ssyncset.done $0x0  }
0x2d: {  	[sflag:s7] =	ssyncadd.s32 $0xFFFFD880  }
.LBB2_5:
0x2e: {  	p1 =	sgt.u32 s6, $0x0  }
.Ltmp2:
0x2f: {  	_ = 	snop;
	(pc) =	sbr.rel @!p1 .LBB2_7-.Ltmp2, $4  }
0x30: {  	[bflag:$0x0] =	sbarrier.arrive $0xFFFF;
	s12 =	simm.s32 $0x0  }
0x31: {  	[spmem:s1] =	stream.indirect.scatter.add.f32 [tilespmem:s10], [sflag:$0x1], $0x1, s12, s9, $0xb8;
	[tilespmem:$0x5278] =	vst v63  }
0x32: {  	_ =	swait.ge [sflag:s7], $0x80  }
0x33: {  	s13 =	simm.s32 $0x0;
	[sflag:s7] =	ssyncset.done $0x0  }
.LBB2_6:
0x34: {  	s13 =	sadd.s32 $0x1, s13  }
0x35: {  	[sflag:s7] =	ssyncadd.s32 $0xFFFFFF80;
	s12 =	sadd.s32 $0x80, s12;
	p1 =	slt.u32 s13, s6  }
.Ltmp3:
0x36: {  	(pc) =	sbr.rel @p1 .LBB2_6-.Ltmp3, $4  }
0x37: {  	_ = 	snop  }
0x38: {  	[spmem:s1] =	stream.indirect.scatter.add.f32 [tilespmem:s10], [sflag:$0x1], $0x1, s12, s9, $0xb8;
	[tilespmem:$0x5278] =	vst v63  }
0x39: {  	_ =	swait.ge [sflag:s7], $0x80  }
0x3a: {  	[sflag:s7] =	ssyncset.done $0x0  }
.LBB2_7:
0x3b: {  	[sflag:s7] =	ssyncadd.s32 $0xFFFFFF80  }
0x3c: {  	s12 =	simm.s32 @!p0 $0x2880;
	s13 =	simm.s32 @!p0 $0x1;
	[bflag:$0x0] =	sbarrier.arrive $0xFFFF  }
0x3d: {  	[tilespmem:s12], [sflag:$0x1] =	stream.linear.gather @!p0 [spmem:s1], $0x2780, $0x38;
	[tilespmem:$0x5278] =	vst v63  }
0x3e: {  	s11 =	sadd.s32 $0x1, s11;
	_ =	swait.ge @!p0 [sflag:s13], $0x2780  }
0x3f: {  	p1 =	sne.s32 s11, s5;
	[sflag:s13] =	ssyncset.done @!p0 $0x0  }
.Ltmp4:
0x40: {  	s14 =	simm.s32 @!p0 $0x0;
	[sflag:s13] =	ssyncadd.s32 @!p0 $0xFFFFD880;
	(pc) =	sbr.rel @p1 .LBB2_1-.Ltmp4, $4  }
0x41: {  	[hbm4b:s4+s14] =	stream.linear.scatter @!p0 [tilespmem:s12], [sflag:$0x1], $0x2710, $0x38;
	[tilespmem:$0x5278] =	vst v63  }
0x42: {  	_ =	swait.ge @!p0 [sflag:s13], $0x2710  }
0x43: {  	[sflag:s13] =	ssyncset.done @!p0 $0x0  }
0x44: {  	[sflag:s13] =	ssyncadd.s32 @!p0 $0xFFFFD8F0  }
0x45: {  	_ =	sfence.sel $0x180000  }
0x46: {  	[bflag:$0x0] =	sbarrier.arrive $0xFFFF  }
0x47: {  	_ =	strace $0x90000047  }
0x48: {  	s0 =	sadd.s32 @!p0 $0x100000, s0;
	[bflag:$0x2] =	sbarrier.arrive $0xFFFF  }
0x49: {  	[sflag:s0] =	ssyncadd.tile.s32 @!p0 $0x1;
	_ =	shalt  }
.Lfunc_end2:
_tile_overlayer_lowered:
.L_overlay_start_2:
0x4a: {  	(tag) =	ssettag $0x2  }
0x4b: {  	s0 =	rddreg [dreg:$0x0];
	s2 =	stileid.u32  }
0x4c: {  	s1 =	rddreg [dreg:$0x1];
	p0 =	sne.s32 s2, $0x0  }
0x4d: {  	s3 =	rddreg [dreg:$0x2];
	[bflag:$0x3] =	sbarrier.arrive $0xFFFF;
	s2 =	simm.s32 @!p0 $0x1C01  }
0x4e: {  	[timem:s3], [sflag:s2] =	dma.local @!p0 [hbm:s0], s1  }
0x4f: {  	s0 =	simm.s32 @!p0 $0x1  }
0x50: {  	_ =	swait.ge @!p0 [sflag:s0], s1  }
0x51: {  	s1 =	ssub.s32 @!p0 $0x0, s1;
	[sflag:s0] =	ssyncset.done @!p0 $0x0  }
0x52: {  	[sflag:s0] =	ssyncadd.s32 @!p0 s1  }
0x53: {  	[bflag:$0x3] =	sbarrier.arrive $0xFFFF  }
0x54: {  	_ =	shalt  }

</sc_bundles>
